<compile_context>
chip_gen: v7x
topology: tpu7x:2x2x1
jax: 0.10.2.dev20260603
libtpu: 0.0.44.dev20260713+nightly
codegen_flags: <defaults>
</compile_context>

<pallas_src>
import functools

import jax
import jax.numpy as jnp
from jax import lax
from jax.experimental import pallas as pl
from jax.experimental.pallas import tpu as pltpu
from jax.experimental.pallas import tpu_sc as plsc


@functools.cache
def _make_sc_gather(V, D, S, B, NT):
    DW = D // 2
    M = B // 2
    info = plsc.get_sparse_core_info()
    NC, NS = info.num_cores, info.num_subcores
    NW = NC * NS
    NB = NW // 2
    assert M % NB == 0 and S % 2 == 0
    MW = M // NB
    SH = S // 2
    WPT = 64 // DW
    mesh = plsc.VectorSubcoreMesh(core_axis_name="c", subcore_axis_name="s")

    @functools.partial(
        pl.kernel,
        mesh=mesh,
        compiler_params=pltpu.CompilerParams(use_tc_tiling_on_sc=False),
        out_type=jax.ShapeDtypeStruct((NT, M, 128), jnp.int32),
        scratch_types=[
            pltpu.VMEM((SH, 2, MW), jnp.int32),
            pltpu.VMEM((MW, DW), jnp.int32),
            pltpu.VMEM((MW, DW), jnp.int32),
            pltpu.VMEM((MW, DW), jnp.int32),
            pltpu.VMEM((MW, DW), jnp.int32),
            pltpu.SemaphoreType.DMA,
            pltpu.SemaphoreType.DMA,
            pltpu.SemaphoreType.DMA,
            pltpu.SemaphoreType.DMA,
            pltpu.SemaphoreType.DMA,
            pltpu.SemaphoreType.DMA,
            pltpu.SemaphoreType.DMA,
            pltpu.SemaphoreType.DMA,
        ],
    )
    def sc_gather(table_hbm, idx_hbm, out_hbm, idx_v,
                  r00, r01, r10, r11,
                  g00, g01, g10, g11, w00, w01, w10, w11):
        wid = lax.axis_index("s") * NC + lax.axis_index("c")
        bslice = wid % NB
        jhalf = wid // NB
        m0 = bslice * MW
        j_base = jhalf * SH
        pltpu.sync_copy(
            idx_hbm.at[pl.ds(j_base, SH), :, pl.ds(m0, MW)], idx_v)

        rows = [[r00, r01], [r10, r11]]
        gs = [[g00, g01], [g10, g11]]
        ws = [[w00, w01], [w10, w11]]

        def wb_slice(j, e):
            jg = j_base + j
            col = e * 64 + (jg % WPT) * DW
            return out_hbm.at[jg // WPT, pl.ds(m0, MW), pl.ds(col, DW)]

        def body(jj, carry):
            j0 = jj * 2
            for k in range(2):
                for e in range(2):
                    @pl.when(jj >= 1)
                    def _():
                        pltpu.make_async_copy(
                            rows[k][e], wb_slice(j0 + k, e), ws[k][e]).wait()
                    pltpu.make_async_copy(
                        table_hbm.at[idx_v.at[j0 + k, e]],
                        rows[k][e], gs[k][e]).start()
            for k in range(2):
                for e in range(2):
                    pltpu.make_async_copy(
                        table_hbm.at[idx_v.at[j0 + k, e]],
                        rows[k][e], gs[k][e]).wait()
                    pltpu.make_async_copy(
                        rows[k][e], wb_slice(j0 + k, e), ws[k][e]).start()
            return carry

        lax.fori_loop(0, SH // 2, body, 0)
        for k in range(2):
            for e in range(2):
                pltpu.make_async_copy(
                    rows[k][e], wb_slice(SH - 2 + k, e), ws[k][e]).wait()

    return sc_gather


@functools.cache
def _make_tc_mlp(M, NT, K, N1, N2, BM):
    def half_mlp(h_ref, wcat_ref, b1_ref, w2_ref, b2_ref, e):
        tail = (K - (NT - 1) * 128) // 2

        def slab(t, width=64):
            return pltpu.bitcast(
                h_ref[t][:, e * 64:e * 64 + width], jnp.bfloat16)

        acc2 = jnp.dot(slab(0), wcat_ref[0],
                       preferred_element_type=jnp.float32)
        for t in range(1, NT - 1):
            acc2 += jnp.dot(slab(t), wcat_ref[t],
                            preferred_element_type=jnp.float32)
        acc2 += jnp.dot(slab(NT - 1, tail), wcat_ref[NT - 1][:tail],
                        preferred_element_type=jnp.float32)
        N1 = acc2.shape[1] // 2
        acc_lo = acc2[:, :N1]
        acc_hi = acc2[:, N1:]
        acc = acc_lo + jnp.concatenate(
            [acc_hi[1:], jnp.zeros_like(acc_hi[:1])], axis=0)
        z = jnp.maximum(acc + b1_ref[...], 0.0)
        logits = jnp.dot(z, w2_ref[...],
                         preferred_element_type=jnp.float32) + b2_ref[...]
        mx = jnp.max(logits, axis=-1, keepdims=True)
        ex = jnp.exp(logits - mx)
        return ex / jnp.sum(ex, axis=-1, keepdims=True)

    def body(h_ref, wcat_ref, b1_ref, w2_ref, b2_ref, o_ref):
        oe = half_mlp(h_ref, wcat_ref, b1_ref, w2_ref, b2_ref, 0)
        oo = half_mlp(h_ref, wcat_ref, b1_ref, w2_ref, b2_ref, 1)
        o_ref[...] = jnp.concatenate([oe, oo], axis=1)

    return pl.pallas_call(
        body,
        grid=(M // BM,),
        in_specs=[
            pl.BlockSpec((NT, BM, 128), lambda i: (0, i, 0)),
            pl.BlockSpec((NT, 64, 2 * N1), lambda i: (0, 0, 0)),
            pl.BlockSpec((1, N1), lambda i: (0, 0)),
            pl.BlockSpec((N1, N2), lambda i: (0, 0)),
            pl.BlockSpec((1, N2), lambda i: (0, 0)),
        ],
        out_specs=pl.BlockSpec((2 * BM, 2 * N2), lambda i: (i, 0)),
        out_shape=jax.ShapeDtypeStruct((2 * M, 2 * N2), jnp.float32),
    )


def kernel(x, emb, W1, b1, W2, b2):
    Bx, S = x.shape
    V, D = emb.shape
    K = S * D
    N1 = W1.shape[1]
    N2 = W2.shape[1]
    NT = (K + 127) // 128

    emb_i32 = lax.bitcast_convert_type(
        emb.astype(jnp.bfloat16).reshape(V, D // 2, 2), jnp.int32)
    idx_p = jnp.transpose(
        x.astype(jnp.int32).reshape(Bx // 2, 2, S), (2, 1, 0))
    w1p = jnp.zeros((NT * 128, N1), jnp.float32).at[:K].set(W1)
    w1p = w1p.reshape(NT, 128, N1).astype(jnp.bfloat16)
    w1cat = jnp.concatenate([w1p[:, 0::2, :], w1p[:, 1::2, :]], axis=2)
    b1r, b2r = b1.reshape(1, N1), b2.reshape(1, N2)

    P = 2
    BP = Bx // P
    outs = []
    for p in range(P):
        h3 = _make_sc_gather(V, D, S, BP, NT)(
            emb_i32,
            lax.dynamic_slice_in_dim(idx_p, p * BP // 2, BP // 2, axis=2))
        o2 = _make_tc_mlp(BP // 2, NT, K, N1, N2, 512)(
            h3, w1cat, b1r, W2, b2r)
        outs.append(o2.reshape(BP // 2, 2, 2 * N2)[:, 0, :])
    return jnp.concatenate(outs, axis=0).reshape(Bx, N2)

# --- scband reference (transcript-rebuilt; emitter-appended) ---
"""Pipeline reference for scband-mlp-62861141344641 (READ-ONLY COPY).

The authoritative reference and input builder live on the scoring server;
editing this copy changes nothing except your own understanding.
"""

import jax, jax.numpy as jnp
import numpy as np


def setup_inputs(seed: int = 0) -> dict:
    key = jax.random.key(seed)
    k_x, k_emb, k_w1, k_b1, k_w2, k_b2 = jax.random.split(key, 6)
    x = jax.random.randint(k_x, (16384, 50), 0, 1000, dtype=jnp.int64) if jax.config.jax_enable_x64 else jax.random.randint(k_x, (16384, 50), 0, 1000, dtype=jnp.int32)
    emb = jax.random.normal(k_emb, (1000, 32), dtype=jnp.float32) * 0.05
    # Dense1: input dim = 50*32 = 1600, units = 256
    W1 = jax.random.normal(k_w1, (1600, 256), dtype=jnp.float32) * (1.0 / np.sqrt(1600.0))
    b1 = jnp.zeros((256,), dtype=jnp.float32)
    # Dense2: 256 -> 10
    W2 = jax.random.normal(k_w2, (256, 10), dtype=jnp.float32) * (1.0 / np.sqrt(256.0))
    b2 = jnp.zeros((10,), dtype=jnp.float32)
    return {"x": x, "emb": emb, "W1": W1, "b1": b1, "W2": W2, "b2": b2}


def reference(x, emb, W1, b1, W2, b2):
    # Embedding lookup: [B, 50] -> [B, 50, 32]
    h = jnp.take(emb, x, axis=0)
    # Dropout layers are identity at inference time
    # Flatten: [B, 50, 32] -> [B, 1600]
    h = h.reshape(h.shape[0], -1)
    # Dense 1600 -> 256, relu
    h = jax.nn.relu(jnp.dot(h, W1) + b1)
    # Dense 256 -> 10, softmax
    logits = jnp.dot(h, W2) + b2
    out = jax.nn.softmax(logits, axis=-1)
    return out

if __name__ == "__main__":
    import jax
    _d = setup_inputs()
    print(jax.jit(kernel)(*tuple(_d.values())))

</pallas_src>

<mosaic_0001>
#map = affine_map<(d0, d1) -> (0, 0)>
#map1 = affine_map<(d0, d1) -> (0, 0, 0)>
module attributes {stable_mosaic.version = 14 : i64} {
  func.func @sc_gather(%arg0: i32, %arg1: i32, %arg2: memref<1000x16xi32, #tpu.memory_space<hbm>>, %arg3: memref<50x2x4096xi32, #tpu.memory_space<hbm>>, %arg4: memref<13x4096x128xi32, #tpu.memory_space<hbm>>, %arg5: memref<25x2x256xi32, #tpu.memory_space<vmem>>, %arg6: memref<256x16xi32, #tpu.memory_space<vmem>>, %arg7: memref<256x16xi32, #tpu.memory_space<vmem>>, %arg8: memref<256x16xi32, #tpu.memory_space<vmem>>, %arg9: memref<256x16xi32, #tpu.memory_space<vmem>>, %arg10: memref<!tpu.dma_semaphore, #tpu.memory_space<semaphore_mem>>, %arg11: memref<!tpu.dma_semaphore, #tpu.memory_space<semaphore_mem>>, %arg12: memref<!tpu.dma_semaphore, #tpu.memory_space<semaphore_mem>>, %arg13: memref<!tpu.dma_semaphore, #tpu.memory_space<semaphore_mem>>, %arg14: memref<!tpu.dma_semaphore, #tpu.memory_space<semaphore_mem>>, %arg15: memref<!tpu.dma_semaphore, #tpu.memory_space<semaphore_mem>>, %arg16: memref<!tpu.dma_semaphore, #tpu.memory_space<semaphore_mem>>, %arg17: memref<!tpu.dma_semaphore, #tpu.memory_space<semaphore_mem>>) attributes {dimension_semantics = [#tpu.dimension_semantics<core_parallel>, #tpu.dimension_semantics<subcore_parallel>], iteration_bounds = array<i64: 2, 16>, scalar_prefetch = 0 : i64, scratch_operands = 13 : i64, tpu.core_type = #tpu.core_type<sc_vector_subcore>, window_params = [{transform_indices = #map}, {transform_indices = #map1}, {transform_indices = #map1}]} {
    %mul3A = arith.constant 2 : i32
    %mul3A_0 = arith.muli %arg1, %mul3A : i32
    %add3A = arith.addi %mul3A_0, %arg0 : i32
    %jit3A = arith.constant 16 : i32
    %eq3A = arith.constant 0 : i32
    %eq3A_1 = arith.cmpi eq, %jit3A, %eq3A : i32
    %jit3A_2 = arith.constant 1 : i32
    %select_n3A = arith.select %eq3A_1, %jit3A_2, %jit3A : i32
    %rem3A = arith.remsi %add3A, %select_n3A : i32
    %ne3A = arith.constant 0 : i32
    %ne3A_3 = arith.cmpi ne, %rem3A, %ne3A : i32
    %lt3A = arith.constant 0 : i32
    %lt3A_4 = arith.cmpi slt, %rem3A, %lt3A : i32
    %lt3A_5 = arith.constant 0 : i32
    %lt3A_6 = arith.cmpi slt, %select_n3A, %lt3A_5 : i32
    %ne3A_7 = arith.xori %lt3A_4, %lt3A_6 : i1
    %and3A = arith.andi %ne3A_7, %ne3A_3 : i1
    %add3A_8 = arith.addi %rem3A, %select_n3A : i32
    %select_n3A_9 = arith.select %and3A, %add3A_8, %rem3A : i32
    %jit3A_10 = arith.constant 16 : i32
    %div3A = arith.divsi %add3A, %jit3A_10 : i32
    %sign3A = arith.constant 0 : i32
    %sign3A_11 = arith.cmpi sgt, %add3A, %sign3A : i32
    %sign3A_12 = arith.extui %sign3A_11 : i1 to i32
    %sign3A_13 = arith.constant 0 : i32
    %sign3A_14 = arith.cmpi slt, %add3A, %sign3A_13 : i32
    %sign3A_15 = arith.extui %sign3A_14 : i1 to i32
    %sign3A_16 = arith.subi %sign3A_12, %sign3A_15 : i32
    %sign3A_17 = arith.constant 0 : i32
    %sign3A_18 = arith.cmpi sgt, %jit3A_10, %sign3A_17 : i32
    %sign3A_19 = arith.extui %sign3A_18 : i1 to i32
    %sign3A_20 = arith.constant 0 : i32
    %sign3A_21 = arith.cmpi slt, %jit3A_10, %sign3A_20 : i32
    %sign3A_22 = arith.extui %sign3A_21 : i1 to i32
    %sign3A_23 = arith.subi %sign3A_19, %sign3A_22 : i32
    %ne3A_24 = arith.cmpi ne, %sign3A_16, %sign3A_23 : i32
    %rem3A_25 = arith.remsi %add3A, %jit3A_10 : i32
    %ne3A_26 = arith.constant 0 : i32
    %ne3A_27 = arith.cmpi ne, %rem3A_25, %ne3A_26 : i32
    %and3A_28 = arith.andi %ne3A_24, %ne3A_27 : i1
    %sub3A = arith.constant 1 : i32
    %sub3A_29 = arith.subi %div3A, %sub3A : i32
    %select_n3A_30 = arith.select %and3A_28, %sub3A_29, %div3A : i32
    %mul3A_31 = arith.constant 256 : i32
    %mul3A_32 = arith.muli %select_n3A_9, %mul3A_31 : i32
    %mul3A_33 = arith.constant 25 : i32
    %mul3A_34 = arith.muli %select_n3A_30, %mul3A_33 : i32
    "tpu.region"() ({
      %run_scoped3A = tpu.sem_alloc : memref<!tpu.dma_semaphore, #tpu.memory_space<semaphore_mem>>
      %dma_start3A = arith.constant 0 : i32
      %dma_start3A_239 = tpu.memref_slice %arg3[%mul3A_34, %dma_start3A, %mul3A_32] : memref<50x2x4096xi32, #tpu.memory_space<hbm>> -> memref<25x2x256xi32, #tpu.memory_space<hbm>>
      %dma_start3A_240 = arith.constant 0 : i32
      %dma_start3A_241 = tpu.memref_slice %arg3[%mul3A_34, %dma_start3A_240, %mul3A_32] : memref<50x2x4096xi32, #tpu.memory_space<hbm>> -> memref<25x2x256xi32, #tpu.memory_space<hbm>>
      tpu.enqueue_dma source(%dma_start3A_241 : memref<25x2x256xi32, #tpu.memory_space<hbm>>) target(%arg5 : memref<25x2x256xi32, #tpu.memory_space<vmem>>) target_semaphore(%run_scoped3A : memref<!tpu.dma_semaphore, #tpu.memory_space<semaphore_mem>>)
      %dma_wait3A_242 = arith.constant 0 : i32
      %dma_wait3A_243 = tpu.memref_slice %arg3[%mul3A_34, %dma_wait3A_242, %mul3A_32] : memref<50x2x4096xi32, #tpu.memory_space<hbm>> -> memref<25x2x256xi32, #tpu.memory_space<hbm>>
      %dma_wait3A_244 = arith.constant 0 : i32
      %dma_wait3A_245 = tpu.memref_slice %arg3[%mul3A_34, %dma_wait3A_244, %mul3A_32] : memref<50x2x4096xi32, #tpu.memory_space<hbm>> -> memref<25x2x256xi32, #tpu.memory_space<hbm>>
      tpu.wait_dma2 semaphore(%run_scoped3A : memref<!tpu.dma_semaphore, #tpu.memory_space<semaphore_mem>>) src(%dma_wait3A_245 : memref<25x2x256xi32, #tpu.memory_space<hbm>>) dst(%arg5 : memref<25x2x256xi32, #tpu.memory_space<vmem>>)
      tpu.yield
    }) : () -> ()
    %scan3A = arith.constant 0 : i32
    %scan3A_35 = arith.constant 0 : i32
    %scan3A_36 = arith.constant 12 : i32
    %scan3A_37 = arith.addi %scan3A_35, %scan3A_36 : i32
    %scan3A_38 = arith.constant 1 : i32
    scf.for %scan3A_239 = %scan3A_35 to %scan3A_37 step %scan3A_38  : i32 {
      %mul3A_240 = arith.constant 2 : i32
      %mul3A_241 = arith.muli %scan3A_239, %mul3A_240 : i32
      %ge3A = arith.constant 1 : i32
      %ge3A_242 = arith.cmpi sge, %scan3A_239, %ge3A : i32
      %convert_element_type3A = arith.extui %ge3A_242 : i1 to i32
      %cond3A = arith.constant 0 : i32
      %cond3A_243 = arith.cmpi ne, %convert_element_type3A, %cond3A : i32
      scf.if %cond3A_243 {
        %add3A_534 = arith.constant 0 : i32
        %add3A_535 = arith.addi %mul3A_241, %add3A_534 : i32
        %add3A_536 = arith.addi %mul3A_34, %add3A_535 : i32
        %jit3A_537 = arith.constant 4 : i32
        %eq3A_538 = arith.constant 0 : i32
        %eq3A_539 = arith.cmpi eq, %jit3A_537, %eq3A_538 : i32
        %jit3A_540 = arith.constant 1 : i32
        %select_n3A_541 = arith.select %eq3A_539, %jit3A_540, %jit3A_537 : i32
        %rem3A_542 = arith.remsi %add3A_536, %select_n3A_541 : i32
        %ne3A_543 = arith.constant 0 : i32
        %ne3A_544 = arith.cmpi ne, %rem3A_542, %ne3A_543 : i32
        %lt3A_545 = arith.constant 0 : i32
        %lt3A_546 = arith.cmpi slt, %rem3A_542, %lt3A_545 : i32
        %lt3A_547 = arith.constant 0 : i32
        %lt3A_548 = arith.cmpi slt, %select_n3A_541, %lt3A_547 : i32
        %ne3A_549 = arith.xori %lt3A_546, %lt3A_548 : i1
        %and3A_550 = arith.andi %ne3A_549, %ne3A_544 : i1
        %add3A_551 = arith.addi %rem3A_542, %select_n3A_541 : i32
        %select_n3A_552 = arith.select %and3A_550, %add3A_551, %rem3A_542 : i32
        %mul3A_553 = arith.constant 16 : i32
        %mul3A_554 = arith.muli %select_n3A_552, %mul3A_553 : i32
        %add3A_555 = arith.constant 0 : i32
        %add3A_556 = arith.addi %add3A_555, %mul3A_554 : i32
        %jit3A_557 = arith.constant 4 : i32
        %div3A_558 = arith.divsi %add3A_536, %jit3A_557 : i32
        %sign3A_559 = arith.constant 0 : i32
        %sign3A_560 = arith.cmpi sgt, %add3A_536, %sign3A_559 : i32
        %sign3A_561 = arith.extui %sign3A_560 : i1 to i32
        %sign3A_562 = arith.constant 0 : i32
        %sign3A_563 = arith.cmpi slt, %add3A_536, %sign3A_562 : i32
        %sign3A_564 = arith.extui %sign3A_563 : i1 to i32
        %sign3A_565 = arith.subi %sign3A_561, %sign3A_564 : i32
        %sign3A_566 = arith.constant 0 : i32
        %sign3A_567 = arith.cmpi sgt, %jit3A_557, %sign3A_566 : i32
        %sign3A_568 = arith.extui %sign3A_567 : i1 to i32
        %sign3A_569 = arith.constant 0 : i32
        %sign3A_570 = arith.cmpi slt, %jit3A_557, %sign3A_569 : i32
        %sign3A_571 = arith.extui %sign3A_570 : i1 to i32
        %sign3A_572 = arith.subi %sign3A_568, %sign3A_571 : i32
        %ne3A_573 = arith.cmpi ne, %sign3A_565, %sign3A_572 : i32
        %rem3A_574 = arith.remsi %add3A_536, %jit3A_557 : i32
        %ne3A_575 = arith.constant 0 : i32
        %ne3A_576 = arith.cmpi ne, %rem3A_574, %ne3A_575 : i32
        %and3A_577 = arith.andi %ne3A_573, %ne3A_576 : i1
        %sub3A_578 = arith.constant 1 : i32
        %sub3A_579 = arith.subi %div3A_558, %sub3A_578 : i32
        %select_n3A_580 = arith.select %and3A_577, %sub3A_579, %div3A_558 : i32
        %dma_wait3A_581 = tpu.memref_slice %arg4[%select_n3A_580, %mul3A_32, %add3A_556] : memref<13x4096x128xi32, #tpu.memory_space<hbm>> -> memref<1x256x16xi32, #tpu.memory_space<hbm>>
        %dma_wait3A_582 = tpu.memref_squeeze %dma_wait3A_581 : memref<1x256x16xi32, #tpu.memory_space<hbm>> -> memref<256x16xi32, #tpu.memory_space<hbm>>
        %dma_wait3A_583 = tpu.memref_slice %arg4[%select_n3A_580, %mul3A_32, %add3A_556] : memref<13x4096x128xi32, #tpu.memory_space<hbm>> -> memref<1x256x16xi32, #tpu.memory_space<hbm>>
        %dma_wait3A_584 = tpu.memref_squeeze %dma_wait3A_583 : memref<1x256x16xi32, #tpu.memory_space<hbm>> -> memref<256x16xi32, #tpu.memory_space<hbm>>
        tpu.wait_dma2 semaphore(%arg14 : memref<!tpu.dma_semaphore, #tpu.memory_space<semaphore_mem>>) src(%arg6 : memref<256x16xi32, #tpu.memory_space<vmem>>) dst(%dma_wait3A_584 : memref<256x16xi32, #tpu.memory_space<hbm>>)
      } else {
      }
      %add3A_244 = arith.constant 0 : i32
      %add3A_245 = arith.addi %mul3A_241, %add3A_244 : i32
      %dma_start3A = arith.constant 0 : i32
      %dma_start3A_246 = arith.constant 0 : i32
      %dma_start3A_247 = tpu.memref_slice %arg5[%add3A_245, %dma_start3A, %dma_start3A_246] : memref<25x2x256xi32, #tpu.memory_space<vmem>> -> memref<1x1x256xi32, #tpu.memory_space<vmem>>
      %dma_start3A_248 = tpu.memref_squeeze %dma_start3A_247 : memref<1x1x256xi32, #tpu.memory_space<vmem>> -> memref<256xi32, #tpu.memory_space<vmem>>
      %dma_start3A_249 = arith.constant 0 : i32
      %dma_start3A_250 = arith.constant 0 : i32
      %dma_start3A_251 = tpu.memref_slice %arg2[%dma_start3A_249, %dma_start3A_250] : memref<1000x16xi32, #tpu.memory_space<hbm>> -> memref<1000x16xi32, #tpu.memory_space<hbm>>
      tpu.enqueue_indirect_dma source(%dma_start3A_251 : memref<1000x16xi32, #tpu.memory_space<hbm>>) target(%arg6 : memref<256x16xi32, #tpu.memory_space<vmem>>) offsets(%dma_start3A_248 : memref<256xi32, #tpu.memory_space<vmem>>) semaphore(%arg10 : memref<!tpu.dma_semaphore, #tpu.memory_space<semaphore_mem>>)
      %ge3A_252 = arith.constant 1 : i32
      %ge3A_253 = arith.cmpi sge, %scan3A_239, %ge3A_252 : i32
      %convert_element_type3A_254 = arith.extui %ge3A_253 : i1 to i32
      %cond3A_255 = arith.constant 0 : i32
      %cond3A_256 = arith.cmpi ne, %convert_element_type3A_254, %cond3A_255 : i32
      scf.if %cond3A_256 {
        %add3A_534 = arith.constant 0 : i32
        %add3A_535 = arith.addi %mul3A_241, %add3A_534 : i32
        %add3A_536 = arith.addi %mul3A_34, %add3A_535 : i32
        %jit3A_537 = arith.constant 4 : i32
        %eq3A_538 = arith.constant 0 : i32
        %eq3A_539 = arith.cmpi eq, %jit3A_537, %eq3A_538 : i32
        %jit3A_540 = arith.constant 1 : i32
        %select_n3A_541 = arith.select %eq3A_539, %jit3A_540, %jit3A_537 : i32
        %rem3A_542 = arith.remsi %add3A_536, %select_n3A_541 : i32
        %ne3A_543 = arith.constant 0 : i32
        %ne3A_544 = arith.cmpi ne, %rem3A_542, %ne3A_543 : i32
        %lt3A_545 = arith.constant 0 : i32
        %lt3A_546 = arith.cmpi slt, %rem3A_542, %lt3A_545 : i32
        %lt3A_547 = arith.constant 0 : i32
        %lt3A_548 = arith.cmpi slt, %select_n3A_541, %lt3A_547 : i32
        %ne3A_549 = arith.xori %lt3A_546, %lt3A_548 : i1
        %and3A_550 = arith.andi %ne3A_549, %ne3A_544 : i1
        %add3A_551 = arith.addi %rem3A_542, %select_n3A_541 : i32
        %select_n3A_552 = arith.select %and3A_550, %add3A_551, %rem3A_542 : i32
        %mul3A_553 = arith.constant 16 : i32
        %mul3A_554 = arith.muli %select_n3A_552, %mul3A_553 : i32
        %add3A_555 = arith.constant 64 : i32
        %add3A_556 = arith.addi %add3A_555, %mul3A_554 : i32
        %jit3A_557 = arith.constant 4 : i32
        %div3A_558 = arith.divsi %add3A_536, %jit3A_557 : i32
        %sign3A_559 = arith.constant 0 : i32
        %sign3A_560 = arith.cmpi sgt, %add3A_536, %sign3A_559 : i32
        %sign3A_561 = arith.extui %sign3A_560 : i1 to i32
        %sign3A_562 = arith.constant 0 : i32
        %sign3A_563 = arith.cmpi slt, %add3A_536, %sign3A_562 : i32
        %sign3A_564 = arith.extui %sign3A_563 : i1 to i32
        %sign3A_565 = arith.subi %sign3A_561, %sign3A_564 : i32
        %sign3A_566 = arith.constant 0 : i32
        %sign3A_567 = arith.cmpi sgt, %jit3A_557, %sign3A_566 : i32
        %sign3A_568 = arith.extui %sign3A_567 : i1 to i32
        %sign3A_569 = arith.constant 0 : i32
        %sign3A_570 = arith.cmpi slt, %jit3A_557, %sign3A_569 : i32
        %sign3A_571 = arith.extui %sign3A_570 : i1 to i32
        %sign3A_572 = arith.subi %sign3A_568, %sign3A_571 : i32
        %ne3A_573 = arith.cmpi ne, %sign3A_565, %sign3A_572 : i32
        %rem3A_574 = arith.remsi %add3A_536, %jit3A_557 : i32
        %ne3A_575 = arith.constant 0 : i32
        %ne3A_576 = arith.cmpi ne, %rem3A_574, %ne3A_575 : i32
        %and3A_577 = arith.andi %ne3A_573, %ne3A_576 : i1
        %sub3A_578 = arith.constant 1 : i32
        %sub3A_579 = arith.subi %div3A_558, %sub3A_578 : i32
        %select_n3A_580 = arith.select %and3A_577, %sub3A_579, %div3A_558 : i32
        %dma_wait3A_581 = tpu.memref_slice %arg4[%select_n3A_580, %mul3A_32, %add3A_556] : memref<13x4096x128xi32, #tpu.memory_space<hbm>> -> memref<1x256x16xi32, #tpu.memory_space<hbm>>
        %dma_wait3A_582 = tpu.memref_squeeze %dma_wait3A_581 : memref<1x256x16xi32, #tpu.memory_space<hbm>> -> memref<256x16xi32, #tpu.memory_space<hbm>>
        %dma_wait3A_583 = tpu.memref_slice %arg4[%select_n3A_580, %mul3A_32, %add3A_556] : memref<13x4096x128xi32, #tpu.memory_space<hbm>> -> memref<1x256x16xi32, #tpu.memory_space<hbm>>
        %dma_wait3A_584 = tpu.memref_squeeze %dma_wait3A_583 : memref<1x256x16xi32, #tpu.memory_space<hbm>> -> memref<256x16xi32, #tpu.memory_space<hbm>>
        tpu.wait_dma2 semaphore(%arg15 : memref<!tpu.dma_semaphore, #tpu.memory_space<semaphore_mem>>) src(%arg7 : memref<256x16xi32, #tpu.memory_space<vmem>>) dst(%dma_wait3A_584 : memref<256x16xi32, #tpu.memory_space<hbm>>)
      } else {
      }
      %add3A_257 = arith.constant 0 : i32
      %add3A_258 = arith.addi %mul3A_241, %add3A_257 : i32
      %dma_start3A_259 = arith.constant 1 : i32
      %dma_start3A_260 = arith.constant 0 : i32
      %dma_start3A_261 = tpu.memref_slice %arg5[%add3A_258, %dma_start3A_259, %dma_start3A_260] : memref<25x2x256xi32, #tpu.memory_space<vmem>> -> memref<1x1x256xi32, #tpu.memory_space<vmem>>
      %dma_start3A_262 = tpu.memref_squeeze %dma_start3A_261 : memref<1x1x256xi32, #tpu.memory_space<vmem>> -> memref<256xi32, #tpu.memory_space<vmem>>
      %dma_start3A_263 = arith.constant 0 : i32
      %dma_start3A_264 = arith.constant 0 : i32
      %dma_start3A_265 = tpu.memref_slice %arg2[%dma_start3A_263, %dma_start3A_264] : memref<1000x16xi32, #tpu.memory_space<hbm>> -> memref<1000x16xi32, #tpu.memory_space<hbm>>
      tpu.enqueue_indirect_dma source(%dma_start3A_265 : memref<1000x16xi32, #tpu.memory_space<hbm>>) target(%arg7 : memref<256x16xi32, #tpu.memory_space<vmem>>) offsets(%dma_start3A_262 : memref<256xi32, #tpu.memory_space<vmem>>) semaphore(%arg11 : memref<!tpu.dma_semaphore, #tpu.memory_space<semaphore_mem>>)
      %ge3A_266 = arith.constant 1 : i32
      %ge3A_267 = arith.cmpi sge, %scan3A_239, %ge3A_266 : i32
      %convert_element_type3A_268 = arith.extui %ge3A_267 : i1 to i32
      %cond3A_269 = arith.constant 0 : i32
      %cond3A_270 = arith.cmpi ne, %convert_element_type3A_268, %cond3A_269 : i32
      scf.if %cond3A_270 {
        %add3A_534 = arith.constant 1 : i32
        %add3A_535 = arith.addi %mul3A_241, %add3A_534 : i32
        %add3A_536 = arith.addi %mul3A_34, %add3A_535 : i32
        %jit3A_537 = arith.constant 4 : i32
        %eq3A_538 = arith.constant 0 : i32
        %eq3A_539 = arith.cmpi eq, %jit3A_537, %eq3A_538 : i32
        %jit3A_540 = arith.constant 1 : i32
        %select_n3A_541 = arith.select %eq3A_539, %jit3A_540, %jit3A_537 : i32
        %rem3A_542 = arith.remsi %add3A_536, %select_n3A_541 : i32
        %ne3A_543 = arith.constant 0 : i32
        %ne3A_544 = arith.cmpi ne, %rem3A_542, %ne3A_543 : i32
        %lt3A_545 = arith.constant 0 : i32
        %lt3A_546 = arith.cmpi slt, %rem3A_542, %lt3A_545 : i32
        %lt3A_547 = arith.constant 0 : i32
        %lt3A_548 = arith.cmpi slt, %select_n3A_541, %lt3A_547 : i32
        %ne3A_549 = arith.xori %lt3A_546, %lt3A_548 : i1
        %and3A_550 = arith.andi %ne3A_549, %ne3A_544 : i1
        %add3A_551 = arith.addi %rem3A_542, %select_n3A_541 : i32
        %select_n3A_552 = arith.select %and3A_550, %add3A_551, %rem3A_542 : i32
        %mul3A_553 = arith.constant 16 : i32
        %mul3A_554 = arith.muli %select_n3A_552, %mul3A_553 : i32
        %add3A_555 = arith.constant 0 : i32
        %add3A_556 = arith.addi %add3A_555, %mul3A_554 : i32
        %jit3A_557 = arith.constant 4 : i32
        %div3A_558 = arith.divsi %add3A_536, %jit3A_557 : i32
        %sign3A_559 = arith.constant 0 : i32
        %sign3A_560 = arith.cmpi sgt, %add3A_536, %sign3A_559 : i32
        %sign3A_561 = arith.extui %sign3A_560 : i1 to i32
        %sign3A_562 = arith.constant 0 : i32
        %sign3A_563 = arith.cmpi slt, %add3A_536, %sign3A_562 : i32
        %sign3A_564 = arith.extui %sign3A_563 : i1 to i32
        %sign3A_565 = arith.subi %sign3A_561, %sign3A_564 : i32
        %sign3A_566 = arith.constant 0 : i32
        %sign3A_567 = arith.cmpi sgt, %jit3A_557, %sign3A_566 : i32
        %sign3A_568 = arith.extui %sign3A_567 : i1 to i32
        %sign3A_569 = arith.constant 0 : i32
        %sign3A_570 = arith.cmpi slt, %jit3A_557, %sign3A_569 : i32
        %sign3A_571 = arith.extui %sign3A_570 : i1 to i32
        %sign3A_572 = arith.subi %sign3A_568, %sign3A_571 : i32
        %ne3A_573 = arith.cmpi ne, %sign3A_565, %sign3A_572 : i32
        %rem3A_574 = arith.remsi %add3A_536, %jit3A_557 : i32
        %ne3A_575 = arith.constant 0 : i32
        %ne3A_576 = arith.cmpi ne, %rem3A_574, %ne3A_575 : i32
        %and3A_577 = arith.andi %ne3A_573, %ne3A_576 : i1
        %sub3A_578 = arith.constant 1 : i32
        %sub3A_579 = arith.subi %div3A_558, %sub3A_578 : i32
        %select_n3A_580 = arith.select %and3A_577, %sub3A_579, %div3A_558 : i32
        %dma_wait3A_581 = tpu.memref_slice %arg4[%select_n3A_580, %mul3A_32, %add3A_556] : memref<13x4096x128xi32, #tpu.memory_space<hbm>> -> memref<1x256x16xi32, #tpu.memory_space<hbm>>
        %dma_wait3A_582 = tpu.memref_squeeze %dma_wait3A_581 : memref<1x256x16xi32, #tpu.memory_space<hbm>> -> memref<256x16xi32, #tpu.memory_space<hbm>>
        %dma_wait3A_583 = tpu.memref_slice %arg4[%select_n3A_580, %mul3A_32, %add3A_556] : memref<13x4096x128xi32, #tpu.memory_space<hbm>> -> memref<1x256x16xi32, #tpu.memory_space<hbm>>
        %dma_wait3A_584 = tpu.memref_squeeze %dma_wait3A_583 : memref<1x256x16xi32, #tpu.memory_space<hbm>> -> memref<256x16xi32, #tpu.memory_space<hbm>>
        tpu.wait_dma2 semaphore(%arg16 : memref<!tpu.dma_semaphore, #tpu.memory_space<semaphore_mem>>) src(%arg8 : memref<256x16xi32, #tpu.memory_space<vmem>>) dst(%dma_wait3A_584 : memref<256x16xi32, #tpu.memory_space<hbm>>)
      } else {
      }
      %add3A_271 = arith.constant 1 : i32
      %add3A_272 = arith.addi %mul3A_241, %add3A_271 : i32
      %dma_start3A_273 = arith.constant 0 : i32
      %dma_start3A_274 = arith.constant 0 : i32
      %dma_start3A_275 = tpu.memref_slice %arg5[%add3A_272, %dma_start3A_273, %dma_start3A_274] : memref<25x2x256xi32, #tpu.memory_space<vmem>> -> memref<1x1x256xi32, #tpu.memory_space<vmem>>
      %dma_start3A_276 = tpu.memref_squeeze %dma_start3A_275 : memref<1x1x256xi32, #tpu.memory_space<vmem>> -> memref<256xi32, #tpu.memory_space<vmem>>
      %dma_start3A_277 = arith.constant 0 : i32
      %dma_start3A_278 = arith.constant 0 : i32
      %dma_start3A_279 = tpu.memref_slice %arg2[%dma_start3A_277, %dma_start3A_278] : memref<1000x16xi32, #tpu.memory_space<hbm>> -> memref<1000x16xi32, #tpu.memory_space<hbm>>
      tpu.enqueue_indirect_dma source(%dma_start3A_279 : memref<1000x16xi32, #tpu.memory_space<hbm>>) target(%arg8 : memref<256x16xi32, #tpu.memory_space<vmem>>) offsets(%dma_start3A_276 : memref<256xi32, #tpu.memory_space<vmem>>) semaphore(%arg12 : memref<!tpu.dma_semaphore, #tpu.memory_space<semaphore_mem>>)
      %ge3A_280 = arith.constant 1 : i32
      %ge3A_281 = arith.cmpi sge, %scan3A_239, %ge3A_280 : i32
      %convert_element_type3A_282 = arith.extui %ge3A_281 : i1 to i32
      %cond3A_283 = arith.constant 0 : i32
      %cond3A_284 = arith.cmpi ne, %convert_element_type3A_282, %cond3A_283 : i32
      scf.if %cond3A_284 {
        %add3A_534 = arith.constant 1 : i32
        %add3A_535 = arith.addi %mul3A_241, %add3A_534 : i32
        %add3A_536 = arith.addi %mul3A_34, %add3A_535 : i32
        %jit3A_537 = arith.constant 4 : i32
        %eq3A_538 = arith.constant 0 : i32
        %eq3A_539 = arith.cmpi eq, %jit3A_537, %eq3A_538 : i32
        %jit3A_540 = arith.constant 1 : i32
        %select_n3A_541 = arith.select %eq3A_539, %jit3A_540, %jit3A_537 : i32
        %rem3A_542 = arith.remsi %add3A_536, %select_n3A_541 : i32
        %ne3A_543 = arith.constant 0 : i32
        %ne3A_544 = arith.cmpi ne, %rem3A_542, %ne3A_543 : i32
        %lt3A_545 = arith.constant 0 : i32
        %lt3A_546 = arith.cmpi slt, %rem3A_542, %lt3A_545 : i32
        %lt3A_547 = arith.constant 0 : i32
        %lt3A_548 = arith.cmpi slt, %select_n3A_541, %lt3A_547 : i32
        %ne3A_549 = arith.xori %lt3A_546, %lt3A_548 : i1
        %and3A_550 = arith.andi %ne3A_549, %ne3A_544 : i1
        %add3A_551 = arith.addi %rem3A_542, %select_n3A_541 : i32
        %select_n3A_552 = arith.select %and3A_550, %add3A_551, %rem3A_542 : i32
        %mul3A_553 = arith.constant 16 : i32
        %mul3A_554 = arith.muli %select_n3A_552, %mul3A_553 : i32
        %add3A_555 = arith.constant 64 : i32
        %add3A_556 = arith.addi %add3A_555, %mul3A_554 : i32
        %jit3A_557 = arith.constant 4 : i32
        %div3A_558 = arith.divsi %add3A_536, %jit3A_557 : i32
        %sign3A_559 = arith.constant 0 : i32
        %sign3A_560 = arith.cmpi sgt, %add3A_536, %sign3A_559 : i32
        %sign3A_561 = arith.extui %sign3A_560 : i1 to i32
        %sign3A_562 = arith.constant 0 : i32
        %sign3A_563 = arith.cmpi slt, %add3A_536, %sign3A_562 : i32
        %sign3A_564 = arith.extui %sign3A_563 : i1 to i32
        %sign3A_565 = arith.subi %sign3A_561, %sign3A_564 : i32
        %sign3A_566 = arith.constant 0 : i32
        %sign3A_567 = arith.cmpi sgt, %jit3A_557, %sign3A_566 : i32
        %sign3A_568 = arith.extui %sign3A_567 : i1 to i32
        %sign3A_569 = arith.constant 0 : i32
        %sign3A_570 = arith.cmpi slt, %jit3A_557, %sign3A_569 : i32
        %sign3A_571 = arith.extui %sign3A_570 : i1 to i32
        %sign3A_572 = arith.subi %sign3A_568, %sign3A_571 : i32
        %ne3A_573 = arith.cmpi ne, %sign3A_565, %sign3A_572 : i32
        %rem3A_574 = arith.remsi %add3A_536, %jit3A_557 : i32
        %ne3A_575 = arith.constant 0 : i32
        %ne3A_576 = arith.cmpi ne, %rem3A_574, %ne3A_575 : i32
        %and3A_577 = arith.andi %ne3A_573, %ne3A_576 : i1
        %sub3A_578 = arith.constant 1 : i32
        %sub3A_579 = arith.subi %div3A_558, %sub3A_578 : i32
        %select_n3A_580 = arith.select %and3A_577, %sub3A_579, %div3A_558 : i32
        %dma_wait3A_581 = tpu.memref_slice %arg4[%select_n3A_580, %mul3A_32, %add3A_556] : memref<13x4096x128xi32, #tpu.memory_space<hbm>> -> memref<1x256x16xi32, #tpu.memory_space<hbm>>
        %dma_wait3A_582 = tpu.memref_squeeze %dma_wait3A_581 : memref<1x256x16xi32, #tpu.memory_space<hbm>> -> memref<256x16xi32, #tpu.memory_space<hbm>>
        %dma_wait3A_583 = tpu.memref_slice %arg4[%select_n3A_580, %mul3A_32, %add3A_556] : memref<13x4096x128xi32, #tpu.memory_space<hbm>> -> memref<1x256x16xi32, #tpu.memory_space<hbm>>
        %dma_wait3A_584 = tpu.memref_squeeze %dma_wait3A_583 : memref<1x256x16xi32, #tpu.memory_space<hbm>> -> memref<256x16xi32, #tpu.memory_space<hbm>>
        tpu.wait_dma2 semaphore(%arg17 : memref<!tpu.dma_semaphore, #tpu.memory_space<semaphore_mem>>) src(%arg9 : memref<256x16xi32, #tpu.memory_space<vmem>>) dst(%dma_wait3A_584 : memref<256x16xi32, #tpu.memory_space<hbm>>)
      } else {
      }
      %add3A_285 = arith.constant 1 : i32
      %add3A_286 = arith.addi %mul3A_241, %add3A_285 : i32
      %dma_start3A_287 = arith.constant 1 : i32
      %dma_start3A_288 = arith.constant 0 : i32
      %dma_start3A_289 = tpu.memref_slice %arg5[%add3A_286, %dma_start3A_287, %dma_start3A_288] : memref<25x2x256xi32, #tpu.memory_space<vmem>> -> memref<1x1x256xi32, #tpu.memory_space<vmem>>
      %dma_start3A_290 = tpu.memref_squeeze %dma_start3A_289 : memref<1x1x256xi32, #tpu.memory_space<vmem>> -> memref<256xi32, #tpu.memory_space<vmem>>
      %dma_start3A_291 = arith.constant 0 : i32
      %dma_start3A_292 = arith.constant 0 : i32
      %dma_start3A_293 = tpu.memref_slice %arg2[%dma_start3A_291, %dma_start3A_292] : memref<1000x16xi32, #tpu.memory_space<hbm>> -> memref<1000x16xi32, #tpu.memory_space<hbm>>
      tpu.enqueue_indirect_dma source(%dma_start3A_293 : memref<1000x16xi32, #tpu.memory_space<hbm>>) target(%arg9 : memref<256x16xi32, #tpu.memory_space<vmem>>) offsets(%dma_start3A_290 : memref<256xi32, #tpu.memory_space<vmem>>) semaphore(%arg13 : memref<!tpu.dma_semaphore, #tpu.memory_space<semaphore_mem>>)
      %add3A_294 = arith.constant 0 : i32
      %add3A_295 = arith.addi %mul3A_241, %add3A_294 : i32
      %dma_wait3A_296 = arith.constant 0 : i32
      %dma_wait3A_297 = arith.constant 0 : i32
      %dma_wait3A_298 = tpu.memref_slice %arg5[%add3A_295, %dma_wait3A_296, %dma_wait3A_297] : memref<25x2x256xi32, #tpu.memory_space<vmem>> -> memref<1x1x256xi32, #tpu.memory_space<vmem>>
      %dma_wait3A_299 = tpu.memref_squeeze %dma_wait3A_298 : memref<1x1x256xi32, #tpu.memory_space<vmem>> -> memref<256xi32, #tpu.memory_space<vmem>>
      %dma_wait3A_300 = arith.constant 0 : i32
      %dma_wait3A_301 = arith.constant 0 : i32
      %dma_wait3A_302 = tpu.memref_slice %arg2[%dma_wait3A_300, %dma_wait3A_301] : memref<1000x16xi32, #tpu.memory_space<hbm>> -> memref<1000x16xi32, #tpu.memory_space<hbm>>
      tpu.wait_indirect_dma semaphore(%arg10 : memref<!tpu.dma_semaphore, #tpu.memory_space<semaphore_mem>>) src(%dma_wait3A_302 : memref<1000x16xi32, #tpu.memory_space<hbm>>) dst(%arg6 : memref<256x16xi32, #tpu.memory_space<vmem>>)
      %add3A_303 = arith.constant 0 : i32
      %add3A_304 = arith.addi %mul3A_241, %add3A_303 : i32
      %add3A_305 = arith.addi %mul3A_34, %add3A_304 : i32
      %jit3A_306 = arith.constant 4 : i32
      %eq3A_307 = arith.constant 0 : i32
      %eq3A_308 = arith.cmpi eq, %jit3A_306, %eq3A_307 : i32
      %jit3A_309 = arith.constant 1 : i32
      %select_n3A_310 = arith.select %eq3A_308, %jit3A_309, %jit3A_306 : i32
      %rem3A_311 = arith.remsi %add3A_305, %select_n3A_310 : i32
      %ne3A_312 = arith.constant 0 : i32
      %ne3A_313 = arith.cmpi ne, %rem3A_311, %ne3A_312 : i32
      %lt3A_314 = arith.constant 0 : i32
      %lt3A_315 = arith.cmpi slt, %rem3A_311, %lt3A_314 : i32
      %lt3A_316 = arith.constant 0 : i32
      %lt3A_317 = arith.cmpi slt, %select_n3A_310, %lt3A_316 : i32
      %ne3A_318 = arith.xori %lt3A_315, %lt3A_317 : i1
      %and3A_319 = arith.andi %ne3A_318, %ne3A_313 : i1
      %add3A_320 = arith.addi %rem3A_311, %select_n3A_310 : i32
      %select_n3A_321 = arith.select %and3A_319, %add3A_320, %rem3A_311 : i32
      %mul3A_322 = arith.constant 16 : i32
      %mul3A_323 = arith.muli %select_n3A_321, %mul3A_322 : i32
      %add3A_324 = arith.constant 0 : i32
      %add3A_325 = arith.addi %add3A_324, %mul3A_323 : i32
      %jit3A_326 = arith.constant 4 : i32
      %div3A_327 = arith.divsi %add3A_305, %jit3A_326 : i32
      %sign3A_328 = arith.constant 0 : i32
      %sign3A_329 = arith.cmpi sgt, %add3A_305, %sign3A_328 : i32
      %sign3A_330 = arith.extui %sign3A_329 : i1 to i32
      %sign3A_331 = arith.constant 0 : i32
      %sign3A_332 = arith.cmpi slt, %add3A_305, %sign3A_331 : i32
      %sign3A_333 = arith.extui %sign3A_332 : i1 to i32
      %sign3A_334 = arith.subi %sign3A_330, %sign3A_333 : i32
      %sign3A_335 = arith.constant 0 : i32
      %sign3A_336 = arith.cmpi sgt, %jit3A_326, %sign3A_335 : i32
      %sign3A_337 = arith.extui %sign3A_336 : i1 to i32
      %sign3A_338 = arith.constant 0 : i32
      %sign3A_339 = arith.cmpi slt, %jit3A_326, %sign3A_338 : i32
      %sign3A_340 = arith.extui %sign3A_339 : i1 to i32
      %sign3A_341 = arith.subi %sign3A_337, %sign3A_340 : i32
      %ne3A_342 = arith.cmpi ne, %sign3A_334, %sign3A_341 : i32
      %rem3A_343 = arith.remsi %add3A_305, %jit3A_326 : i32
      %ne3A_344 = arith.constant 0 : i32
      %ne3A_345 = arith.cmpi ne, %rem3A_343, %ne3A_344 : i32
      %and3A_346 = arith.andi %ne3A_342, %ne3A_345 : i1
      %sub3A_347 = arith.constant 1 : i32
      %sub3A_348 = arith.subi %div3A_327, %sub3A_347 : i32
      %select_n3A_349 = arith.select %and3A_346, %sub3A_348, %div3A_327 : i32
      %dma_start3A_350 = tpu.memref_slice %arg4[%select_n3A_349, %mul3A_32, %add3A_325] : memref<13x4096x128xi32, #tpu.memory_space<hbm>> -> memref<1x256x16xi32, #tpu.memory_space<hbm>>
      %dma_start3A_351 = tpu.memref_squeeze %dma_start3A_350 : memref<1x256x16xi32, #tpu.memory_space<hbm>> -> memref<256x16xi32, #tpu.memory_space<hbm>>
      %dma_start3A_352 = tpu.memref_slice %arg4[%select_n3A_349, %mul3A_32, %add3A_325] : memref<13x4096x128xi32, #tpu.memory_space<hbm>> -> memref<1x256x16xi32, #tpu.memory_space<hbm>>
      %dma_start3A_353 = tpu.memref_squeeze %dma_start3A_352 : memref<1x256x16xi32, #tpu.memory_space<hbm>> -> memref<256x16xi32, #tpu.memory_space<hbm>>
      tpu.enqueue_dma source(%arg6 : memref<256x16xi32, #tpu.memory_space<vmem>>) target(%dma_start3A_353 : memref<256x16xi32, #tpu.memory_space<hbm>>) target_semaphore(%arg14 : memref<!tpu.dma_semaphore, #tpu.memory_space<semaphore_mem>>)
      %add3A_354 = arith.constant 0 : i32
      %add3A_355 = arith.addi %mul3A_241, %add3A_354 : i32
      %dma_wait3A_356 = arith.constant 1 : i32
      %dma_wait3A_357 = arith.constant 0 : i32
      %dma_wait3A_358 = tpu.memref_slice %arg5[%add3A_355, %dma_wait3A_356, %dma_wait3A_357] : memref<25x2x256xi32, #tpu.memory_space<vmem>> -> memref<1x1x256xi32, #tpu.memory_space<vmem>>
      %dma_wait3A_359 = tpu.memref_squeeze %dma_wait3A_358 : memref<1x1x256xi32, #tpu.memory_space<vmem>> -> memref<256xi32, #tpu.memory_space<vmem>>
      %dma_wait3A_360 = arith.constant 0 : i32
      %dma_wait3A_361 = arith.constant 0 : i32
      %dma_wait3A_362 = tpu.memref_slice %arg2[%dma_wait3A_360, %dma_wait3A_361] : memref<1000x16xi32, #tpu.memory_space<hbm>> -> memref<1000x16xi32, #tpu.memory_space<hbm>>
      tpu.wait_indirect_dma semaphore(%arg11 : memref<!tpu.dma_semaphore, #tpu.memory_space<semaphore_mem>>) src(%dma_wait3A_362 : memref<1000x16xi32, #tpu.memory_space<hbm>>) dst(%arg7 : memref<256x16xi32, #tpu.memory_space<vmem>>)
      %add3A_363 = arith.constant 0 : i32
      %add3A_364 = arith.addi %mul3A_241, %add3A_363 : i32
      %add3A_365 = arith.addi %mul3A_34, %add3A_364 : i32
      %jit3A_366 = arith.constant 4 : i32
      %eq3A_367 = arith.constant 0 : i32
      %eq3A_368 = arith.cmpi eq, %jit3A_366, %eq3A_367 : i32
      %jit3A_369 = arith.constant 1 : i32
      %select_n3A_370 = arith.select %eq3A_368, %jit3A_369, %jit3A_366 : i32
      %rem3A_371 = arith.remsi %add3A_365, %select_n3A_370 : i32
      %ne3A_372 = arith.constant 0 : i32
      %ne3A_373 = arith.cmpi ne, %rem3A_371, %ne3A_372 : i32
      %lt3A_374 = arith.constant 0 : i32
      %lt3A_375 = arith.cmpi slt, %rem3A_371, %lt3A_374 : i32
      %lt3A_376 = arith.constant 0 : i32
      %lt3A_377 = arith.cmpi slt, %select_n3A_370, %lt3A_376 : i32
      %ne3A_378 = arith.xori %lt3A_375, %lt3A_377 : i1
      %and3A_379 = arith.andi %ne3A_378, %ne3A_373 : i1
      %add3A_380 = arith.addi %rem3A_371, %select_n3A_370 : i32
      %select_n3A_381 = arith.select %and3A_379, %add3A_380, %rem3A_371 : i32
      %mul3A_382 = arith.constant 16 : i32
      %mul3A_383 = arith.muli %select_n3A_381, %mul3A_382 : i32
      %add3A_384 = arith.constant 64 : i32
      %add3A_385 = arith.addi %add3A_384, %mul3A_383 : i32
      %jit3A_386 = arith.constant 4 : i32
      %div3A_387 = arith.divsi %add3A_365, %jit3A_386 : i32
      %sign3A_388 = arith.constant 0 : i32
      %sign3A_389 = arith.cmpi sgt, %add3A_365, %sign3A_388 : i32
      %sign3A_390 = arith.extui %sign3A_389 : i1 to i32
      %sign3A_391 = arith.constant 0 : i32
      %sign3A_392 = arith.cmpi slt, %add3A_365, %sign3A_391 : i32
      %sign3A_393 = arith.extui %sign3A_392 : i1 to i32
      %sign3A_394 = arith.subi %sign3A_390, %sign3A_393 : i32
      %sign3A_395 = arith.constant 0 : i32
      %sign3A_396 = arith.cmpi sgt, %jit3A_386, %sign3A_395 : i32
      %sign3A_397 = arith.extui %sign3A_396 : i1 to i32
      %sign3A_398 = arith.constant 0 : i32
      %sign3A_399 = arith.cmpi slt, %jit3A_386, %sign3A_398 : i32
      %sign3A_400 = arith.extui %sign3A_399 : i1 to i32
      %sign3A_401 = arith.subi %sign3A_397, %sign3A_400 : i32
      %ne3A_402 = arith.cmpi ne, %sign3A_394, %sign3A_401 : i32
      %rem3A_403 = arith.remsi %add3A_365, %jit3A_386 : i32
      %ne3A_404 = arith.constant 0 : i32
      %ne3A_405 = arith.cmpi ne, %rem3A_403, %ne3A_404 : i32
      %and3A_406 = arith.andi %ne3A_402, %ne3A_405 : i1
      %sub3A_407 = arith.constant 1 : i32
      %sub3A_408 = arith.subi %div3A_387, %sub3A_407 : i32
      %select_n3A_409 = arith.select %and3A_406, %sub3A_408, %div3A_387 : i32
      %dma_start3A_410 = tpu.memref_slice %arg4[%select_n3A_409, %mul3A_32, %add3A_385] : memref<13x4096x128xi32, #tpu.memory_space<hbm>> -> memref<1x256x16xi32, #tpu.memory_space<hbm>>
      %dma_start3A_411 = tpu.memref_squeeze %dma_start3A_410 : memref<1x256x16xi32, #tpu.memory_space<hbm>> -> memref<256x16xi32, #tpu.memory_space<hbm>>
      %dma_start3A_412 = tpu.memref_slice %arg4[%select_n3A_409, %mul3A_32, %add3A_385] : memref<13x4096x128xi32, #tpu.memory_space<hbm>> -> memref<1x256x16xi32, #tpu.memory_space<hbm>>
      %dma_start3A_413 = tpu.memref_squeeze %dma_start3A_412 : memref<1x256x16xi32, #tpu.memory_space<hbm>> -> memref<256x16xi32, #tpu.memory_space<hbm>>
      tpu.enqueue_dma source(%arg7 : memref<256x16xi32, #tpu.memory_space<vmem>>) target(%dma_start3A_413 : memref<256x16xi32, #tpu.memory_space<hbm>>) target_semaphore(%arg15 : memref<!tpu.dma_semaphore, #tpu.memory_space<semaphore_mem>>)
      %add3A_414 = arith.constant 1 : i32
      %add3A_415 = arith.addi %mul3A_241, %add3A_414 : i32
      %dma_wait3A_416 = arith.constant 0 : i32
      %dma_wait3A_417 = arith.constant 0 : i32
      %dma_wait3A_418 = tpu.memref_slice %arg5[%add3A_415, %dma_wait3A_416, %dma_wait3A_417] : memref<25x2x256xi32, #tpu.memory_space<vmem>> -> memref<1x1x256xi32, #tpu.memory_space<vmem>>
      %dma_wait3A_419 = tpu.memref_squeeze %dma_wait3A_418 : memref<1x1x256xi32, #tpu.memory_space<vmem>> -> memref<256xi32, #tpu.memory_space<vmem>>
      %dma_wait3A_420 = arith.constant 0 : i32
      %dma_wait3A_421 = arith.constant 0 : i32
      %dma_wait3A_422 = tpu.memref_slice %arg2[%dma_wait3A_420, %dma_wait3A_421] : memref<1000x16xi32, #tpu.memory_space<hbm>> -> memref<1000x16xi32, #tpu.memory_space<hbm>>
      tpu.wait_indirect_dma semaphore(%arg12 : memref<!tpu.dma_semaphore, #tpu.memory_space<semaphore_mem>>) src(%dma_wait3A_422 : memref<1000x16xi32, #tpu.memory_space<hbm>>) dst(%arg8 : memref<256x16xi32, #tpu.memory_space<vmem>>)
      %add3A_423 = arith.constant 1 : i32
      %add3A_424 = arith.addi %mul3A_241, %add3A_423 : i32
      %add3A_425 = arith.addi %mul3A_34, %add3A_424 : i32
      %jit3A_426 = arith.constant 4 : i32
      %eq3A_427 = arith.constant 0 : i32
      %eq3A_428 = arith.cmpi eq, %jit3A_426, %eq3A_427 : i32
      %jit3A_429 = arith.constant 1 : i32
      %select_n3A_430 = arith.select %eq3A_428, %jit3A_429, %jit3A_426 : i32
      %rem3A_431 = arith.remsi %add3A_425, %select_n3A_430 : i32
      %ne3A_432 = arith.constant 0 : i32
      %ne3A_433 = arith.cmpi ne, %rem3A_431, %ne3A_432 : i32
      %lt3A_434 = arith.constant 0 : i32
      %lt3A_435 = arith.cmpi slt, %rem3A_431, %lt3A_434 : i32
      %lt3A_436 = arith.constant 0 : i32
      %lt3A_437 = arith.cmpi slt, %select_n3A_430, %lt3A_436 : i32
      %ne3A_438 = arith.xori %lt3A_435, %lt3A_437 : i1
      %and3A_439 = arith.andi %ne3A_438, %ne3A_433 : i1
      %add3A_440 = arith.addi %rem3A_431, %select_n3A_430 : i32
      %select_n3A_441 = arith.select %and3A_439, %add3A_440, %rem3A_431 : i32
      %mul3A_442 = arith.constant 16 : i32
      %mul3A_443 = arith.muli %select_n3A_441, %mul3A_442 : i32
      %add3A_444 = arith.constant 0 : i32
      %add3A_445 = arith.addi %add3A_444, %mul3A_443 : i32
      %jit3A_446 = arith.constant 4 : i32
      %div3A_447 = arith.divsi %add3A_425, %jit3A_446 : i32
      %sign3A_448 = arith.constant 0 : i32
      %sign3A_449 = arith.cmpi sgt, %add3A_425, %sign3A_448 : i32
      %sign3A_450 = arith.extui %sign3A_449 : i1 to i32
      %sign3A_451 = arith.constant 0 : i32
      %sign3A_452 = arith.cmpi slt, %add3A_425, %sign3A_451 : i32
      %sign3A_453 = arith.extui %sign3A_452 : i1 to i32
      %sign3A_454 = arith.subi %sign3A_450, %sign3A_453 : i32
      %sign3A_455 = arith.constant 0 : i32
      %sign3A_456 = arith.cmpi sgt, %jit3A_446, %sign3A_455 : i32
      %sign3A_457 = arith.extui %sign3A_456 : i1 to i32
      %sign3A_458 = arith.constant 0 : i32
      %sign3A_459 = arith.cmpi slt, %jit3A_446, %sign3A_458 : i32
      %sign3A_460 = arith.extui %sign3A_459 : i1 to i32
      %sign3A_461 = arith.subi %sign3A_457, %sign3A_460 : i32
      %ne3A_462 = arith.cmpi ne, %sign3A_454, %sign3A_461 : i32
      %rem3A_463 = arith.remsi %add3A_425, %jit3A_446 : i32
      %ne3A_464 = arith.constant 0 : i32
      %ne3A_465 = arith.cmpi ne, %rem3A_463, %ne3A_464 : i32
      %and3A_466 = arith.andi %ne3A_462, %ne3A_465 : i1
      %sub3A_467 = arith.constant 1 : i32
      %sub3A_468 = arith.subi %div3A_447, %sub3A_467 : i32
      %select_n3A_469 = arith.select %and3A_466, %sub3A_468, %div3A_447 : i32
      %dma_start3A_470 = tpu.memref_slice %arg4[%select_n3A_469, %mul3A_32, %add3A_445] : memref<13x4096x128xi32, #tpu.memory_space<hbm>> -> memref<1x256x16xi32, #tpu.memory_space<hbm>>
      %dma_start3A_471 = tpu.memref_squeeze %dma_start3A_470 : memref<1x256x16xi32, #tpu.memory_space<hbm>> -> memref<256x16xi32, #tpu.memory_space<hbm>>
      %dma_start3A_472 = tpu.memref_slice %arg4[%select_n3A_469, %mul3A_32, %add3A_445] : memref<13x4096x128xi32, #tpu.memory_space<hbm>> -> memref<1x256x16xi32, #tpu.memory_space<hbm>>
      %dma_start3A_473 = tpu.memref_squeeze %dma_start3A_472 : memref<1x256x16xi32, #tpu.memory_space<hbm>> -> memref<256x16xi32, #tpu.memory_space<hbm>>
      tpu.enqueue_dma source(%arg8 : memref<256x16xi32, #tpu.memory_space<vmem>>) target(%dma_start3A_473 : memref<256x16xi32, #tpu.memory_space<hbm>>) target_semaphore(%arg16 : memref<!tpu.dma_semaphore, #tpu.memory_space<semaphore_mem>>)
      %add3A_474 = arith.constant 1 : i32
      %add3A_475 = arith.addi %mul3A_241, %add3A_474 : i32
      %dma_wait3A_476 = arith.constant 1 : i32
      %dma_wait3A_477 = arith.constant 0 : i32
      %dma_wait3A_478 = tpu.memref_slice %arg5[%add3A_475, %dma_wait3A_476, %dma_wait3A_477] : memref<25x2x256xi32, #tpu.memory_space<vmem>> -> memref<1x1x256xi32, #tpu.memory_space<vmem>>
      %dma_wait3A_479 = tpu.memref_squeeze %dma_wait3A_478 : memref<1x1x256xi32, #tpu.memory_space<vmem>> -> memref<256xi32, #tpu.memory_space<vmem>>
      %dma_wait3A_480 = arith.constant 0 : i32
      %dma_wait3A_481 = arith.constant 0 : i32
      %dma_wait3A_482 = tpu.memref_slice %arg2[%dma_wait3A_480, %dma_wait3A_481] : memref<1000x16xi32, #tpu.memory_space<hbm>> -> memref<1000x16xi32, #tpu.memory_space<hbm>>
      tpu.wait_indirect_dma semaphore(%arg13 : memref<!tpu.dma_semaphore, #tpu.memory_space<semaphore_mem>>) src(%dma_wait3A_482 : memref<1000x16xi32, #tpu.memory_space<hbm>>) dst(%arg9 : memref<256x16xi32, #tpu.memory_space<vmem>>)
      %add3A_483 = arith.constant 1 : i32
      %add3A_484 = arith.addi %mul3A_241, %add3A_483 : i32
      %add3A_485 = arith.addi %mul3A_34, %add3A_484 : i32
      %jit3A_486 = arith.constant 4 : i32
      %eq3A_487 = arith.constant 0 : i32
      %eq3A_488 = arith.cmpi eq, %jit3A_486, %eq3A_487 : i32
      %jit3A_489 = arith.constant 1 : i32
      %select_n3A_490 = arith.select %eq3A_488, %jit3A_489, %jit3A_486 : i32
      %rem3A_491 = arith.remsi %add3A_485, %select_n3A_490 : i32
      %ne3A_492 = arith.constant 0 : i32
      %ne3A_493 = arith.cmpi ne, %rem3A_491, %ne3A_492 : i32
      %lt3A_494 = arith.constant 0 : i32
      %lt3A_495 = arith.cmpi slt, %rem3A_491, %lt3A_494 : i32
      %lt3A_496 = arith.constant 0 : i32
      %lt3A_497 = arith.cmpi slt, %select_n3A_490, %lt3A_496 : i32
      %ne3A_498 = arith.xori %lt3A_495, %lt3A_497 : i1
      %and3A_499 = arith.andi %ne3A_498, %ne3A_493 : i1
      %add3A_500 = arith.addi %rem3A_491, %select_n3A_490 : i32
      %select_n3A_501 = arith.select %and3A_499, %add3A_500, %rem3A_491 : i32
      %mul3A_502 = arith.constant 16 : i32
      %mul3A_503 = arith.muli %select_n3A_501, %mul3A_502 : i32
      %add3A_504 = arith.constant 64 : i32
      %add3A_505 = arith.addi %add3A_504, %mul3A_503 : i32
      %jit3A_506 = arith.constant 4 : i32
      %div3A_507 = arith.divsi %add3A_485, %jit3A_506 : i32
      %sign3A_508 = arith.constant 0 : i32
      %sign3A_509 = arith.cmpi sgt, %add3A_485, %sign3A_508 : i32
      %sign3A_510 = arith.extui %sign3A_509 : i1 to i32
      %sign3A_511 = arith.constant 0 : i32
      %sign3A_512 = arith.cmpi slt, %add3A_485, %sign3A_511 : i32
      %sign3A_513 = arith.extui %sign3A_512 : i1 to i32
      %sign3A_514 = arith.subi %sign3A_510, %sign3A_513 : i32
      %sign3A_515 = arith.constant 0 : i32
      %sign3A_516 = arith.cmpi sgt, %jit3A_506, %sign3A_515 : i32
      %sign3A_517 = arith.extui %sign3A_516 : i1 to i32
      %sign3A_518 = arith.constant 0 : i32
      %sign3A_519 = arith.cmpi slt, %jit3A_506, %sign3A_518 : i32
      %sign3A_520 = arith.extui %sign3A_519 : i1 to i32
      %sign3A_521 = arith.subi %sign3A_517, %sign3A_520 : i32
      %ne3A_522 = arith.cmpi ne, %sign3A_514, %sign3A_521 : i32
      %rem3A_523 = arith.remsi %add3A_485, %jit3A_506 : i32
      %ne3A_524 = arith.constant 0 : i32
      %ne3A_525 = arith.cmpi ne, %rem3A_523, %ne3A_524 : i32
      %and3A_526 = arith.andi %ne3A_522, %ne3A_525 : i1
      %sub3A_527 = arith.constant 1 : i32
      %sub3A_528 = arith.subi %div3A_507, %sub3A_527 : i32
      %select_n3A_529 = arith.select %and3A_526, %sub3A_528, %div3A_507 : i32
      %dma_start3A_530 = tpu.memref_slice %arg4[%select_n3A_529, %mul3A_32, %add3A_505] : memref<13x4096x128xi32, #tpu.memory_space<hbm>> -> memref<1x256x16xi32, #tpu.memory_space<hbm>>
      %dma_start3A_531 = tpu.memref_squeeze %dma_start3A_530 : memref<1x256x16xi32, #tpu.memory_space<hbm>> -> memref<256x16xi32, #tpu.memory_space<hbm>>
      %dma_start3A_532 = tpu.memref_slice %arg4[%select_n3A_529, %mul3A_32, %add3A_505] : memref<13x4096x128xi32, #tpu.memory_space<hbm>> -> memref<1x256x16xi32, #tpu.memory_space<hbm>>
      %dma_start3A_533 = tpu.memref_squeeze %dma_start3A_532 : memref<1x256x16xi32, #tpu.memory_space<hbm>> -> memref<256x16xi32, #tpu.memory_space<hbm>>
      tpu.enqueue_dma source(%arg9 : memref<256x16xi32, #tpu.memory_space<vmem>>) target(%dma_start3A_533 : memref<256x16xi32, #tpu.memory_space<hbm>>) target_semaphore(%arg17 : memref<!tpu.dma_semaphore, #tpu.memory_space<semaphore_mem>>)
    }
    %scan3A_39 = arith.constant 12 : i32
    %add3A_40 = arith.constant 23 : i32
    %add3A_41 = arith.addi %mul3A_34, %add3A_40 : i32
    %jit3A_42 = arith.constant 4 : i32
    %eq3A_43 = arith.constant 0 : i32
    %eq3A_44 = arith.cmpi eq, %jit3A_42, %eq3A_43 : i32
    %jit3A_45 = arith.constant 1 : i32
    %select_n3A_46 = arith.select %eq3A_44, %jit3A_45, %jit3A_42 : i32
    %rem3A_47 = arith.remsi %add3A_41, %select_n3A_46 : i32
    %ne3A_48 = arith.constant 0 : i32
    %ne3A_49 = arith.cmpi ne, %rem3A_47, %ne3A_48 : i32
    %lt3A_50 = arith.constant 0 : i32
    %lt3A_51 = arith.cmpi slt, %rem3A_47, %lt3A_50 : i32
    %lt3A_52 = arith.constant 0 : i32
    %lt3A_53 = arith.cmpi slt, %select_n3A_46, %lt3A_52 : i32
    %ne3A_54 = arith.xori %lt3A_51, %lt3A_53 : i1
    %and3A_55 = arith.andi %ne3A_54, %ne3A_49 : i1
    %add3A_56 = arith.addi %rem3A_47, %select_n3A_46 : i32
    %select_n3A_57 = arith.select %and3A_55, %add3A_56, %rem3A_47 : i32
    %mul3A_58 = arith.constant 16 : i32
    %mul3A_59 = arith.muli %select_n3A_57, %mul3A_58 : i32
    %add3A_60 = arith.constant 0 : i32
    %add3A_61 = arith.addi %add3A_60, %mul3A_59 : i32
    %jit3A_62 = arith.constant 4 : i32
    %div3A_63 = arith.divsi %add3A_41, %jit3A_62 : i32
    %sign3A_64 = arith.constant 0 : i32
    %sign3A_65 = arith.cmpi sgt, %add3A_41, %sign3A_64 : i32
    %sign3A_66 = arith.extui %sign3A_65 : i1 to i32
    %sign3A_67 = arith.constant 0 : i32
    %sign3A_68 = arith.cmpi slt, %add3A_41, %sign3A_67 : i32
    %sign3A_69 = arith.extui %sign3A_68 : i1 to i32
    %sign3A_70 = arith.subi %sign3A_66, %sign3A_69 : i32
    %sign3A_71 = arith.constant 0 : i32
    %sign3A_72 = arith.cmpi sgt, %jit3A_62, %sign3A_71 : i32
    %sign3A_73 = arith.extui %sign3A_72 : i1 to i32
    %sign3A_74 = arith.constant 0 : i32
    %sign3A_75 = arith.cmpi slt, %jit3A_62, %sign3A_74 : i32
    %sign3A_76 = arith.extui %sign3A_75 : i1 to i32
    %sign3A_77 = arith.subi %sign3A_73, %sign3A_76 : i32
    %ne3A_78 = arith.cmpi ne, %sign3A_70, %sign3A_77 : i32
    %rem3A_79 = arith.remsi %add3A_41, %jit3A_62 : i32
    %ne3A_80 = arith.constant 0 : i32
    %ne3A_81 = arith.cmpi ne, %rem3A_79, %ne3A_80 : i32
    %and3A_82 = arith.andi %ne3A_78, %ne3A_81 : i1
    %sub3A_83 = arith.constant 1 : i32
    %sub3A_84 = arith.subi %div3A_63, %sub3A_83 : i32
    %select_n3A_85 = arith.select %and3A_82, %sub3A_84, %div3A_63 : i32
    %dma_wait3A = tpu.memref_slice %arg4[%select_n3A_85, %mul3A_32, %add3A_61] : memref<13x4096x128xi32, #tpu.memory_space<hbm>> -> memref<1x256x16xi32, #tpu.memory_space<hbm>>
    %dma_wait3A_86 = tpu.memref_squeeze %dma_wait3A : memref<1x256x16xi32, #tpu.memory_space<hbm>> -> memref<256x16xi32, #tpu.memory_space<hbm>>
    %dma_wait3A_87 = tpu.memref_slice %arg4[%select_n3A_85, %mul3A_32, %add3A_61] : memref<13x4096x128xi32, #tpu.memory_space<hbm>> -> memref<1x256x16xi32, #tpu.memory_space<hbm>>
    %dma_wait3A_88 = tpu.memref_squeeze %dma_wait3A_87 : memref<1x256x16xi32, #tpu.memory_space<hbm>> -> memref<256x16xi32, #tpu.memory_space<hbm>>
    tpu.wait_dma2 semaphore(%arg14 : memref<!tpu.dma_semaphore, #tpu.memory_space<semaphore_mem>>) src(%arg6 : memref<256x16xi32, #tpu.memory_space<vmem>>) dst(%dma_wait3A_88 : memref<256x16xi32, #tpu.memory_space<hbm>>)
    %add3A_89 = arith.constant 23 : i32
    %add3A_90 = arith.addi %mul3A_34, %add3A_89 : i32
    %jit3A_91 = arith.constant 4 : i32
    %eq3A_92 = arith.constant 0 : i32
    %eq3A_93 = arith.cmpi eq, %jit3A_91, %eq3A_92 : i32
    %jit3A_94 = arith.constant 1 : i32
    %select_n3A_95 = arith.select %eq3A_93, %jit3A_94, %jit3A_91 : i32
    %rem3A_96 = arith.remsi %add3A_90, %select_n3A_95 : i32
    %ne3A_97 = arith.constant 0 : i32
    %ne3A_98 = arith.cmpi ne, %rem3A_96, %ne3A_97 : i32
    %lt3A_99 = arith.constant 0 : i32
    %lt3A_100 = arith.cmpi slt, %rem3A_96, %lt3A_99 : i32
    %lt3A_101 = arith.constant 0 : i32
    %lt3A_102 = arith.cmpi slt, %select_n3A_95, %lt3A_101 : i32
    %ne3A_103 = arith.xori %lt3A_100, %lt3A_102 : i1
    %and3A_104 = arith.andi %ne3A_103, %ne3A_98 : i1
    %add3A_105 = arith.addi %rem3A_96, %select_n3A_95 : i32
    %select_n3A_106 = arith.select %and3A_104, %add3A_105, %rem3A_96 : i32
    %mul3A_107 = arith.constant 16 : i32
    %mul3A_108 = arith.muli %select_n3A_106, %mul3A_107 : i32
    %add3A_109 = arith.constant 64 : i32
    %add3A_110 = arith.addi %add3A_109, %mul3A_108 : i32
    %jit3A_111 = arith.constant 4 : i32
    %div3A_112 = arith.divsi %add3A_90, %jit3A_111 : i32
    %sign3A_113 = arith.constant 0 : i32
    %sign3A_114 = arith.cmpi sgt, %add3A_90, %sign3A_113 : i32
    %sign3A_115 = arith.extui %sign3A_114 : i1 to i32
    %sign3A_116 = arith.constant 0 : i32
    %sign3A_117 = arith.cmpi slt, %add3A_90, %sign3A_116 : i32
    %sign3A_118 = arith.extui %sign3A_117 : i1 to i32
    %sign3A_119 = arith.subi %sign3A_115, %sign3A_118 : i32
    %sign3A_120 = arith.constant 0 : i32
    %sign3A_121 = arith.cmpi sgt, %jit3A_111, %sign3A_120 : i32
    %sign3A_122 = arith.extui %sign3A_121 : i1 to i32
    %sign3A_123 = arith.constant 0 : i32
    %sign3A_124 = arith.cmpi slt, %jit3A_111, %sign3A_123 : i32
    %sign3A_125 = arith.extui %sign3A_124 : i1 to i32
    %sign3A_126 = arith.subi %sign3A_122, %sign3A_125 : i32
    %ne3A_127 = arith.cmpi ne, %sign3A_119, %sign3A_126 : i32
    %rem3A_128 = arith.remsi %add3A_90, %jit3A_111 : i32
    %ne3A_129 = arith.constant 0 : i32
    %ne3A_130 = arith.cmpi ne, %rem3A_128, %ne3A_129 : i32
    %and3A_131 = arith.andi %ne3A_127, %ne3A_130 : i1
    %sub3A_132 = arith.constant 1 : i32
    %sub3A_133 = arith.subi %div3A_112, %sub3A_132 : i32
    %select_n3A_134 = arith.select %and3A_131, %sub3A_133, %div3A_112 : i32
    %dma_wait3A_135 = tpu.memref_slice %arg4[%select_n3A_134, %mul3A_32, %add3A_110] : memref<13x4096x128xi32, #tpu.memory_space<hbm>> -> memref<1x256x16xi32, #tpu.memory_space<hbm>>
    %dma_wait3A_136 = tpu.memref_squeeze %dma_wait3A_135 : memref<1x256x16xi32, #tpu.memory_space<hbm>> -> memref<256x16xi32, #tpu.memory_space<hbm>>
    %dma_wait3A_137 = tpu.memref_slice %arg4[%select_n3A_134, %mul3A_32, %add3A_110] : memref<13x4096x128xi32, #tpu.memory_space<hbm>> -> memref<1x256x16xi32, #tpu.memory_space<hbm>>
    %dma_wait3A_138 = tpu.memref_squeeze %dma_wait3A_137 : memref<1x256x16xi32, #tpu.memory_space<hbm>> -> memref<256x16xi32, #tpu.memory_space<hbm>>
    tpu.wait_dma2 semaphore(%arg15 : memref<!tpu.dma_semaphore, #tpu.memory_space<semaphore_mem>>) src(%arg7 : memref<256x16xi32, #tpu.memory_space<vmem>>) dst(%dma_wait3A_138 : memref<256x16xi32, #tpu.memory_space<hbm>>)
    %add3A_139 = arith.constant 24 : i32
    %add3A_140 = arith.addi %mul3A_34, %add3A_139 : i32
    %jit3A_141 = arith.constant 4 : i32
    %eq3A_142 = arith.constant 0 : i32
    %eq3A_143 = arith.cmpi eq, %jit3A_141, %eq3A_142 : i32
    %jit3A_144 = arith.constant 1 : i32
    %select_n3A_145 = arith.select %eq3A_143, %jit3A_144, %jit3A_141 : i32
    %rem3A_146 = arith.remsi %add3A_140, %select_n3A_145 : i32
    %ne3A_147 = arith.constant 0 : i32
    %ne3A_148 = arith.cmpi ne, %rem3A_146, %ne3A_147 : i32
    %lt3A_149 = arith.constant 0 : i32
    %lt3A_150 = arith.cmpi slt, %rem3A_146, %lt3A_149 : i32
    %lt3A_151 = arith.constant 0 : i32
    %lt3A_152 = arith.cmpi slt, %select_n3A_145, %lt3A_151 : i32
    %ne3A_153 = arith.xori %lt3A_150, %lt3A_152 : i1
    %and3A_154 = arith.andi %ne3A_153, %ne3A_148 : i1
    %add3A_155 = arith.addi %rem3A_146, %select_n3A_145 : i32
    %select_n3A_156 = arith.select %and3A_154, %add3A_155, %rem3A_146 : i32
    %mul3A_157 = arith.constant 16 : i32
    %mul3A_158 = arith.muli %select_n3A_156, %mul3A_157 : i32
    %add3A_159 = arith.constant 0 : i32
    %add3A_160 = arith.addi %add3A_159, %mul3A_158 : i32
    %jit3A_161 = arith.constant 4 : i32
    %div3A_162 = arith.divsi %add3A_140, %jit3A_161 : i32
    %sign3A_163 = arith.constant 0 : i32
    %sign3A_164 = arith.cmpi sgt, %add3A_140, %sign3A_163 : i32
    %sign3A_165 = arith.extui %sign3A_164 : i1 to i32
    %sign3A_166 = arith.constant 0 : i32
    %sign3A_167 = arith.cmpi slt, %add3A_140, %sign3A_166 : i32
    %sign3A_168 = arith.extui %sign3A_167 : i1 to i32
    %sign3A_169 = arith.subi %sign3A_165, %sign3A_168 : i32
    %sign3A_170 = arith.constant 0 : i32
    %sign3A_171 = arith.cmpi sgt, %jit3A_161, %sign3A_170 : i32
    %sign3A_172 = arith.extui %sign3A_171 : i1 to i32
    %sign3A_173 = arith.constant 0 : i32
    %sign3A_174 = arith.cmpi slt, %jit3A_161, %sign3A_173 : i32
    %sign3A_175 = arith.extui %sign3A_174 : i1 to i32
    %sign3A_176 = arith.subi %sign3A_172, %sign3A_175 : i32
    %ne3A_177 = arith.cmpi ne, %sign3A_169, %sign3A_176 : i32
    %rem3A_178 = arith.remsi %add3A_140, %jit3A_161 : i32
    %ne3A_179 = arith.constant 0 : i32
    %ne3A_180 = arith.cmpi ne, %rem3A_178, %ne3A_179 : i32
    %and3A_181 = arith.andi %ne3A_177, %ne3A_180 : i1
    %sub3A_182 = arith.constant 1 : i32
    %sub3A_183 = arith.subi %div3A_162, %sub3A_182 : i32
    %select_n3A_184 = arith.select %and3A_181, %sub3A_183, %div3A_162 : i32
    %dma_wait3A_185 = tpu.memref_slice %arg4[%select_n3A_184, %mul3A_32, %add3A_160] : memref<13x4096x128xi32, #tpu.memory_space<hbm>> -> memref<1x256x16xi32, #tpu.memory_space<hbm>>
    %dma_wait3A_186 = tpu.memref_squeeze %dma_wait3A_185 : memref<1x256x16xi32, #tpu.memory_space<hbm>> -> memref<256x16xi32, #tpu.memory_space<hbm>>
    %dma_wait3A_187 = tpu.memref_slice %arg4[%select_n3A_184, %mul3A_32, %add3A_160] : memref<13x4096x128xi32, #tpu.memory_space<hbm>> -> memref<1x256x16xi32, #tpu.memory_space<hbm>>
    %dma_wait3A_188 = tpu.memref_squeeze %dma_wait3A_187 : memref<1x256x16xi32, #tpu.memory_space<hbm>> -> memref<256x16xi32, #tpu.memory_space<hbm>>
    tpu.wait_dma2 semaphore(%arg16 : memref<!tpu.dma_semaphore, #tpu.memory_space<semaphore_mem>>) src(%arg8 : memref<256x16xi32, #tpu.memory_space<vmem>>) dst(%dma_wait3A_188 : memref<256x16xi32, #tpu.memory_space<hbm>>)
    %add3A_189 = arith.constant 24 : i32
    %add3A_190 = arith.addi %mul3A_34, %add3A_189 : i32
    %jit3A_191 = arith.constant 4 : i32
    %eq3A_192 = arith.constant 0 : i32
    %eq3A_193 = arith.cmpi eq, %jit3A_191, %eq3A_192 : i32
    %jit3A_194 = arith.constant 1 : i32
    %select_n3A_195 = arith.select %eq3A_193, %jit3A_194, %jit3A_191 : i32
    %rem3A_196 = arith.remsi %add3A_190, %select_n3A_195 : i32
    %ne3A_197 = arith.constant 0 : i32
    %ne3A_198 = arith.cmpi ne, %rem3A_196, %ne3A_197 : i32
    %lt3A_199 = arith.constant 0 : i32
    %lt3A_200 = arith.cmpi slt, %rem3A_196, %lt3A_199 : i32
    %lt3A_201 = arith.constant 0 : i32
    %lt3A_202 = arith.cmpi slt, %select_n3A_195, %lt3A_201 : i32
    %ne3A_203 = arith.xori %lt3A_200, %lt3A_202 : i1
    %and3A_204 = arith.andi %ne3A_203, %ne3A_198 : i1
    %add3A_205 = arith.addi %rem3A_196, %select_n3A_195 : i32
    %select_n3A_206 = arith.select %and3A_204, %add3A_205, %rem3A_196 : i32
    %mul3A_207 = arith.constant 16 : i32
    %mul3A_208 = arith.muli %select_n3A_206, %mul3A_207 : i32
    %add3A_209 = arith.constant 64 : i32
    %add3A_210 = arith.addi %add3A_209, %mul3A_208 : i32
    %jit3A_211 = arith.constant 4 : i32
    %div3A_212 = arith.divsi %add3A_190, %jit3A_211 : i32
    %sign3A_213 = arith.constant 0 : i32
    %sign3A_214 = arith.cmpi sgt, %add3A_190, %sign3A_213 : i32
    %sign3A_215 = arith.extui %sign3A_214 : i1 to i32
    %sign3A_216 = arith.constant 0 : i32
    %sign3A_217 = arith.cmpi slt, %add3A_190, %sign3A_216 : i32
    %sign3A_218 = arith.extui %sign3A_217 : i1 to i32
    %sign3A_219 = arith.subi %sign3A_215, %sign3A_218 : i32
    %sign3A_220 = arith.constant 0 : i32
    %sign3A_221 = arith.cmpi sgt, %jit3A_211, %sign3A_220 : i32
    %sign3A_222 = arith.extui %sign3A_221 : i1 to i32
    %sign3A_223 = arith.constant 0 : i32
    %sign3A_224 = arith.cmpi slt, %jit3A_211, %sign3A_223 : i32
    %sign3A_225 = arith.extui %sign3A_224 : i1 to i32
    %sign3A_226 = arith.subi %sign3A_222, %sign3A_225 : i32
    %ne3A_227 = arith.cmpi ne, %sign3A_219, %sign3A_226 : i32
    %rem3A_228 = arith.remsi %add3A_190, %jit3A_211 : i32
    %ne3A_229 = arith.constant 0 : i32
    %ne3A_230 = arith.cmpi ne, %rem3A_228, %ne3A_229 : i32
    %and3A_231 = arith.andi %ne3A_227, %ne3A_230 : i1
    %sub3A_232 = arith.constant 1 : i32
    %sub3A_233 = arith.subi %div3A_212, %sub3A_232 : i32
    %select_n3A_234 = arith.select %and3A_231, %sub3A_233, %div3A_212 : i32
    %dma_wait3A_235 = tpu.memref_slice %arg4[%select_n3A_234, %mul3A_32, %add3A_210] : memref<13x4096x128xi32, #tpu.memory_space<hbm>> -> memref<1x256x16xi32, #tpu.memory_space<hbm>>
    %dma_wait3A_236 = tpu.memref_squeeze %dma_wait3A_235 : memref<1x256x16xi32, #tpu.memory_space<hbm>> -> memref<256x16xi32, #tpu.memory_space<hbm>>
    %dma_wait3A_237 = tpu.memref_slice %arg4[%select_n3A_234, %mul3A_32, %add3A_210] : memref<13x4096x128xi32, #tpu.memory_space<hbm>> -> memref<1x256x16xi32, #tpu.memory_space<hbm>>
    %dma_wait3A_238 = tpu.memref_squeeze %dma_wait3A_237 : memref<1x256x16xi32, #tpu.memory_space<hbm>> -> memref<256x16xi32, #tpu.memory_space<hbm>>
    tpu.wait_dma2 semaphore(%arg17 : memref<!tpu.dma_semaphore, #tpu.memory_space<semaphore_mem>>) src(%arg9 : memref<256x16xi32, #tpu.memory_space<vmem>>) dst(%dma_wait3A_238 : memref<256x16xi32, #tpu.memory_space<hbm>>)
    return
  }
}

#map = affine_map<(d0, d1) -> (0, 0)>
#map1 = affine_map<(d0, d1) -> (0, 0, 0)>
module attributes {stable_mosaic.version = 14 : i64} {
  func.func @sc_gather(%arg0: i32, %arg1: i32, %arg2: memref<1000x16xi32, #tpu.memory_space<hbm>>, %arg3: memref<50x2x4096xi32, #tpu.memory_space<hbm>>, %arg4: memref<13x4096x128xi32, #tpu.memory_space<hbm>>, %arg5: memref<25x2x256xi32, #tpu.memory_space<vmem>>, %arg6: memref<256x16xi32, #tpu.memory_space<vmem>>, %arg7: memref<256x16xi32, #tpu.memory_space<vmem>>, %arg8: memref<256x16xi32, #tpu.memory_space<vmem>>, %arg9: memref<256x16xi32, #tpu.memory_space<vmem>>, %arg10: memref<!tpu.dma_semaphore, #tpu.memory_space<semaphore_mem>>, %arg11: memref<!tpu.dma_semaphore, #tpu.memory_space<semaphore_mem>>, %arg12: memref<!tpu.dma_semaphore, #tpu.memory_space<semaphore_mem>>, %arg13: memref<!tpu.dma_semaphore, #tpu.memory_space<semaphore_mem>>, %arg14: memref<!tpu.dma_semaphore, #tpu.memory_space<semaphore_mem>>, %arg15: memref<!tpu.dma_semaphore, #tpu.memory_space<semaphore_mem>>, %arg16: memref<!tpu.dma_semaphore, #tpu.memory_space<semaphore_mem>>, %arg17: memref<!tpu.dma_semaphore, #tpu.memory_space<semaphore_mem>>) attributes {dimension_semantics = [#tpu.dimension_semantics<core_parallel>, #tpu.dimension_semantics<subcore_parallel>], iteration_bounds = array<i64: 2, 16>, scalar_prefetch = 0 : i64, scratch_operands = 13 : i64, tpu.core_type = #tpu.core_type<sc_vector_subcore>, window_params = [{transform_indices = #map}, {transform_indices = #map1}, {transform_indices = #map1}]} {
    %mul3A = arith.constant 2 : i32
    %mul3A_0 = arith.muli %arg1, %mul3A : i32
    %add3A = arith.addi %mul3A_0, %arg0 : i32
    %jit3A = arith.constant 16 : i32
    %eq3A = arith.constant 0 : i32
    %eq3A_1 = arith.cmpi eq, %jit3A, %eq3A : i32
    %jit3A_2 = arith.constant 1 : i32
    %select_n3A = arith.select %eq3A_1, %jit3A_2, %jit3A : i32
    %rem3A = arith.remsi %add3A, %select_n3A : i32
    %ne3A = arith.constant 0 : i32
    %ne3A_3 = arith.cmpi ne, %rem3A, %ne3A : i32
    %lt3A = arith.constant 0 : i32
    %lt3A_4 = arith.cmpi slt, %rem3A, %lt3A : i32
    %lt3A_5 = arith.constant 0 : i32
    %lt3A_6 = arith.cmpi slt, %select_n3A, %lt3A_5 : i32
    %ne3A_7 = arith.xori %lt3A_4, %lt3A_6 : i1
    %and3A = arith.andi %ne3A_7, %ne3A_3 : i1
    %add3A_8 = arith.addi %rem3A, %select_n3A : i32
    %select_n3A_9 = arith.select %and3A, %add3A_8, %rem3A : i32
    %jit3A_10 = arith.constant 16 : i32
    %div3A = arith.divsi %add3A, %jit3A_10 : i32
    %sign3A = arith.constant 0 : i32
    %sign3A_11 = arith.cmpi sgt, %add3A, %sign3A : i32
    %sign3A_12 = arith.extui %sign3A_11 : i1 to i32
    %sign3A_13 = arith.constant 0 : i32
    %sign3A_14 = arith.cmpi slt, %add3A, %sign3A_13 : i32
    %sign3A_15 = arith.extui %sign3A_14 : i1 to i32
    %sign3A_16 = arith.subi %sign3A_12, %sign3A_15 : i32
    %sign3A_17 = arith.constant 0 : i32
    %sign3A_18 = arith.cmpi sgt, %jit3A_10, %sign3A_17 : i32
    %sign3A_19 = arith.extui %sign3A_18 : i1 to i32
    %sign3A_20 = arith.constant 0 : i32
    %sign3A_21 = arith.cmpi slt, %jit3A_10, %sign3A_20 : i32
    %sign3A_22 = arith.extui %sign3A_21 : i1 to i32
    %sign3A_23 = arith.subi %sign3A_19, %sign3A_22 : i32
    %ne3A_24 = arith.cmpi ne, %sign3A_16, %sign3A_23 : i32
    %rem3A_25 = arith.remsi %add3A, %jit3A_10 : i32
    %ne3A_26 = arith.constant 0 : i32
    %ne3A_27 = arith.cmpi ne, %rem3A_25, %ne3A_26 : i32
    %and3A_28 = arith.andi %ne3A_24, %ne3A_27 : i1
    %sub3A = arith.constant 1 : i32
    %sub3A_29 = arith.subi %div3A, %sub3A : i32
    %select_n3A_30 = arith.select %and3A_28, %sub3A_29, %div3A : i32
    %mul3A_31 = arith.constant 256 : i32
    %mul3A_32 = arith.muli %select_n3A_9, %mul3A_31 : i32
    %mul3A_33 = arith.constant 25 : i32
    %mul3A_34 = arith.muli %select_n3A_30, %mul3A_33 : i32
    "tpu.region"() ({
      %run_scoped3A = tpu.sem_alloc : memref<!tpu.dma_semaphore, #tpu.memory_space<semaphore_mem>>
      %dma_start3A = arith.constant 0 : i32
      %dma_start3A_239 = tpu.memref_slice %arg3[%mul3A_34, %dma_start3A, %mul3A_32] : memref<50x2x4096xi32, #tpu.memory_space<hbm>> -> memref<25x2x256xi32, #tpu.memory_space<hbm>>
      %dma_start3A_240 = arith.constant 0 : i32
      %dma_start3A_241 = tpu.memref_slice %arg3[%mul3A_34, %dma_start3A_240, %mul3A_32] : memref<50x2x4096xi32, #tpu.memory_space<hbm>> -> memref<25x2x256xi32, #tpu.memory_space<hbm>>
      tpu.enqueue_dma source(%dma_start3A_241 : memref<25x2x256xi32, #tpu.memory_space<hbm>>) target(%arg5 : memref<25x2x256xi32, #tpu.memory_space<vmem>>) target_semaphore(%run_scoped3A : memref<!tpu.dma_semaphore, #tpu.memory_space<semaphore_mem>>)
      %dma_wait3A_242 = arith.constant 0 : i32
      %dma_wait3A_243 = tpu.memref_slice %arg3[%mul3A_34, %dma_wait3A_242, %mul3A_32] : memref<50x2x4096xi32, #tpu.memory_space<hbm>> -> memref<25x2x256xi32, #tpu.memory_space<hbm>>
      %dma_wait3A_244 = arith.constant 0 : i32
      %dma_wait3A_245 = tpu.memref_slice %arg3[%mul3A_34, %dma_wait3A_244, %mul3A_32] : memref<50x2x4096xi32, #tpu.memory_space<hbm>> -> memref<25x2x256xi32, #tpu.memory_space<hbm>>
      tpu.wait_dma2 semaphore(%run_scoped3A : memref<!tpu.dma_semaphore, #tpu.memory_space<semaphore_mem>>) src(%dma_wait3A_245 : memref<25x2x256xi32, #tpu.memory_space<hbm>>) dst(%arg5 : memref<25x2x256xi32, #tpu.memory_space<vmem>>)
      tpu.yield
    }) : () -> ()
    %scan3A = arith.constant 0 : i32
    %scan3A_35 = arith.constant 0 : i32
    %scan3A_36 = arith.constant 12 : i32
    %scan3A_37 = arith.addi %scan3A_35, %scan3A_36 : i32
    %scan3A_38 = arith.constant 1 : i32
    scf.for %scan3A_239 = %scan3A_35 to %scan3A_37 step %scan3A_38  : i32 {
      %mul3A_240 = arith.constant 2 : i32
      %mul3A_241 = arith.muli %scan3A_239, %mul3A_240 : i32
      %ge3A = arith.constant 1 : i32
      %ge3A_242 = arith.cmpi sge, %scan3A_239, %ge3A : i32
      %convert_element_type3A = arith.extui %ge3A_242 : i1 to i32
      %cond3A = arith.constant 0 : i32
      %cond3A_243 = arith.cmpi ne, %convert_element_type3A, %cond3A : i32
      scf.if %cond3A_243 {
        %add3A_534 = arith.constant 0 : i32
        %add3A_535 = arith.addi %mul3A_241, %add3A_534 : i32
        %add3A_536 = arith.addi %mul3A_34, %add3A_535 : i32
        %jit3A_537 = arith.constant 4 : i32
        %eq3A_538 = arith.constant 0 : i32
        %eq3A_539 = arith.cmpi eq, %jit3A_537, %eq3A_538 : i32
        %jit3A_540 = arith.constant 1 : i32
        %select_n3A_541 = arith.select %eq3A_539, %jit3A_540, %jit3A_537 : i32
        %rem3A_542 = arith.remsi %add3A_536, %select_n3A_541 : i32
        %ne3A_543 = arith.constant 0 : i32
        %ne3A_544 = arith.cmpi ne, %rem3A_542, %ne3A_543 : i32
        %lt3A_545 = arith.constant 0 : i32
        %lt3A_546 = arith.cmpi slt, %rem3A_542, %lt3A_545 : i32
        %lt3A_547 = arith.constant 0 : i32
        %lt3A_548 = arith.cmpi slt, %select_n3A_541, %lt3A_547 : i32
        %ne3A_549 = arith.xori %lt3A_546, %lt3A_548 : i1
        %and3A_550 = arith.andi %ne3A_549, %ne3A_544 : i1
        %add3A_551 = arith.addi %rem3A_542, %select_n3A_541 : i32
        %select_n3A_552 = arith.select %and3A_550, %add3A_551, %rem3A_542 : i32
        %mul3A_553 = arith.constant 16 : i32
        %mul3A_554 = arith.muli %select_n3A_552, %mul3A_553 : i32
        %add3A_555 = arith.constant 0 : i32
        %add3A_556 = arith.addi %add3A_555, %mul3A_554 : i32
        %jit3A_557 = arith.constant 4 : i32
        %div3A_558 = arith.divsi %add3A_536, %jit3A_557 : i32
        %sign3A_559 = arith.constant 0 : i32
        %sign3A_560 = arith.cmpi sgt, %add3A_536, %sign3A_559 : i32
        %sign3A_561 = arith.extui %sign3A_560 : i1 to i32
        %sign3A_562 = arith.constant 0 : i32
        %sign3A_563 = arith.cmpi slt, %add3A_536, %sign3A_562 : i32
        %sign3A_564 = arith.extui %sign3A_563 : i1 to i32
        %sign3A_565 = arith.subi %sign3A_561, %sign3A_564 : i32
        %sign3A_566 = arith.constant 0 : i32
        %sign3A_567 = arith.cmpi sgt, %jit3A_557, %sign3A_566 : i32
        %sign3A_568 = arith.extui %sign3A_567 : i1 to i32
        %sign3A_569 = arith.constant 0 : i32
        %sign3A_570 = arith.cmpi slt, %jit3A_557, %sign3A_569 : i32
        %sign3A_571 = arith.extui %sign3A_570 : i1 to i32
        %sign3A_572 = arith.subi %sign3A_568, %sign3A_571 : i32
        %ne3A_573 = arith.cmpi ne, %sign3A_565, %sign3A_572 : i32
        %rem3A_574 = arith.remsi %add3A_536, %jit3A_557 : i32
        %ne3A_575 = arith.constant 0 : i32
        %ne3A_576 = arith.cmpi ne, %rem3A_574, %ne3A_575 : i32
        %and3A_577 = arith.andi %ne3A_573, %ne3A_576 : i1
        %sub3A_578 = arith.constant 1 : i32
        %sub3A_579 = arith.subi %div3A_558, %sub3A_578 : i32
        %select_n3A_580 = arith.select %and3A_577, %sub3A_579, %div3A_558 : i32
        %dma_wait3A_581 = tpu.memref_slice %arg4[%select_n3A_580, %mul3A_32, %add3A_556] : memref<13x4096x128xi32, #tpu.memory_space<hbm>> -> memref<1x256x16xi32, #tpu.memory_space<hbm>>
        %dma_wait3A_582 = tpu.memref_squeeze %dma_wait3A_581 : memref<1x256x16xi32, #tpu.memory_space<hbm>> -> memref<256x16xi32, #tpu.memory_space<hbm>>
        %dma_wait3A_583 = tpu.memref_slice %arg4[%select_n3A_580, %mul3A_32, %add3A_556] : memref<13x4096x128xi32, #tpu.memory_space<hbm>> -> memref<1x256x16xi32, #tpu.memory_space<hbm>>
        %dma_wait3A_584 = tpu.memref_squeeze %dma_wait3A_583 : memref<1x256x16xi32, #tpu.memory_space<hbm>> -> memref<256x16xi32, #tpu.memory_space<hbm>>
        tpu.wait_dma2 semaphore(%arg14 : memref<!tpu.dma_semaphore, #tpu.memory_space<semaphore_mem>>) src(%arg6 : memref<256x16xi32, #tpu.memory_space<vmem>>) dst(%dma_wait3A_584 : memref<256x16xi32, #tpu.memory_space<hbm>>)
      } else {
      }
      %add3A_244 = arith.constant 0 : i32
      %add3A_245 = arith.addi %mul3A_241, %add3A_244 : i32
      %dma_start3A = arith.constant 0 : i32
      %dma_start3A_246 = arith.constant 0 : i32
      %dma_start3A_247 = tpu.memref_slice %arg5[%add3A_245, %dma_start3A, %dma_start3A_246] : memref<25x2x256xi32, #tpu.memory_space<vmem>> -> memref<1x1x256xi32, #tpu.memory_space<vmem>>
      %dma_start3A_248 = tpu.memref_squeeze %dma_start3A_247 : memref<1x1x256xi32, #tpu.memory_space<vmem>> -> memref<256xi32, #tpu.memory_space<vmem>>
      %dma_start3A_249 = arith.constant 0 : i32
      %dma_start3A_250 = arith.constant 0 : i32
      %dma_start3A_251 = tpu.memref_slice %arg2[%dma_start3A_249, %dma_start3A_250] : memref<1000x16xi32, #tpu.memory_space<hbm>> -> memref<1000x16xi32, #tpu.memory_space<hbm>>
      tpu.enqueue_indirect_dma source(%dma_start3A_251 : memref<1000x16xi32, #tpu.memory_space<hbm>>) target(%arg6 : memref<256x16xi32, #tpu.memory_space<vmem>>) offsets(%dma_start3A_248 : memref<256xi32, #tpu.memory_space<vmem>>) semaphore(%arg10 : memref<!tpu.dma_semaphore, #tpu.memory_space<semaphore_mem>>)
      %ge3A_252 = arith.constant 1 : i32
      %ge3A_253 = arith.cmpi sge, %scan3A_239, %ge3A_252 : i32
      %convert_element_type3A_254 = arith.extui %ge3A_253 : i1 to i32
      %cond3A_255 = arith.constant 0 : i32
      %cond3A_256 = arith.cmpi ne, %convert_element_type3A_254, %cond3A_255 : i32
      scf.if %cond3A_256 {
        %add3A_534 = arith.constant 0 : i32
        %add3A_535 = arith.addi %mul3A_241, %add3A_534 : i32
        %add3A_536 = arith.addi %mul3A_34, %add3A_535 : i32
        %jit3A_537 = arith.constant 4 : i32
        %eq3A_538 = arith.constant 0 : i32
        %eq3A_539 = arith.cmpi eq, %jit3A_537, %eq3A_538 : i32
        %jit3A_540 = arith.constant 1 : i32
        %select_n3A_541 = arith.select %eq3A_539, %jit3A_540, %jit3A_537 : i32
        %rem3A_542 = arith.remsi %add3A_536, %select_n3A_541 : i32
        %ne3A_543 = arith.constant 0 : i32
        %ne3A_544 = arith.cmpi ne, %rem3A_542, %ne3A_543 : i32
        %lt3A_545 = arith.constant 0 : i32
        %lt3A_546 = arith.cmpi slt, %rem3A_542, %lt3A_545 : i32
        %lt3A_547 = arith.constant 0 : i32
        %lt3A_548 = arith.cmpi slt, %select_n3A_541, %lt3A_547 : i32
        %ne3A_549 = arith.xori %lt3A_546, %lt3A_548 : i1
        %and3A_550 = arith.andi %ne3A_549, %ne3A_544 : i1
        %add3A_551 = arith.addi %rem3A_542, %select_n3A_541 : i32
        %select_n3A_552 = arith.select %and3A_550, %add3A_551, %rem3A_542 : i32
        %mul3A_553 = arith.constant 16 : i32
        %mul3A_554 = arith.muli %select_n3A_552, %mul3A_553 : i32
        %add3A_555 = arith.constant 64 : i32
        %add3A_556 = arith.addi %add3A_555, %mul3A_554 : i32
        %jit3A_557 = arith.constant 4 : i32
        %div3A_558 = arith.divsi %add3A_536, %jit3A_557 : i32
        %sign3A_559 = arith.constant 0 : i32
        %sign3A_560 = arith.cmpi sgt, %add3A_536, %sign3A_559 : i32
        %sign3A_561 = arith.extui %sign3A_560 : i1 to i32
        %sign3A_562 = arith.constant 0 : i32
        %sign3A_563 = arith.cmpi slt, %add3A_536, %sign3A_562 : i32
        %sign3A_564 = arith.extui %sign3A_563 : i1 to i32
        %sign3A_565 = arith.subi %sign3A_561, %sign3A_564 : i32
        %sign3A_566 = arith.constant 0 : i32
        %sign3A_567 = arith.cmpi sgt, %jit3A_557, %sign3A_566 : i32
        %sign3A_568 = arith.extui %sign3A_567 : i1 to i32
        %sign3A_569 = arith.constant 0 : i32
        %sign3A_570 = arith.cmpi slt, %jit3A_557, %sign3A_569 : i32
        %sign3A_571 = arith.extui %sign3A_570 : i1 to i32
        %sign3A_572 = arith.subi %sign3A_568, %sign3A_571 : i32
        %ne3A_573 = arith.cmpi ne, %sign3A_565, %sign3A_572 : i32
        %rem3A_574 = arith.remsi %add3A_536, %jit3A_557 : i32
        %ne3A_575 = arith.constant 0 : i32
        %ne3A_576 = arith.cmpi ne, %rem3A_574, %ne3A_575 : i32
        %and3A_577 = arith.andi %ne3A_573, %ne3A_576 : i1
        %sub3A_578 = arith.constant 1 : i32
        %sub3A_579 = arith.subi %div3A_558, %sub3A_578 : i32
        %select_n3A_580 = arith.select %and3A_577, %sub3A_579, %div3A_558 : i32
        %dma_wait3A_581 = tpu.memref_slice %arg4[%select_n3A_580, %mul3A_32, %add3A_556] : memref<13x4096x128xi32, #tpu.memory_space<hbm>> -> memref<1x256x16xi32, #tpu.memory_space<hbm>>
        %dma_wait3A_582 = tpu.memref_squeeze %dma_wait3A_581 : memref<1x256x16xi32, #tpu.memory_space<hbm>> -> memref<256x16xi32, #tpu.memory_space<hbm>>
        %dma_wait3A_583 = tpu.memref_slice %arg4[%select_n3A_580, %mul3A_32, %add3A_556] : memref<13x4096x128xi32, #tpu.memory_space<hbm>> -> memref<1x256x16xi32, #tpu.memory_space<hbm>>
        %dma_wait3A_584 = tpu.memref_squeeze %dma_wait3A_583 : memref<1x256x16xi32, #tpu.memory_space<hbm>> -> memref<256x16xi32, #tpu.memory_space<hbm>>
        tpu.wait_dma2 semaphore(%arg15 : memref<!tpu.dma_semaphore, #tpu.memory_space<semaphore_mem>>) src(%arg7 : memref<256x16xi32, #tpu.memory_space<vmem>>) dst(%dma_wait3A_584 : memref<256x16xi32, #tpu.memory_space<hbm>>)
      } else {
      }
      %add3A_257 = arith.constant 0 : i32
      %add3A_258 = arith.addi %mul3A_241, %add3A_257 : i32
      %dma_start3A_259 = arith.constant 1 : i32
      %dma_start3A_260 = arith.constant 0 : i32
      %dma_start3A_261 = tpu.memref_slice %arg5[%add3A_258, %dma_start3A_259, %dma_start3A_260] : memref<25x2x256xi32, #tpu.memory_space<vmem>> -> memref<1x1x256xi32, #tpu.memory_space<vmem>>
      %dma_start3A_262 = tpu.memref_squeeze %dma_start3A_261 : memref<1x1x256xi32, #tpu.memory_space<vmem>> -> memref<256xi32, #tpu.memory_space<vmem>>
      %dma_start3A_263 = arith.constant 0 : i32
      %dma_start3A_264 = arith.constant 0 : i32
      %dma_start3A_265 = tpu.memref_slice %arg2[%dma_start3A_263, %dma_start3A_264] : memref<1000x16xi32, #tpu.memory_space<hbm>> -> memref<1000x16xi32, #tpu.memory_space<hbm>>
      tpu.enqueue_indirect_dma source(%dma_start3A_265 : memref<1000x16xi32, #tpu.memory_space<hbm>>) target(%arg7 : memref<256x16xi32, #tpu.memory_space<vmem>>) offsets(%dma_start3A_262 : memref<256xi32, #tpu.memory_space<vmem>>) semaphore(%arg11 : memref<!tpu.dma_semaphore, #tpu.memory_space<semaphore_mem>>)
      %ge3A_266 = arith.constant 1 : i32
      %ge3A_267 = arith.cmpi sge, %scan3A_239, %ge3A_266 : i32
      %convert_element_type3A_268 = arith.extui %ge3A_267 : i1 to i32
      %cond3A_269 = arith.constant 0 : i32
      %cond3A_270 = arith.cmpi ne, %convert_element_type3A_268, %cond3A_269 : i32
      scf.if %cond3A_270 {
        %add3A_534 = arith.constant 1 : i32
        %add3A_535 = arith.addi %mul3A_241, %add3A_534 : i32
        %add3A_536 = arith.addi %mul3A_34, %add3A_535 : i32
        %jit3A_537 = arith.constant 4 : i32
        %eq3A_538 = arith.constant 0 : i32
        %eq3A_539 = arith.cmpi eq, %jit3A_537, %eq3A_538 : i32
        %jit3A_540 = arith.constant 1 : i32
        %select_n3A_541 = arith.select %eq3A_539, %jit3A_540, %jit3A_537 : i32
        %rem3A_542 = arith.remsi %add3A_536, %select_n3A_541 : i32
        %ne3A_543 = arith.constant 0 : i32
        %ne3A_544 = arith.cmpi ne, %rem3A_542, %ne3A_543 : i32
        %lt3A_545 = arith.constant 0 : i32
        %lt3A_546 = arith.cmpi slt, %rem3A_542, %lt3A_545 : i32
        %lt3A_547 = arith.constant 0 : i32
        %lt3A_548 = arith.cmpi slt, %select_n3A_541, %lt3A_547 : i32
        %ne3A_549 = arith.xori %lt3A_546, %lt3A_548 : i1
        %and3A_550 = arith.andi %ne3A_549, %ne3A_544 : i1
        %add3A_551 = arith.addi %rem3A_542, %select_n3A_541 : i32
        %select_n3A_552 = arith.select %and3A_550, %add3A_551, %rem3A_542 : i32
        %mul3A_553 = arith.constant 16 : i32
        %mul3A_554 = arith.muli %select_n3A_552, %mul3A_553 : i32
        %add3A_555 = arith.constant 0 : i32
        %add3A_556 = arith.addi %add3A_555, %mul3A_554 : i32
        %jit3A_557 = arith.constant 4 : i32
        %div3A_558 = arith.divsi %add3A_536, %jit3A_557 : i32
        %sign3A_559 = arith.constant 0 : i32
        %sign3A_560 = arith.cmpi sgt, %add3A_536, %sign3A_559 : i32
        %sign3A_561 = arith.extui %sign3A_560 : i1 to i32
        %sign3A_562 = arith.constant 0 : i32
        %sign3A_563 = arith.cmpi slt, %add3A_536, %sign3A_562 : i32
        %sign3A_564 = arith.extui %sign3A_563 : i1 to i32
        %sign3A_565 = arith.subi %sign3A_561, %sign3A_564 : i32
        %sign3A_566 = arith.constant 0 : i32
        %sign3A_567 = arith.cmpi sgt, %jit3A_557, %sign3A_566 : i32
        %sign3A_568 = arith.extui %sign3A_567 : i1 to i32
        %sign3A_569 = arith.constant 0 : i32
        %sign3A_570 = arith.cmpi slt, %jit3A_557, %sign3A_569 : i32
        %sign3A_571 = arith.extui %sign3A_570 : i1 to i32
        %sign3A_572 = arith.subi %sign3A_568, %sign3A_571 : i32
        %ne3A_573 = arith.cmpi ne, %sign3A_565, %sign3A_572 : i32
        %rem3A_574 = arith.remsi %add3A_536, %jit3A_557 : i32
        %ne3A_575 = arith.constant 0 : i32
        %ne3A_576 = arith.cmpi ne, %rem3A_574, %ne3A_575 : i32
        %and3A_577 = arith.andi %ne3A_573, %ne3A_576 : i1
        %sub3A_578 = arith.constant 1 : i32
        %sub3A_579 = arith.subi %div3A_558, %sub3A_578 : i32
        %select_n3A_580 = arith.select %and3A_577, %sub3A_579, %div3A_558 : i32
        %dma_wait3A_581 = tpu.memref_slice %arg4[%select_n3A_580, %mul3A_32, %add3A_556] : memref<13x4096x128xi32, #tpu.memory_space<hbm>> -> memref<1x256x16xi32, #tpu.memory_space<hbm>>
        %dma_wait3A_582 = tpu.memref_squeeze %dma_wait3A_581 : memref<1x256x16xi32, #tpu.memory_space<hbm>> -> memref<256x16xi32, #tpu.memory_space<hbm>>
        %dma_wait3A_583 = tpu.memref_slice %arg4[%select_n3A_580, %mul3A_32, %add3A_556] : memref<13x4096x128xi32, #tpu.memory_space<hbm>> -> memref<1x256x16xi32, #tpu.memory_space<hbm>>
        %dma_wait3A_584 = tpu.memref_squeeze %dma_wait3A_583 : memref<1x256x16xi32, #tpu.memory_space<hbm>> -> memref<256x16xi32, #tpu.memory_space<hbm>>
        tpu.wait_dma2 semaphore(%arg16 : memref<!tpu.dma_semaphore, #tpu.memory_space<semaphore_mem>>) src(%arg8 : memref<256x16xi32, #tpu.memory_space<vmem>>) dst(%dma_wait3A_584 : memref<256x16xi32, #tpu.memory_space<hbm>>)
      } else {
      }
      %add3A_271 = arith.constant 1 : i32
      %add3A_272 = arith.addi %mul3A_241, %add3A_271 : i32
      %dma_start3A_273 = arith.constant 0 : i32
      %dma_start3A_274 = arith.constant 0 : i32
      %dma_start3A_275 = tpu.memref_slice %arg5[%add3A_272, %dma_start3A_273, %dma_start3A_274] : memref<25x2x256xi32, #tpu.memory_space<vmem>> -> memref<1x1x256xi32, #tpu.memory_space<vmem>>
      %dma_start3A_276 = tpu.memref_squeeze %dma_start3A_275 : memref<1x1x256xi32, #tpu.memory_space<vmem>> -> memref<256xi32, #tpu.memory_space<vmem>>
      %dma_start3A_277 = arith.constant 0 : i32
      %dma_start3A_278 = arith.constant 0 : i32
      %dma_start3A_279 = tpu.memref_slice %arg2[%dma_start3A_277, %dma_start3A_278] : memref<1000x16xi32, #tpu.memory_space<hbm>> -> memref<1000x16xi32, #tpu.memory_space<hbm>>
      tpu.enqueue_indirect_dma source(%dma_start3A_279 : memref<1000x16xi32, #tpu.memory_space<hbm>>) target(%arg8 : memref<256x16xi32, #tpu.memory_space<vmem>>) offsets(%dma_start3A_276 : memref<256xi32, #tpu.memory_space<vmem>>) semaphore(%arg12 : memref<!tpu.dma_semaphore, #tpu.memory_space<semaphore_mem>>)
      %ge3A_280 = arith.constant 1 : i32
      %ge3A_281 = arith.cmpi sge, %scan3A_239, %ge3A_280 : i32
      %convert_element_type3A_282 = arith.extui %ge3A_281 : i1 to i32
      %cond3A_283 = arith.constant 0 : i32
      %cond3A_284 = arith.cmpi ne, %convert_element_type3A_282, %cond3A_283 : i32
      scf.if %cond3A_284 {
        %add3A_534 = arith.constant 1 : i32
        %add3A_535 = arith.addi %mul3A_241, %add3A_534 : i32
        %add3A_536 = arith.addi %mul3A_34, %add3A_535 : i32
        %jit3A_537 = arith.constant 4 : i32
        %eq3A_538 = arith.constant 0 : i32
        %eq3A_539 = arith.cmpi eq, %jit3A_537, %eq3A_538 : i32
        %jit3A_540 = arith.constant 1 : i32
        %select_n3A_541 = arith.select %eq3A_539, %jit3A_540, %jit3A_537 : i32
        %rem3A_542 = arith.remsi %add3A_536, %select_n3A_541 : i32
        %ne3A_543 = arith.constant 0 : i32
        %ne3A_544 = arith.cmpi ne, %rem3A_542, %ne3A_543 : i32
        %lt3A_545 = arith.constant 0 : i32
        %lt3A_546 = arith.cmpi slt, %rem3A_542, %lt3A_545 : i32
        %lt3A_547 = arith.constant 0 : i32
        %lt3A_548 = arith.cmpi slt, %select_n3A_541, %lt3A_547 : i32
        %ne3A_549 = arith.xori %lt3A_546, %lt3A_548 : i1
        %and3A_550 = arith.andi %ne3A_549, %ne3A_544 : i1
        %add3A_551 = arith.addi %rem3A_542, %select_n3A_541 : i32
        %select_n3A_552 = arith.select %and3A_550, %add3A_551, %rem3A_542 : i32
        %mul3A_553 = arith.constant 16 : i32
        %mul3A_554 = arith.muli %select_n3A_552, %mul3A_553 : i32
        %add3A_555 = arith.constant 64 : i32
        %add3A_556 = arith.addi %add3A_555, %mul3A_554 : i32
        %jit3A_557 = arith.constant 4 : i32
        %div3A_558 = arith.divsi %add3A_536, %jit3A_557 : i32
        %sign3A_559 = arith.constant 0 : i32
        %sign3A_560 = arith.cmpi sgt, %add3A_536, %sign3A_559 : i32
        %sign3A_561 = arith.extui %sign3A_560 : i1 to i32
        %sign3A_562 = arith.constant 0 : i32
        %sign3A_563 = arith.cmpi slt, %add3A_536, %sign3A_562 : i32
        %sign3A_564 = arith.extui %sign3A_563 : i1 to i32
        %sign3A_565 = arith.subi %sign3A_561, %sign3A_564 : i32
        %sign3A_566 = arith.constant 0 : i32
        %sign3A_567 = arith.cmpi sgt, %jit3A_557, %sign3A_566 : i32
        %sign3A_568 = arith.extui %sign3A_567 : i1 to i32
        %sign3A_569 = arith.constant 0 : i32
        %sign3A_570 = arith.cmpi slt, %jit3A_557, %sign3A_569 : i32
        %sign3A_571 = arith.extui %sign3A_570 : i1 to i32
        %sign3A_572 = arith.subi %sign3A_568, %sign3A_571 : i32
        %ne3A_573 = arith.cmpi ne, %sign3A_565, %sign3A_572 : i32
        %rem3A_574 = arith.remsi %add3A_536, %jit3A_557 : i32
        %ne3A_575 = arith.constant 0 : i32
        %ne3A_576 = arith.cmpi ne, %rem3A_574, %ne3A_575 : i32
        %and3A_577 = arith.andi %ne3A_573, %ne3A_576 : i1
        %sub3A_578 = arith.constant 1 : i32
        %sub3A_579 = arith.subi %div3A_558, %sub3A_578 : i32
        %select_n3A_580 = arith.select %and3A_577, %sub3A_579, %div3A_558 : i32
        %dma_wait3A_581 = tpu.memref_slice %arg4[%select_n3A_580, %mul3A_32, %add3A_556] : memref<13x4096x128xi32, #tpu.memory_space<hbm>> -> memref<1x256x16xi32, #tpu.memory_space<hbm>>
        %dma_wait3A_582 = tpu.memref_squeeze %dma_wait3A_581 : memref<1x256x16xi32, #tpu.memory_space<hbm>> -> memref<256x16xi32, #tpu.memory_space<hbm>>
        %dma_wait3A_583 = tpu.memref_slice %arg4[%select_n3A_580, %mul3A_32, %add3A_556] : memref<13x4096x128xi32, #tpu.memory_space<hbm>> -> memref<1x256x16xi32, #tpu.memory_space<hbm>>
        %dma_wait3A_584 = tpu.memref_squeeze %dma_wait3A_583 : memref<1x256x16xi32, #tpu.memory_space<hbm>> -> memref<256x16xi32, #tpu.memory_space<hbm>>
        tpu.wait_dma2 semaphore(%arg17 : memref<!tpu.dma_semaphore, #tpu.memory_space<semaphore_mem>>) src(%arg9 : memref<256x16xi32, #tpu.memory_space<vmem>>) dst(%dma_wait3A_584 : memref<256x16xi32, #tpu.memory_space<hbm>>)
      } else {
      }
      %add3A_285 = arith.constant 1 : i32
      %add3A_286 = arith.addi %mul3A_241, %add3A_285 : i32
      %dma_start3A_287 = arith.constant 1 : i32
      %dma_start3A_288 = arith.constant 0 : i32
      %dma_start3A_289 = tpu.memref_slice %arg5[%add3A_286, %dma_start3A_287, %dma_start3A_288] : memref<25x2x256xi32, #tpu.memory_space<vmem>> -> memref<1x1x256xi32, #tpu.memory_space<vmem>>
      %dma_start3A_290 = tpu.memref_squeeze %dma_start3A_289 : memref<1x1x256xi32, #tpu.memory_space<vmem>> -> memref<256xi32, #tpu.memory_space<vmem>>
      %dma_start3A_291 = arith.constant 0 : i32
      %dma_start3A_292 = arith.constant 0 : i32
      %dma_start3A_293 = tpu.memref_slice %arg2[%dma_start3A_291, %dma_start3A_292] : memref<1000x16xi32, #tpu.memory_space<hbm>> -> memref<1000x16xi32, #tpu.memory_space<hbm>>
      tpu.enqueue_indirect_dma source(%dma_start3A_293 : memref<1000x16xi32, #tpu.memory_space<hbm>>) target(%arg9 : memref<256x16xi32, #tpu.memory_space<vmem>>) offsets(%dma_start3A_290 : memref<256xi32, #tpu.memory_space<vmem>>) semaphore(%arg13 : memref<!tpu.dma_semaphore, #tpu.memory_space<semaphore_mem>>)
      %add3A_294 = arith.constant 0 : i32
      %add3A_295 = arith.addi %mul3A_241, %add3A_294 : i32
      %dma_wait3A_296 = arith.constant 0 : i32
      %dma_wait3A_297 = arith.constant 0 : i32
      %dma_wait3A_298 = tpu.memref_slice %arg5[%add3A_295, %dma_wait3A_296, %dma_wait3A_297] : memref<25x2x256xi32, #tpu.memory_space<vmem>> -> memref<1x1x256xi32, #tpu.memory_space<vmem>>
      %dma_wait3A_299 = tpu.memref_squeeze %dma_wait3A_298 : memref<1x1x256xi32, #tpu.memory_space<vmem>> -> memref<256xi32, #tpu.memory_space<vmem>>
      %dma_wait3A_300 = arith.constant 0 : i32
      %dma_wait3A_301 = arith.constant 0 : i32
      %dma_wait3A_302 = tpu.memref_slice %arg2[%dma_wait3A_300, %dma_wait3A_301] : memref<1000x16xi32, #tpu.memory_space<hbm>> -> memref<1000x16xi32, #tpu.memory_space<hbm>>
      tpu.wait_indirect_dma semaphore(%arg10 : memref<!tpu.dma_semaphore, #tpu.memory_space<semaphore_mem>>) src(%dma_wait3A_302 : memref<1000x16xi32, #tpu.memory_space<hbm>>) dst(%arg6 : memref<256x16xi32, #tpu.memory_space<vmem>>)
      %add3A_303 = arith.constant 0 : i32
      %add3A_304 = arith.addi %mul3A_241, %add3A_303 : i32
      %add3A_305 = arith.addi %mul3A_34, %add3A_304 : i32
      %jit3A_306 = arith.constant 4 : i32
      %eq3A_307 = arith.constant 0 : i32
      %eq3A_308 = arith.cmpi eq, %jit3A_306, %eq3A_307 : i32
      %jit3A_309 = arith.constant 1 : i32
      %select_n3A_310 = arith.select %eq3A_308, %jit3A_309, %jit3A_306 : i32
      %rem3A_311 = arith.remsi %add3A_305, %select_n3A_310 : i32
      %ne3A_312 = arith.constant 0 : i32
      %ne3A_313 = arith.cmpi ne, %rem3A_311, %ne3A_312 : i32
      %lt3A_314 = arith.constant 0 : i32
      %lt3A_315 = arith.cmpi slt, %rem3A_311, %lt3A_314 : i32
      %lt3A_316 = arith.constant 0 : i32
      %lt3A_317 = arith.cmpi slt, %select_n3A_310, %lt3A_316 : i32
      %ne3A_318 = arith.xori %lt3A_315, %lt3A_317 : i1
      %and3A_319 = arith.andi %ne3A_318, %ne3A_313 : i1
      %add3A_320 = arith.addi %rem3A_311, %select_n3A_310 : i32
      %select_n3A_321 = arith.select %and3A_319, %add3A_320, %rem3A_311 : i32
      %mul3A_322 = arith.constant 16 : i32
      %mul3A_323 = arith.muli %select_n3A_321, %mul3A_322 : i32
      %add3A_324 = arith.constant 0 : i32
      %add3A_325 = arith.addi %add3A_324, %mul3A_323 : i32
      %jit3A_326 = arith.constant 4 : i32
      %div3A_327 = arith.divsi %add3A_305, %jit3A_326 : i32
      %sign3A_328 = arith.constant 0 : i32
      %sign3A_329 = arith.cmpi sgt, %add3A_305, %sign3A_328 : i32
      %sign3A_330 = arith.extui %sign3A_329 : i1 to i32
      %sign3A_331 = arith.constant 0 : i32
      %sign3A_332 = arith.cmpi slt, %add3A_305, %sign3A_331 : i32
      %sign3A_333 = arith.extui %sign3A_332 : i1 to i32
      %sign3A_334 = arith.subi %sign3A_330, %sign3A_333 : i32
      %sign3A_335 = arith.constant 0 : i32
      %sign3A_336 = arith.cmpi sgt, %jit3A_326, %sign3A_335 : i32
      %sign3A_337 = arith.extui %sign3A_336 : i1 to i32
      %sign3A_338 = arith.constant 0 : i32
      %sign3A_339 = arith.cmpi slt, %jit3A_326, %sign3A_338 : i32
      %sign3A_340 = arith.extui %sign3A_339 : i1 to i32
      %sign3A_341 = arith.subi %sign3A_337, %sign3A_340 : i32
      %ne3A_342 = arith.cmpi ne, %sign3A_334, %sign3A_341 : i32
      %rem3A_343 = arith.remsi %add3A_305, %jit3A_326 : i32
      %ne3A_344 = arith.constant 0 : i32
      %ne3A_345 = arith.cmpi ne, %rem3A_343, %ne3A_344 : i32
      %and3A_346 = arith.andi %ne3A_342, %ne3A_345 : i1
      %sub3A_347 = arith.constant 1 : i32
      %sub3A_348 = arith.subi %div3A_327, %sub3A_347 : i32
      %select_n3A_349 = arith.select %and3A_346, %sub3A_348, %div3A_327 : i32
      %dma_start3A_350 = tpu.memref_slice %arg4[%select_n3A_349, %mul3A_32, %add3A_325] : memref<13x4096x128xi32, #tpu.memory_space<hbm>> -> memref<1x256x16xi32, #tpu.memory_space<hbm>>
      %dma_start3A_351 = tpu.memref_squeeze %dma_start3A_350 : memref<1x256x16xi32, #tpu.memory_space<hbm>> -> memref<256x16xi32, #tpu.memory_space<hbm>>
      %dma_start3A_352 = tpu.memref_slice %arg4[%select_n3A_349, %mul3A_32, %add3A_325] : memref<13x4096x128xi32, #tpu.memory_space<hbm>> -> memref<1x256x16xi32, #tpu.memory_space<hbm>>
      %dma_start3A_353 = tpu.memref_squeeze %dma_start3A_352 : memref<1x256x16xi32, #tpu.memory_space<hbm>> -> memref<256x16xi32, #tpu.memory_space<hbm>>
      tpu.enqueue_dma source(%arg6 : memref<256x16xi32, #tpu.memory_space<vmem>>) target(%dma_start3A_353 : memref<256x16xi32, #tpu.memory_space<hbm>>) target_semaphore(%arg14 : memref<!tpu.dma_semaphore, #tpu.memory_space<semaphore_mem>>)
      %add3A_354 = arith.constant 0 : i32
      %add3A_355 = arith.addi %mul3A_241, %add3A_354 : i32
      %dma_wait3A_356 = arith.constant 1 : i32
      %dma_wait3A_357 = arith.constant 0 : i32
      %dma_wait3A_358 = tpu.memref_slice %arg5[%add3A_355, %dma_wait3A_356, %dma_wait3A_357] : memref<25x2x256xi32, #tpu.memory_space<vmem>> -> memref<1x1x256xi32, #tpu.memory_space<vmem>>
      %dma_wait3A_359 = tpu.memref_squeeze %dma_wait3A_358 : memref<1x1x256xi32, #tpu.memory_space<vmem>> -> memref<256xi32, #tpu.memory_space<vmem>>
      %dma_wait3A_360 = arith.constant 0 : i32
      %dma_wait3A_361 = arith.constant 0 : i32
      %dma_wait3A_362 = tpu.memref_slice %arg2[%dma_wait3A_360, %dma_wait3A_361] : memref<1000x16xi32, #tpu.memory_space<hbm>> -> memref<1000x16xi32, #tpu.memory_space<hbm>>
      tpu.wait_indirect_dma semaphore(%arg11 : memref<!tpu.dma_semaphore, #tpu.memory_space<semaphore_mem>>) src(%dma_wait3A_362 : memref<1000x16xi32, #tpu.memory_space<hbm>>) dst(%arg7 : memref<256x16xi32, #tpu.memory_space<vmem>>)
      %add3A_363 = arith.constant 0 : i32
      %add3A_364 = arith.addi %mul3A_241, %add3A_363 : i32
      %add3A_365 = arith.addi %mul3A_34, %add3A_364 : i32
      %jit3A_366 = arith.constant 4 : i32
      %eq3A_367 = arith.constant 0 : i32
      %eq3A_368 = arith.cmpi eq, %jit3A_366, %eq3A_367 : i32
      %jit3A_369 = arith.constant 1 : i32
      %select_n3A_370 = arith.select %eq3A_368, %jit3A_369, %jit3A_366 : i32
      %rem3A_371 = arith.remsi %add3A_365, %select_n3A_370 : i32
      %ne3A_372 = arith.constant 0 : i32
      %ne3A_373 = arith.cmpi ne, %rem3A_371, %ne3A_372 : i32
      %lt3A_374 = arith.constant 0 : i32
      %lt3A_375 = arith.cmpi slt, %rem3A_371, %lt3A_374 : i32
      %lt3A_376 = arith.constant 0 : i32
      %lt3A_377 = arith.cmpi slt, %select_n3A_370, %lt3A_376 : i32
      %ne3A_378 = arith.xori %lt3A_375, %lt3A_377 : i1
      %and3A_379 = arith.andi %ne3A_378, %ne3A_373 : i1
      %add3A_380 = arith.addi %rem3A_371, %select_n3A_370 : i32
      %select_n3A_381 = arith.select %and3A_379, %add3A_380, %rem3A_371 : i32
      %mul3A_382 = arith.constant 16 : i32
      %mul3A_383 = arith.muli %select_n3A_381, %mul3A_382 : i32
      %add3A_384 = arith.constant 64 : i32
      %add3A_385 = arith.addi %add3A_384, %mul3A_383 : i32
      %jit3A_386 = arith.constant 4 : i32
      %div3A_387 = arith.divsi %add3A_365, %jit3A_386 : i32
      %sign3A_388 = arith.constant 0 : i32
      %sign3A_389 = arith.cmpi sgt, %add3A_365, %sign3A_388 : i32
      %sign3A_390 = arith.extui %sign3A_389 : i1 to i32
      %sign3A_391 = arith.constant 0 : i32
      %sign3A_392 = arith.cmpi slt, %add3A_365, %sign3A_391 : i32
      %sign3A_393 = arith.extui %sign3A_392 : i1 to i32
      %sign3A_394 = arith.subi %sign3A_390, %sign3A_393 : i32
      %sign3A_395 = arith.constant 0 : i32
      %sign3A_396 = arith.cmpi sgt, %jit3A_386, %sign3A_395 : i32
      %sign3A_397 = arith.extui %sign3A_396 : i1 to i32
      %sign3A_398 = arith.constant 0 : i32
      %sign3A_399 = arith.cmpi slt, %jit3A_386, %sign3A_398 : i32
      %sign3A_400 = arith.extui %sign3A_399 : i1 to i32
      %sign3A_401 = arith.subi %sign3A_397, %sign3A_400 : i32
      %ne3A_402 = arith.cmpi ne, %sign3A_394, %sign3A_401 : i32
      %rem3A_403 = arith.remsi %add3A_365, %jit3A_386 : i32
      %ne3A_404 = arith.constant 0 : i32
      %ne3A_405 = arith.cmpi ne, %rem3A_403, %ne3A_404 : i32
      %and3A_406 = arith.andi %ne3A_402, %ne3A_405 : i1
      %sub3A_407 = arith.constant 1 : i32
      %sub3A_408 = arith.subi %div3A_387, %sub3A_407 : i32
      %select_n3A_409 = arith.select %and3A_406, %sub3A_408, %div3A_387 : i32
      %dma_start3A_410 = tpu.memref_slice %arg4[%select_n3A_409, %mul3A_32, %add3A_385] : memref<13x4096x128xi32, #tpu.memory_space<hbm>> -> memref<1x256x16xi32, #tpu.memory_space<hbm>>
      %dma_start3A_411 = tpu.memref_squeeze %dma_start3A_410 : memref<1x256x16xi32, #tpu.memory_space<hbm>> -> memref<256x16xi32, #tpu.memory_space<hbm>>
      %dma_start3A_412 = tpu.memref_slice %arg4[%select_n3A_409, %mul3A_32, %add3A_385] : memref<13x4096x128xi32, #tpu.memory_space<hbm>> -> memref<1x256x16xi32, #tpu.memory_space<hbm>>
      %dma_start3A_413 = tpu.memref_squeeze %dma_start3A_412 : memref<1x256x16xi32, #tpu.memory_space<hbm>> -> memref<256x16xi32, #tpu.memory_space<hbm>>
      tpu.enqueue_dma source(%arg7 : memref<256x16xi32, #tpu.memory_space<vmem>>) target(%dma_start3A_413 : memref<256x16xi32, #tpu.memory_space<hbm>>) target_semaphore(%arg15 : memref<!tpu.dma_semaphore, #tpu.memory_space<semaphore_mem>>)
      %add3A_414 = arith.constant 1 : i32
      %add3A_415 = arith.addi %mul3A_241, %add3A_414 : i32
      %dma_wait3A_416 = arith.constant 0 : i32
      %dma_wait3A_417 = arith.constant 0 : i32
      %dma_wait3A_418 = tpu.memref_slice %arg5[%add3A_415, %dma_wait3A_416, %dma_wait3A_417] : memref<25x2x256xi32, #tpu.memory_space<vmem>> -> memref<1x1x256xi32, #tpu.memory_space<vmem>>
      %dma_wait3A_419 = tpu.memref_squeeze %dma_wait3A_418 : memref<1x1x256xi32, #tpu.memory_space<vmem>> -> memref<256xi32, #tpu.memory_space<vmem>>
      %dma_wait3A_420 = arith.constant 0 : i32
      %dma_wait3A_421 = arith.constant 0 : i32
      %dma_wait3A_422 = tpu.memref_slice %arg2[%dma_wait3A_420, %dma_wait3A_421] : memref<1000x16xi32, #tpu.memory_space<hbm>> -> memref<1000x16xi32, #tpu.memory_space<hbm>>
      tpu.wait_indirect_dma semaphore(%arg12 : memref<!tpu.dma_semaphore, #tpu.memory_space<semaphore_mem>>) src(%dma_wait3A_422 : memref<1000x16xi32, #tpu.memory_space<hbm>>) dst(%arg8 : memref<256x16xi32, #tpu.memory_space<vmem>>)
      %add3A_423 = arith.constant 1 : i32
      %add3A_424 = arith.addi %mul3A_241, %add3A_423 : i32
      %add3A_425 = arith.addi %mul3A_34, %add3A_424 : i32
      %jit3A_426 = arith.constant 4 : i32
      %eq3A_427 = arith.constant 0 : i32
      %eq3A_428 = arith.cmpi eq, %jit3A_426, %eq3A_427 : i32
      %jit3A_429 = arith.constant 1 : i32
      %select_n3A_430 = arith.select %eq3A_428, %jit3A_429, %jit3A_426 : i32
      %rem3A_431 = arith.remsi %add3A_425, %select_n3A_430 : i32
      %ne3A_432 = arith.constant 0 : i32
      %ne3A_433 = arith.cmpi ne, %rem3A_431, %ne3A_432 : i32
      %lt3A_434 = arith.constant 0 : i32
      %lt3A_435 = arith.cmpi slt, %rem3A_431, %lt3A_434 : i32
      %lt3A_436 = arith.constant 0 : i32
      %lt3A_437 = arith.cmpi slt, %select_n3A_430, %lt3A_436 : i32
      %ne3A_438 = arith.xori %lt3A_435, %lt3A_437 : i1
      %and3A_439 = arith.andi %ne3A_438, %ne3A_433 : i1
      %add3A_440 = arith.addi %rem3A_431, %select_n3A_430 : i32
      %select_n3A_441 = arith.select %and3A_439, %add3A_440, %rem3A_431 : i32
      %mul3A_442 = arith.constant 16 : i32
      %mul3A_443 = arith.muli %select_n3A_441, %mul3A_442 : i32
      %add3A_444 = arith.constant 0 : i32
      %add3A_445 = arith.addi %add3A_444, %mul3A_443 : i32
      %jit3A_446 = arith.constant 4 : i32
      %div3A_447 = arith.divsi %add3A_425, %jit3A_446 : i32
      %sign3A_448 = arith.constant 0 : i32
      %sign3A_449 = arith.cmpi sgt, %add3A_425, %sign3A_448 : i32
      %sign3A_450 = arith.extui %sign3A_449 : i1 to i32
      %sign3A_451 = arith.constant 0 : i32
      %sign3A_452 = arith.cmpi slt, %add3A_425, %sign3A_451 : i32
      %sign3A_453 = arith.extui %sign3A_452 : i1 to i32
      %sign3A_454 = arith.subi %sign3A_450, %sign3A_453 : i32
      %sign3A_455 = arith.constant 0 : i32
      %sign3A_456 = arith.cmpi sgt, %jit3A_446, %sign3A_455 : i32
      %sign3A_457 = arith.extui %sign3A_456 : i1 to i32
      %sign3A_458 = arith.constant 0 : i32
      %sign3A_459 = arith.cmpi slt, %jit3A_446, %sign3A_458 : i32
      %sign3A_460 = arith.extui %sign3A_459 : i1 to i32
      %sign3A_461 = arith.subi %sign3A_457, %sign3A_460 : i32
      %ne3A_462 = arith.cmpi ne, %sign3A_454, %sign3A_461 : i32
      %rem3A_463 = arith.remsi %add3A_425, %jit3A_446 : i32
      %ne3A_464 = arith.constant 0 : i32
      %ne3A_465 = arith.cmpi ne, %rem3A_463, %ne3A_464 : i32
      %and3A_466 = arith.andi %ne3A_462, %ne3A_465 : i1
      %sub3A_467 = arith.constant 1 : i32
      %sub3A_468 = arith.subi %div3A_447, %sub3A_467 : i32
      %select_n3A_469 = arith.select %and3A_466, %sub3A_468, %div3A_447 : i32
      %dma_start3A_470 = tpu.memref_slice %arg4[%select_n3A_469, %mul3A_32, %add3A_445] : memref<13x4096x128xi32, #tpu.memory_space<hbm>> -> memref<1x256x16xi32, #tpu.memory_space<hbm>>
      %dma_start3A_471 = tpu.memref_squeeze %dma_start3A_470 : memref<1x256x16xi32, #tpu.memory_space<hbm>> -> memref<256x16xi32, #tpu.memory_space<hbm>>
      %dma_start3A_472 = tpu.memref_slice %arg4[%select_n3A_469, %mul3A_32, %add3A_445] : memref<13x4096x128xi32, #tpu.memory_space<hbm>> -> memref<1x256x16xi32, #tpu.memory_space<hbm>>
      %dma_start3A_473 = tpu.memref_squeeze %dma_start3A_472 : memref<1x256x16xi32, #tpu.memory_space<hbm>> -> memref<256x16xi32, #tpu.memory_space<hbm>>
      tpu.enqueue_dma source(%arg8 : memref<256x16xi32, #tpu.memory_space<vmem>>) target(%dma_start3A_473 : memref<256x16xi32, #tpu.memory_space<hbm>>) target_semaphore(%arg16 : memref<!tpu.dma_semaphore, #tpu.memory_space<semaphore_mem>>)
      %add3A_474 = arith.constant 1 : i32
      %add3A_475 = arith.addi %mul3A_241, %add3A_474 : i32
      %dma_wait3A_476 = arith.constant 1 : i32
      %dma_wait3A_477 = arith.constant 0 : i32
      %dma_wait3A_478 = tpu.memref_slice %arg5[%add3A_475, %dma_wait3A_476, %dma_wait3A_477] : memref<25x2x256xi32, #tpu.memory_space<vmem>> -> memref<1x1x256xi32, #tpu.memory_space<vmem>>
      %dma_wait3A_479 = tpu.memref_squeeze %dma_wait3A_478 : memref<1x1x256xi32, #tpu.memory_space<vmem>> -> memref<256xi32, #tpu.memory_space<vmem>>
      %dma_wait3A_480 = arith.constant 0 : i32
      %dma_wait3A_481 = arith.constant 0 : i32
      %dma_wait3A_482 = tpu.memref_slice %arg2[%dma_wait3A_480, %dma_wait3A_481] : memref<1000x16xi32, #tpu.memory_space<hbm>> -> memref<1000x16xi32, #tpu.memory_space<hbm>>
      tpu.wait_indirect_dma semaphore(%arg13 : memref<!tpu.dma_semaphore, #tpu.memory_space<semaphore_mem>>) src(%dma_wait3A_482 : memref<1000x16xi32, #tpu.memory_space<hbm>>) dst(%arg9 : memref<256x16xi32, #tpu.memory_space<vmem>>)
      %add3A_483 = arith.constant 1 : i32
      %add3A_484 = arith.addi %mul3A_241, %add3A_483 : i32
      %add3A_485 = arith.addi %mul3A_34, %add3A_484 : i32
      %jit3A_486 = arith.constant 4 : i32
      %eq3A_487 = arith.constant 0 : i32
      %eq3A_488 = arith.cmpi eq, %jit3A_486, %eq3A_487 : i32
      %jit3A_489 = arith.constant 1 : i32
      %select_n3A_490 = arith.select %eq3A_488, %jit3A_489, %jit3A_486 : i32
      %rem3A_491 = arith.remsi %add3A_485, %select_n3A_490 : i32
      %ne3A_492 = arith.constant 0 : i32
      %ne3A_493 = arith.cmpi ne, %rem3A_491, %ne3A_492 : i32
      %lt3A_494 = arith.constant 0 : i32
      %lt3A_495 = arith.cmpi slt, %rem3A_491, %lt3A_494 : i32
      %lt3A_496 = arith.constant 0 : i32
      %lt3A_497 = arith.cmpi slt, %select_n3A_490, %lt3A_496 : i32
      %ne3A_498 = arith.xori %lt3A_495, %lt3A_497 : i1
      %and3A_499 = arith.andi %ne3A_498, %ne3A_493 : i1
      %add3A_500 = arith.addi %rem3A_491, %select_n3A_490 : i32
      %select_n3A_501 = arith.select %and3A_499, %add3A_500, %rem3A_491 : i32
      %mul3A_502 = arith.constant 16 : i32
      %mul3A_503 = arith.muli %select_n3A_501, %mul3A_502 : i32
      %add3A_504 = arith.constant 64 : i32
      %add3A_505 = arith.addi %add3A_504, %mul3A_503 : i32
      %jit3A_506 = arith.constant 4 : i32
      %div3A_507 = arith.divsi %add3A_485, %jit3A_506 : i32
      %sign3A_508 = arith.constant 0 : i32
      %sign3A_509 = arith.cmpi sgt, %add3A_485, %sign3A_508 : i32
      %sign3A_510 = arith.extui %sign3A_509 : i1 to i32
      %sign3A_511 = arith.constant 0 : i32
      %sign3A_512 = arith.cmpi slt, %add3A_485, %sign3A_511 : i32
      %sign3A_513 = arith.extui %sign3A_512 : i1 to i32
      %sign3A_514 = arith.subi %sign3A_510, %sign3A_513 : i32
      %sign3A_515 = arith.constant 0 : i32
      %sign3A_516 = arith.cmpi sgt, %jit3A_506, %sign3A_515 : i32
      %sign3A_517 = arith.extui %sign3A_516 : i1 to i32
      %sign3A_518 = arith.constant 0 : i32
      %sign3A_519 = arith.cmpi slt, %jit3A_506, %sign3A_518 : i32
      %sign3A_520 = arith.extui %sign3A_519 : i1 to i32
      %sign3A_521 = arith.subi %sign3A_517, %sign3A_520 : i32
      %ne3A_522 = arith.cmpi ne, %sign3A_514, %sign3A_521 : i32
      %rem3A_523 = arith.remsi %add3A_485, %jit3A_506 : i32
      %ne3A_524 = arith.constant 0 : i32
      %ne3A_525 = arith.cmpi ne, %rem3A_523, %ne3A_524 : i32
      %and3A_526 = arith.andi %ne3A_522, %ne3A_525 : i1
      %sub3A_527 = arith.constant 1 : i32
      %sub3A_528 = arith.subi %div3A_507, %sub3A_527 : i32
      %select_n3A_529 = arith.select %and3A_526, %sub3A_528, %div3A_507 : i32
      %dma_start3A_530 = tpu.memref_slice %arg4[%select_n3A_529, %mul3A_32, %add3A_505] : memref<13x4096x128xi32, #tpu.memory_space<hbm>> -> memref<1x256x16xi32, #tpu.memory_space<hbm>>
      %dma_start3A_531 = tpu.memref_squeeze %dma_start3A_530 : memref<1x256x16xi32, #tpu.memory_space<hbm>> -> memref<256x16xi32, #tpu.memory_space<hbm>>
      %dma_start3A_532 = tpu.memref_slice %arg4[%select_n3A_529, %mul3A_32, %add3A_505] : memref<13x4096x128xi32, #tpu.memory_space<hbm>> -> memref<1x256x16xi32, #tpu.memory_space<hbm>>
      %dma_start3A_533 = tpu.memref_squeeze %dma_start3A_532 : memref<1x256x16xi32, #tpu.memory_space<hbm>> -> memref<256x16xi32, #tpu.memory_space<hbm>>
      tpu.enqueue_dma source(%arg9 : memref<256x16xi32, #tpu.memory_space<vmem>>) target(%dma_start3A_533 : memref<256x16xi32, #tpu.memory_space<hbm>>) target_semaphore(%arg17 : memref<!tpu.dma_semaphore, #tpu.memory_space<semaphore_mem>>)
    }
    %scan3A_39 = arith.constant 12 : i32
    %add3A_40 = arith.constant 23 : i32
    %add3A_41 = arith.addi %mul3A_34, %add3A_40 : i32
    %jit3A_42 = arith.constant 4 : i32
    %eq3A_43 = arith.constant 0 : i32
    %eq3A_44 = arith.cmpi eq, %jit3A_42, %eq3A_43 : i32
    %jit3A_45 = arith.constant 1 : i32
    %select_n3A_46 = arith.select %eq3A_44, %jit3A_45, %jit3A_42 : i32
    %rem3A_47 = arith.remsi %add3A_41, %select_n3A_46 : i32
    %ne3A_48 = arith.constant 0 : i32
    %ne3A_49 = arith.cmpi ne, %rem3A_47, %ne3A_48 : i32
    %lt3A_50 = arith.constant 0 : i32
    %lt3A_51 = arith.cmpi slt, %rem3A_47, %lt3A_50 : i32
    %lt3A_52 = arith.constant 0 : i32
    %lt3A_53 = arith.cmpi slt, %select_n3A_46, %lt3A_52 : i32
    %ne3A_54 = arith.xori %lt3A_51, %lt3A_53 : i1
    %and3A_55 = arith.andi %ne3A_54, %ne3A_49 : i1
    %add3A_56 = arith.addi %rem3A_47, %select_n3A_46 : i32
    %select_n3A_57 = arith.select %and3A_55, %add3A_56, %rem3A_47 : i32
    %mul3A_58 = arith.constant 16 : i32
    %mul3A_59 = arith.muli %select_n3A_57, %mul3A_58 : i32
    %add3A_60 = arith.constant 0 : i32
    %add3A_61 = arith.addi %add3A_60, %mul3A_59 : i32
    %jit3A_62 = arith.constant 4 : i32
    %div3A_63 = arith.divsi %add3A_41, %jit3A_62 : i32
    %sign3A_64 = arith.constant 0 : i32
    %sign3A_65 = arith.cmpi sgt, %add3A_41, %sign3A_64 : i32
    %sign3A_66 = arith.extui %sign3A_65 : i1 to i32
    %sign3A_67 = arith.constant 0 : i32
    %sign3A_68 = arith.cmpi slt, %add3A_41, %sign3A_67 : i32
    %sign3A_69 = arith.extui %sign3A_68 : i1 to i32
    %sign3A_70 = arith.subi %sign3A_66, %sign3A_69 : i32
    %sign3A_71 = arith.constant 0 : i32
    %sign3A_72 = arith.cmpi sgt, %jit3A_62, %sign3A_71 : i32
    %sign3A_73 = arith.extui %sign3A_72 : i1 to i32
    %sign3A_74 = arith.constant 0 : i32
    %sign3A_75 = arith.cmpi slt, %jit3A_62, %sign3A_74 : i32
    %sign3A_76 = arith.extui %sign3A_75 : i1 to i32
    %sign3A_77 = arith.subi %sign3A_73, %sign3A_76 : i32
    %ne3A_78 = arith.cmpi ne, %sign3A_70, %sign3A_77 : i32
    %rem3A_79 = arith.remsi %add3A_41, %jit3A_62 : i32
    %ne3A_80 = arith.constant 0 : i32
    %ne3A_81 = arith.cmpi ne, %rem3A_79, %ne3A_80 : i32
    %and3A_82 = arith.andi %ne3A_78, %ne3A_81 : i1
    %sub3A_83 = arith.constant 1 : i32
    %sub3A_84 = arith.subi %div3A_63, %sub3A_83 : i32
    %select_n3A_85 = arith.select %and3A_82, %sub3A_84, %div3A_63 : i32
    %dma_wait3A = tpu.memref_slice %arg4[%select_n3A_85, %mul3A_32, %add3A_61] : memref<13x4096x128xi32, #tpu.memory_space<hbm>> -> memref<1x256x16xi32, #tpu.memory_space<hbm>>
    %dma_wait3A_86 = tpu.memref_squeeze %dma_wait3A : memref<1x256x16xi32, #tpu.memory_space<hbm>> -> memref<256x16xi32, #tpu.memory_space<hbm>>
    %dma_wait3A_87 = tpu.memref_slice %arg4[%select_n3A_85, %mul3A_32, %add3A_61] : memref<13x4096x128xi32, #tpu.memory_space<hbm>> -> memref<1x256x16xi32, #tpu.memory_space<hbm>>
    %dma_wait3A_88 = tpu.memref_squeeze %dma_wait3A_87 : memref<1x256x16xi32, #tpu.memory_space<hbm>> -> memref<256x16xi32, #tpu.memory_space<hbm>>
    tpu.wait_dma2 semaphore(%arg14 : memref<!tpu.dma_semaphore, #tpu.memory_space<semaphore_mem>>) src(%arg6 : memref<256x16xi32, #tpu.memory_space<vmem>>) dst(%dma_wait3A_88 : memref<256x16xi32, #tpu.memory_space<hbm>>)
    %add3A_89 = arith.constant 23 : i32
    %add3A_90 = arith.addi %mul3A_34, %add3A_89 : i32
    %jit3A_91 = arith.constant 4 : i32
    %eq3A_92 = arith.constant 0 : i32
    %eq3A_93 = arith.cmpi eq, %jit3A_91, %eq3A_92 : i32
    %jit3A_94 = arith.constant 1 : i32
    %select_n3A_95 = arith.select %eq3A_93, %jit3A_94, %jit3A_91 : i32
    %rem3A_96 = arith.remsi %add3A_90, %select_n3A_95 : i32
    %ne3A_97 = arith.constant 0 : i32
    %ne3A_98 = arith.cmpi ne, %rem3A_96, %ne3A_97 : i32
    %lt3A_99 = arith.constant 0 : i32
    %lt3A_100 = arith.cmpi slt, %rem3A_96, %lt3A_99 : i32
    %lt3A_101 = arith.constant 0 : i32
    %lt3A_102 = arith.cmpi slt, %select_n3A_95, %lt3A_101 : i32
    %ne3A_103 = arith.xori %lt3A_100, %lt3A_102 : i1
    %and3A_104 = arith.andi %ne3A_103, %ne3A_98 : i1
    %add3A_105 = arith.addi %rem3A_96, %select_n3A_95 : i32
    %select_n3A_106 = arith.select %and3A_104, %add3A_105, %rem3A_96 : i32
    %mul3A_107 = arith.constant 16 : i32
    %mul3A_108 = arith.muli %select_n3A_106, %mul3A_107 : i32
    %add3A_109 = arith.constant 64 : i32
    %add3A_110 = arith.addi %add3A_109, %mul3A_108 : i32
    %jit3A_111 = arith.constant 4 : i32
    %div3A_112 = arith.divsi %add3A_90, %jit3A_111 : i32
    %sign3A_113 = arith.constant 0 : i32
    %sign3A_114 = arith.cmpi sgt, %add3A_90, %sign3A_113 : i32
    %sign3A_115 = arith.extui %sign3A_114 : i1 to i32
    %sign3A_116 = arith.constant 0 : i32
    %sign3A_117 = arith.cmpi slt, %add3A_90, %sign3A_116 : i32
    %sign3A_118 = arith.extui %sign3A_117 : i1 to i32
    %sign3A_119 = arith.subi %sign3A_115, %sign3A_118 : i32
    %sign3A_120 = arith.constant 0 : i32
    %sign3A_121 = arith.cmpi sgt, %jit3A_111, %sign3A_120 : i32
    %sign3A_122 = arith.extui %sign3A_121 : i1 to i32
    %sign3A_123 = arith.constant 0 : i32
    %sign3A_124 = arith.cmpi slt, %jit3A_111, %sign3A_123 : i32
    %sign3A_125 = arith.extui %sign3A_124 : i1 to i32
    %sign3A_126 = arith.subi %sign3A_122, %sign3A_125 : i32
    %ne3A_127 = arith.cmpi ne, %sign3A_119, %sign3A_126 : i32
    %rem3A_128 = arith.remsi %add3A_90, %jit3A_111 : i32
    %ne3A_129 = arith.constant 0 : i32
    %ne3A_130 = arith.cmpi ne, %rem3A_128, %ne3A_129 : i32
    %and3A_131 = arith.andi %ne3A_127, %ne3A_130 : i1
    %sub3A_132 = arith.constant 1 : i32
    %sub3A_133 = arith.subi %div3A_112, %sub3A_132 : i32
    %select_n3A_134 = arith.select %and3A_131, %sub3A_133, %div3A_112 : i32
    %dma_wait3A_135 = tpu.memref_slice %arg4[%select_n3A_134, %mul3A_32, %add3A_110] : memref<13x4096x128xi32, #tpu.memory_space<hbm>> -> memref<1x256x16xi32, #tpu.memory_space<hbm>>
    %dma_wait3A_136 = tpu.memref_squeeze %dma_wait3A_135 : memref<1x256x16xi32, #tpu.memory_space<hbm>> -> memref<256x16xi32, #tpu.memory_space<hbm>>
    %dma_wait3A_137 = tpu.memref_slice %arg4[%select_n3A_134, %mul3A_32, %add3A_110] : memref<13x4096x128xi32, #tpu.memory_space<hbm>> -> memref<1x256x16xi32, #tpu.memory_space<hbm>>
    %dma_wait3A_138 = tpu.memref_squeeze %dma_wait3A_137 : memref<1x256x16xi32, #tpu.memory_space<hbm>> -> memref<256x16xi32, #tpu.memory_space<hbm>>
    tpu.wait_dma2 semaphore(%arg15 : memref<!tpu.dma_semaphore, #tpu.memory_space<semaphore_mem>>) src(%arg7 : memref<256x16xi32, #tpu.memory_space<vmem>>) dst(%dma_wait3A_138 : memref<256x16xi32, #tpu.memory_space<hbm>>)
    %add3A_139 = arith.constant 24 : i32
    %add3A_140 = arith.addi %mul3A_34, %add3A_139 : i32
    %jit3A_141 = arith.constant 4 : i32
    %eq3A_142 = arith.constant 0 : i32
    %eq3A_143 = arith.cmpi eq, %jit3A_141, %eq3A_142 : i32
    %jit3A_144 = arith.constant 1 : i32
    %select_n3A_145 = arith.select %eq3A_143, %jit3A_144, %jit3A_141 : i32
    %rem3A_146 = arith.remsi %add3A_140, %select_n3A_145 : i32
    %ne3A_147 = arith.constant 0 : i32
    %ne3A_148 = arith.cmpi ne, %rem3A_146, %ne3A_147 : i32
    %lt3A_149 = arith.constant 0 : i32
    %lt3A_150 = arith.cmpi slt, %rem3A_146, %lt3A_149 : i32
    %lt3A_151 = arith.constant 0 : i32
    %lt3A_152 = arith.cmpi slt, %select_n3A_145, %lt3A_151 : i32
    %ne3A_153 = arith.xori %lt3A_150, %lt3A_152 : i1
    %and3A_154 = arith.andi %ne3A_153, %ne3A_148 : i1
    %add3A_155 = arith.addi %rem3A_146, %select_n3A_145 : i32
    %select_n3A_156 = arith.select %and3A_154, %add3A_155, %rem3A_146 : i32
    %mul3A_157 = arith.constant 16 : i32
    %mul3A_158 = arith.muli %select_n3A_156, %mul3A_157 : i32
    %add3A_159 = arith.constant 0 : i32
    %add3A_160 = arith.addi %add3A_159, %mul3A_158 : i32
    %jit3A_161 = arith.constant 4 : i32
    %div3A_162 = arith.divsi %add3A_140, %jit3A_161 : i32
    %sign3A_163 = arith.constant 0 : i32
    %sign3A_164 = arith.cmpi sgt, %add3A_140, %sign3A_163 : i32
    %sign3A_165 = arith.extui %sign3A_164 : i1 to i32
    %sign3A_166 = arith.constant 0 : i32
    %sign3A_167 = arith.cmpi slt, %add3A_140, %sign3A_166 : i32
    %sign3A_168 = arith.extui %sign3A_167 : i1 to i32
    %sign3A_169 = arith.subi %sign3A_165, %sign3A_168 : i32
    %sign3A_170 = arith.constant 0 : i32
    %sign3A_171 = arith.cmpi sgt, %jit3A_161, %sign3A_170 : i32
    %sign3A_172 = arith.extui %sign3A_171 : i1 to i32
    %sign3A_173 = arith.constant 0 : i32
    %sign3A_174 = arith.cmpi slt, %jit3A_161, %sign3A_173 : i32
    %sign3A_175 = arith.extui %sign3A_174 : i1 to i32
    %sign3A_176 = arith.subi %sign3A_172, %sign3A_175 : i32
    %ne3A_177 = arith.cmpi ne, %sign3A_169, %sign3A_176 : i32
    %rem3A_178 = arith.remsi %add3A_140, %jit3A_161 : i32
    %ne3A_179 = arith.constant 0 : i32
    %ne3A_180 = arith.cmpi ne, %rem3A_178, %ne3A_179 : i32
    %and3A_181 = arith.andi %ne3A_177, %ne3A_180 : i1
    %sub3A_182 = arith.constant 1 : i32
    %sub3A_183 = arith.subi %div3A_162, %sub3A_182 : i32
    %select_n3A_184 = arith.select %and3A_181, %sub3A_183, %div3A_162 : i32
    %dma_wait3A_185 = tpu.memref_slice %arg4[%select_n3A_184, %mul3A_32, %add3A_160] : memref<13x4096x128xi32, #tpu.memory_space<hbm>> -> memref<1x256x16xi32, #tpu.memory_space<hbm>>
    %dma_wait3A_186 = tpu.memref_squeeze %dma_wait3A_185 : memref<1x256x16xi32, #tpu.memory_space<hbm>> -> memref<256x16xi32, #tpu.memory_space<hbm>>
    %dma_wait3A_187 = tpu.memref_slice %arg4[%select_n3A_184, %mul3A_32, %add3A_160] : memref<13x4096x128xi32, #tpu.memory_space<hbm>> -> memref<1x256x16xi32, #tpu.memory_space<hbm>>
    %dma_wait3A_188 = tpu.memref_squeeze %dma_wait3A_187 : memref<1x256x16xi32, #tpu.memory_space<hbm>> -> memref<256x16xi32, #tpu.memory_space<hbm>>
    tpu.wait_dma2 semaphore(%arg16 : memref<!tpu.dma_semaphore, #tpu.memory_space<semaphore_mem>>) src(%arg8 : memref<256x16xi32, #tpu.memory_space<vmem>>) dst(%dma_wait3A_188 : memref<256x16xi32, #tpu.memory_space<hbm>>)
    %add3A_189 = arith.constant 24 : i32
    %add3A_190 = arith.addi %mul3A_34, %add3A_189 : i32
    %jit3A_191 = arith.constant 4 : i32
    %eq3A_192 = arith.constant 0 : i32
    %eq3A_193 = arith.cmpi eq, %jit3A_191, %eq3A_192 : i32
    %jit3A_194 = arith.constant 1 : i32
    %select_n3A_195 = arith.select %eq3A_193, %jit3A_194, %jit3A_191 : i32
    %rem3A_196 = arith.remsi %add3A_190, %select_n3A_195 : i32
    %ne3A_197 = arith.constant 0 : i32
    %ne3A_198 = arith.cmpi ne, %rem3A_196, %ne3A_197 : i32
    %lt3A_199 = arith.constant 0 : i32
    %lt3A_200 = arith.cmpi slt, %rem3A_196, %lt3A_199 : i32
    %lt3A_201 = arith.constant 0 : i32
    %lt3A_202 = arith.cmpi slt, %select_n3A_195, %lt3A_201 : i32
    %ne3A_203 = arith.xori %lt3A_200, %lt3A_202 : i1
    %and3A_204 = arith.andi %ne3A_203, %ne3A_198 : i1
    %add3A_205 = arith.addi %rem3A_196, %select_n3A_195 : i32
    %select_n3A_206 = arith.select %and3A_204, %add3A_205, %rem3A_196 : i32
    %mul3A_207 = arith.constant 16 : i32
    %mul3A_208 = arith.muli %select_n3A_206, %mul3A_207 : i32
    %add3A_209 = arith.constant 64 : i32
    %add3A_210 = arith.addi %add3A_209, %mul3A_208 : i32
    %jit3A_211 = arith.constant 4 : i32
    %div3A_212 = arith.divsi %add3A_190, %jit3A_211 : i32
    %sign3A_213 = arith.constant 0 : i32
    %sign3A_214 = arith.cmpi sgt, %add3A_190, %sign3A_213 : i32
    %sign3A_215 = arith.extui %sign3A_214 : i1 to i32
    %sign3A_216 = arith.constant 0 : i32
    %sign3A_217 = arith.cmpi slt, %add3A_190, %sign3A_216 : i32
    %sign3A_218 = arith.extui %sign3A_217 : i1 to i32
    %sign3A_219 = arith.subi %sign3A_215, %sign3A_218 : i32
    %sign3A_220 = arith.constant 0 : i32
    %sign3A_221 = arith.cmpi sgt, %jit3A_211, %sign3A_220 : i32
    %sign3A_222 = arith.extui %sign3A_221 : i1 to i32
    %sign3A_223 = arith.constant 0 : i32
    %sign3A_224 = arith.cmpi slt, %jit3A_211, %sign3A_223 : i32
    %sign3A_225 = arith.extui %sign3A_224 : i1 to i32
    %sign3A_226 = arith.subi %sign3A_222, %sign3A_225 : i32
    %ne3A_227 = arith.cmpi ne, %sign3A_219, %sign3A_226 : i32
    %rem3A_228 = arith.remsi %add3A_190, %jit3A_211 : i32
    %ne3A_229 = arith.constant 0 : i32
    %ne3A_230 = arith.cmpi ne, %rem3A_228, %ne3A_229 : i32
    %and3A_231 = arith.andi %ne3A_227, %ne3A_230 : i1
    %sub3A_232 = arith.constant 1 : i32
    %sub3A_233 = arith.subi %div3A_212, %sub3A_232 : i32
    %select_n3A_234 = arith.select %and3A_231, %sub3A_233, %div3A_212 : i32
    %dma_wait3A_235 = tpu.memref_slice %arg4[%select_n3A_234, %mul3A_32, %add3A_210] : memref<13x4096x128xi32, #tpu.memory_space<hbm>> -> memref<1x256x16xi32, #tpu.memory_space<hbm>>
    %dma_wait3A_236 = tpu.memref_squeeze %dma_wait3A_235 : memref<1x256x16xi32, #tpu.memory_space<hbm>> -> memref<256x16xi32, #tpu.memory_space<hbm>>
    %dma_wait3A_237 = tpu.memref_slice %arg4[%select_n3A_234, %mul3A_32, %add3A_210] : memref<13x4096x128xi32, #tpu.memory_space<hbm>> -> memref<1x256x16xi32, #tpu.memory_space<hbm>>
    %dma_wait3A_238 = tpu.memref_squeeze %dma_wait3A_237 : memref<1x256x16xi32, #tpu.memory_space<hbm>> -> memref<256x16xi32, #tpu.memory_space<hbm>>
    tpu.wait_dma2 semaphore(%arg17 : memref<!tpu.dma_semaphore, #tpu.memory_space<semaphore_mem>>) src(%arg9 : memref<256x16xi32, #tpu.memory_space<vmem>>) dst(%dma_wait3A_238 : memref<256x16xi32, #tpu.memory_space<hbm>>)
    return
  }
}

module attributes {stable_mosaic.version = 14 : i64} {
  func.func @body(%arg0: i32, %arg1: memref<13x512x128xi32, #tpu.memory_space<vmem>>, %arg2: memref<13x64x512xbf16, #tpu.memory_space<vmem>>, %arg3: memref<1x256xf32, #tpu.memory_space<vmem>>, %arg4: memref<256x10xf32, #tpu.memory_space<vmem>>, %arg5: memref<1x10xf32, #tpu.memory_space<vmem>>, %arg6: memref<1024x20xf32, #tpu.memory_space<vmem>>) attributes {dimension_semantics = [#tpu.dimension_semantics<arbitrary>], iteration_bounds = array<i64: 8>, scalar_prefetch = 0 : i64, scratch_operands = 0 : i64, tpu.core_type = #tpu.core_type<tc>, window_params = [{transform_indices = @transform_0, window_bounds = array<i64: 13, 512, 128>}, {pipeline_mode = #tpu.pipeline_mode<synchronous>, transform_indices = @transform_1, window_bounds = array<i64: 13, 64, 512>}, {pipeline_mode = #tpu.pipeline_mode<synchronous>, transform_indices = @transform_2, window_bounds = array<i64: 1, 256>}, {pipeline_mode = #tpu.pipeline_mode<synchronous>, transform_indices = @transform_3, window_bounds = array<i64: 256, 10>}, {pipeline_mode = #tpu.pipeline_mode<synchronous>, transform_indices = @transform_4, window_bounds = array<i64: 1, 10>}, {transform_indices = @transform_5, window_bounds = array<i64: 1024, 20>}]} {
    %get3A = arith.constant 0 : index
    %get3A_0 = arith.constant 0 : index
    %get3A_1 = arith.constant 0 : index
    %get3A_2 = vector.load %arg1[%get3A, %get3A_0, %get3A_1] : memref<13x512x128xi32, #tpu.memory_space<vmem>>, vector<1x512x128xi32>
    %get3A_3 = vector.shape_cast %get3A_2 : vector<1x512x128xi32> to vector<512x128xi32>
    %slice3A = vector.extract_strided_slice %get3A_3 {offsets = [0, 0], sizes = [512, 64], strides = [1, 1]} : vector<512x128xi32> to vector<512x64xi32>
    %bitcast3A = tpu.bitcast %slice3A : vector<512x64xi32> -> vector<1024x64xbf16>
    %get3A_4 = arith.constant 0 : index
    %get3A_5 = arith.constant 0 : index
    %get3A_6 = arith.constant 0 : index
    %get3A_7 = vector.load %arg2[%get3A_4, %get3A_5, %get3A_6] : memref<13x64x512xbf16, #tpu.memory_space<vmem>>, vector<1x64x512xbf16>
    %get3A_8 = vector.shape_cast %get3A_7 : vector<1x64x512xbf16> to vector<64x512xbf16>
    %dot_general3A = arith.constant dense<0.000000e+00> : vector<1024x512xf32>
    %dot_general3A_9 = tpu.matmul %bitcast3A, %get3A_8, %dot_general3A {dimension_numbers = #tpu.dot_dimension_numbers<[1], [0], [0], [1], [0, 0, 1, 1], [], []>, transpose_lhs_hint = false} : vector<1024x64xbf16>, vector<64x512xbf16>, vector<1024x512xf32> -> vector<1024x512xf32>
    %get3A_10 = arith.constant 1 : index
    %get3A_11 = arith.constant 0 : index
    %get3A_12 = arith.constant 0 : index
    %get3A_13 = vector.load %arg1[%get3A_10, %get3A_11, %get3A_12] : memref<13x512x128xi32, #tpu.memory_space<vmem>>, vector<1x512x128xi32>
    %get3A_14 = vector.shape_cast %get3A_13 : vector<1x512x128xi32> to vector<512x128xi32>
    %slice3A_15 = vector.extract_strided_slice %get3A_14 {offsets = [0, 0], sizes = [512, 64], strides = [1, 1]} : vector<512x128xi32> to vector<512x64xi32>
    %bitcast3A_16 = tpu.bitcast %slice3A_15 : vector<512x64xi32> -> vector<1024x64xbf16>
    %get3A_17 = arith.constant 1 : index
    %get3A_18 = arith.constant 0 : index
    %get3A_19 = arith.constant 0 : index
    %get3A_20 = vector.load %arg2[%get3A_17, %get3A_18, %get3A_19] : memref<13x64x512xbf16, #tpu.memory_space<vmem>>, vector<1x64x512xbf16>
    %get3A_21 = vector.shape_cast %get3A_20 : vector<1x64x512xbf16> to vector<64x512xbf16>
    %dot_general3A_22 = arith.constant dense<0.000000e+00> : vector<1024x512xf32>
    %dot_general3A_23 = tpu.matmul %bitcast3A_16, %get3A_21, %dot_general3A_22 {dimension_numbers = #tpu.dot_dimension_numbers<[1], [0], [0], [1], [0, 0, 1, 1], [], []>, transpose_lhs_hint = false} : vector<1024x64xbf16>, vector<64x512xbf16>, vector<1024x512xf32> -> vector<1024x512xf32>
    %add3A = arith.addf %dot_general3A_9, %dot_general3A_23 : vector<1024x512xf32>
    %get3A_24 = arith.constant 2 : index
    %get3A_25 = arith.constant 0 : index
    %get3A_26 = arith.constant 0 : index
    %get3A_27 = vector.load %arg1[%get3A_24, %get3A_25, %get3A_26] : memref<13x512x128xi32, #tpu.memory_space<vmem>>, vector<1x512x128xi32>
    %get3A_28 = vector.shape_cast %get3A_27 : vector<1x512x128xi32> to vector<512x128xi32>
    %slice3A_29 = vector.extract_strided_slice %get3A_28 {offsets = [0, 0], sizes = [512, 64], strides = [1, 1]} : vector<512x128xi32> to vector<512x64xi32>
    %bitcast3A_30 = tpu.bitcast %slice3A_29 : vector<512x64xi32> -> vector<1024x64xbf16>
    %get3A_31 = arith.constant 2 : index
    %get3A_32 = arith.constant 0 : index
    %get3A_33 = arith.constant 0 : index
    %get3A_34 = vector.load %arg2[%get3A_31, %get3A_32, %get3A_33] : memref<13x64x512xbf16, #tpu.memory_space<vmem>>, vector<1x64x512xbf16>
    %get3A_35 = vector.shape_cast %get3A_34 : vector<1x64x512xbf16> to vector<64x512xbf16>
    %dot_general3A_36 = arith.constant dense<0.000000e+00> : vector<1024x512xf32>
    %dot_general3A_37 = tpu.matmul %bitcast3A_30, %get3A_35, %dot_general3A_36 {dimension_numbers = #tpu.dot_dimension_numbers<[1], [0], [0], [1], [0, 0, 1, 1], [], []>, transpose_lhs_hint = false} : vector<1024x64xbf16>, vector<64x512xbf16>, vector<1024x512xf32> -> vector<1024x512xf32>
    %add3A_38 = arith.addf %add3A, %dot_general3A_37 : vector<1024x512xf32>
    %get3A_39 = arith.constant 3 : index
    %get3A_40 = arith.constant 0 : index
    %get3A_41 = arith.constant 0 : index
    %get3A_42 = vector.load %arg1[%get3A_39, %get3A_40, %get3A_41] : memref<13x512x128xi32, #tpu.memory_space<vmem>>, vector<1x512x128xi32>
    %get3A_43 = vector.shape_cast %get3A_42 : vector<1x512x128xi32> to vector<512x128xi32>
    %slice3A_44 = vector.extract_strided_slice %get3A_43 {offsets = [0, 0], sizes = [512, 64], strides = [1, 1]} : vector<512x128xi32> to vector<512x64xi32>
    %bitcast3A_45 = tpu.bitcast %slice3A_44 : vector<512x64xi32> -> vector<1024x64xbf16>
    %get3A_46 = arith.constant 3 : index
    %get3A_47 = arith.constant 0 : index
    %get3A_48 = arith.constant 0 : index
    %get3A_49 = vector.load %arg2[%get3A_46, %get3A_47, %get3A_48] : memref<13x64x512xbf16, #tpu.memory_space<vmem>>, vector<1x64x512xbf16>
    %get3A_50 = vector.shape_cast %get3A_49 : vector<1x64x512xbf16> to vector<64x512xbf16>
    %dot_general3A_51 = arith.constant dense<0.000000e+00> : vector<1024x512xf32>
    %dot_general3A_52 = tpu.matmul %bitcast3A_45, %get3A_50, %dot_general3A_51 {dimension_numbers = #tpu.dot_dimension_numbers<[1], [0], [0], [1], [0, 0, 1, 1], [], []>, transpose_lhs_hint = false} : vector<1024x64xbf16>, vector<64x512xbf16>, vector<1024x512xf32> -> vector<1024x512xf32>
    %add3A_53 = arith.addf %add3A_38, %dot_general3A_52 : vector<1024x512xf32>
    %get3A_54 = arith.constant 4 : index
    %get3A_55 = arith.constant 0 : index
    %get3A_56 = arith.constant 0 : index
    %get3A_57 = vector.load %arg1[%get3A_54, %get3A_55, %get3A_56] : memref<13x512x128xi32, #tpu.memory_space<vmem>>, vector<1x512x128xi32>
    %get3A_58 = vector.shape_cast %get3A_57 : vector<1x512x128xi32> to vector<512x128xi32>
    %slice3A_59 = vector.extract_strided_slice %get3A_58 {offsets = [0, 0], sizes = [512, 64], strides = [1, 1]} : vector<512x128xi32> to vector<512x64xi32>
    %bitcast3A_60 = tpu.bitcast %slice3A_59 : vector<512x64xi32> -> vector<1024x64xbf16>
    %get3A_61 = arith.constant 4 : index
    %get3A_62 = arith.constant 0 : index
    %get3A_63 = arith.constant 0 : index
    %get3A_64 = vector.load %arg2[%get3A_61, %get3A_62, %get3A_63] : memref<13x64x512xbf16, #tpu.memory_space<vmem>>, vector<1x64x512xbf16>
    %get3A_65 = vector.shape_cast %get3A_64 : vector<1x64x512xbf16> to vector<64x512xbf16>
    %dot_general3A_66 = arith.constant dense<0.000000e+00> : vector<1024x512xf32>
    %dot_general3A_67 = tpu.matmul %bitcast3A_60, %get3A_65, %dot_general3A_66 {dimension_numbers = #tpu.dot_dimension_numbers<[1], [0], [0], [1], [0, 0, 1, 1], [], []>, transpose_lhs_hint = false} : vector<1024x64xbf16>, vector<64x512xbf16>, vector<1024x512xf32> -> vector<1024x512xf32>
    %add3A_68 = arith.addf %add3A_53, %dot_general3A_67 : vector<1024x512xf32>
    %get3A_69 = arith.constant 5 : index
    %get3A_70 = arith.constant 0 : index
    %get3A_71 = arith.constant 0 : index
    %get3A_72 = vector.load %arg1[%get3A_69, %get3A_70, %get3A_71] : memref<13x512x128xi32, #tpu.memory_space<vmem>>, vector<1x512x128xi32>
    %get3A_73 = vector.shape_cast %get3A_72 : vector<1x512x128xi32> to vector<512x128xi32>
    %slice3A_74 = vector.extract_strided_slice %get3A_73 {offsets = [0, 0], sizes = [512, 64], strides = [1, 1]} : vector<512x128xi32> to vector<512x64xi32>
    %bitcast3A_75 = tpu.bitcast %slice3A_74 : vector<512x64xi32> -> vector<1024x64xbf16>
    %get3A_76 = arith.constant 5 : index
    %get3A_77 = arith.constant 0 : index
    %get3A_78 = arith.constant 0 : index
    %get3A_79 = vector.load %arg2[%get3A_76, %get3A_77, %get3A_78] : memref<13x64x512xbf16, #tpu.memory_space<vmem>>, vector<1x64x512xbf16>
    %get3A_80 = vector.shape_cast %get3A_79 : vector<1x64x512xbf16> to vector<64x512xbf16>
    %dot_general3A_81 = arith.constant dense<0.000000e+00> : vector<1024x512xf32>
    %dot_general3A_82 = tpu.matmul %bitcast3A_75, %get3A_80, %dot_general3A_81 {dimension_numbers = #tpu.dot_dimension_numbers<[1], [0], [0], [1], [0, 0, 1, 1], [], []>, transpose_lhs_hint = false} : vector<1024x64xbf16>, vector<64x512xbf16>, vector<1024x512xf32> -> vector<1024x512xf32>
    %add3A_83 = arith.addf %add3A_68, %dot_general3A_82 : vector<1024x512xf32>
    %get3A_84 = arith.constant 6 : index
    %get3A_85 = arith.constant 0 : index
    %get3A_86 = arith.constant 0 : index
    %get3A_87 = vector.load %arg1[%get3A_84, %get3A_85, %get3A_86] : memref<13x512x128xi32, #tpu.memory_space<vmem>>, vector<1x512x128xi32>
    %get3A_88 = vector.shape_cast %get3A_87 : vector<1x512x128xi32> to vector<512x128xi32>
    %slice3A_89 = vector.extract_strided_slice %get3A_88 {offsets = [0, 0], sizes = [512, 64], strides = [1, 1]} : vector<512x128xi32> to vector<512x64xi32>
    %bitcast3A_90 = tpu.bitcast %slice3A_89 : vector<512x64xi32> -> vector<1024x64xbf16>
    %get3A_91 = arith.constant 6 : index
    %get3A_92 = arith.constant 0 : index
    %get3A_93 = arith.constant 0 : index
    %get3A_94 = vector.load %arg2[%get3A_91, %get3A_92, %get3A_93] : memref<13x64x512xbf16, #tpu.memory_space<vmem>>, vector<1x64x512xbf16>
    %get3A_95 = vector.shape_cast %get3A_94 : vector<1x64x512xbf16> to vector<64x512xbf16>
    %dot_general3A_96 = arith.constant dense<0.000000e+00> : vector<1024x512xf32>
    %dot_general3A_97 = tpu.matmul %bitcast3A_90, %get3A_95, %dot_general3A_96 {dimension_numbers = #tpu.dot_dimension_numbers<[1], [0], [0], [1], [0, 0, 1, 1], [], []>, transpose_lhs_hint = false} : vector<1024x64xbf16>, vector<64x512xbf16>, vector<1024x512xf32> -> vector<1024x512xf32>
    %add3A_98 = arith.addf %add3A_83, %dot_general3A_97 : vector<1024x512xf32>
    %get3A_99 = arith.constant 7 : index
    %get3A_100 = arith.constant 0 : index
    %get3A_101 = arith.constant 0 : index
    %get3A_102 = vector.load %arg1[%get3A_99, %get3A_100, %get3A_101] : memref<13x512x128xi32, #tpu.memory_space<vmem>>, vector<1x512x128xi32>
    %get3A_103 = vector.shape_cast %get3A_102 : vector<1x512x128xi32> to vector<512x128xi32>
    %slice3A_104 = vector.extract_strided_slice %get3A_103 {offsets = [0, 0], sizes = [512, 64], strides = [1, 1]} : vector<512x128xi32> to vector<512x64xi32>
    %bitcast3A_105 = tpu.bitcast %slice3A_104 : vector<512x64xi32> -> vector<1024x64xbf16>
    %get3A_106 = arith.constant 7 : index
    %get3A_107 = arith.constant 0 : index
    %get3A_108 = arith.constant 0 : index
    %get3A_109 = vector.load %arg2[%get3A_106, %get3A_107, %get3A_108] : memref<13x64x512xbf16, #tpu.memory_space<vmem>>, vector<1x64x512xbf16>
    %get3A_110 = vector.shape_cast %get3A_109 : vector<1x64x512xbf16> to vector<64x512xbf16>
    %dot_general3A_111 = arith.constant dense<0.000000e+00> : vector<1024x512xf32>
    %dot_general3A_112 = tpu.matmul %bitcast3A_105, %get3A_110, %dot_general3A_111 {dimension_numbers = #tpu.dot_dimension_numbers<[1], [0], [0], [1], [0, 0, 1, 1], [], []>, transpose_lhs_hint = false} : vector<1024x64xbf16>, vector<64x512xbf16>, vector<1024x512xf32> -> vector<1024x512xf32>
    %add3A_113 = arith.addf %add3A_98, %dot_general3A_112 : vector<1024x512xf32>
    %get3A_114 = arith.constant 8 : index
    %get3A_115 = arith.constant 0 : index
    %get3A_116 = arith.constant 0 : index
    %get3A_117 = vector.load %arg1[%get3A_114, %get3A_115, %get3A_116] : memref<13x512x128xi32, #tpu.memory_space<vmem>>, vector<1x512x128xi32>
    %get3A_118 = vector.shape_cast %get3A_117 : vector<1x512x128xi32> to vector<512x128xi32>
    %slice3A_119 = vector.extract_strided_slice %get3A_118 {offsets = [0, 0], sizes = [512, 64], strides = [1, 1]} : vector<512x128xi32> to vector<512x64xi32>
    %bitcast3A_120 = tpu.bitcast %slice3A_119 : vector<512x64xi32> -> vector<1024x64xbf16>
    %get3A_121 = arith.constant 8 : index
    %get3A_122 = arith.constant 0 : index
    %get3A_123 = arith.constant 0 : index
    %get3A_124 = vector.load %arg2[%get3A_121, %get3A_122, %get3A_123] : memref<13x64x512xbf16, #tpu.memory_space<vmem>>, vector<1x64x512xbf16>
    %get3A_125 = vector.shape_cast %get3A_124 : vector<1x64x512xbf16> to vector<64x512xbf16>
    %dot_general3A_126 = arith.constant dense<0.000000e+00> : vector<1024x512xf32>
    %dot_general3A_127 = tpu.matmul %bitcast3A_120, %get3A_125, %dot_general3A_126 {dimension_numbers = #tpu.dot_dimension_numbers<[1], [0], [0], [1], [0, 0, 1, 1], [], []>, transpose_lhs_hint = false} : vector<1024x64xbf16>, vector<64x512xbf16>, vector<1024x512xf32> -> vector<1024x512xf32>
    %add3A_128 = arith.addf %add3A_113, %dot_general3A_127 : vector<1024x512xf32>
    %get3A_129 = arith.constant 9 : index
    %get3A_130 = arith.constant 0 : index
    %get3A_131 = arith.constant 0 : index
    %get3A_132 = vector.load %arg1[%get3A_129, %get3A_130, %get3A_131] : memref<13x512x128xi32, #tpu.memory_space<vmem>>, vector<1x512x128xi32>
    %get3A_133 = vector.shape_cast %get3A_132 : vector<1x512x128xi32> to vector<512x128xi32>
    %slice3A_134 = vector.extract_strided_slice %get3A_133 {offsets = [0, 0], sizes = [512, 64], strides = [1, 1]} : vector<512x128xi32> to vector<512x64xi32>
    %bitcast3A_135 = tpu.bitcast %slice3A_134 : vector<512x64xi32> -> vector<1024x64xbf16>
    %get3A_136 = arith.constant 9 : index
    %get3A_137 = arith.constant 0 : index
    %get3A_138 = arith.constant 0 : index
    %get3A_139 = vector.load %arg2[%get3A_136, %get3A_137, %get3A_138] : memref<13x64x512xbf16, #tpu.memory_space<vmem>>, vector<1x64x512xbf16>
    %get3A_140 = vector.shape_cast %get3A_139 : vector<1x64x512xbf16> to vector<64x512xbf16>
    %dot_general3A_141 = arith.constant dense<0.000000e+00> : vector<1024x512xf32>
    %dot_general3A_142 = tpu.matmul %bitcast3A_135, %get3A_140, %dot_general3A_141 {dimension_numbers = #tpu.dot_dimension_numbers<[1], [0], [0], [1], [0, 0, 1, 1], [], []>, transpose_lhs_hint = false} : vector<1024x64xbf16>, vector<64x512xbf16>, vector<1024x512xf32> -> vector<1024x512xf32>
    %add3A_143 = arith.addf %add3A_128, %dot_general3A_142 : vector<1024x512xf32>
    %get3A_144 = arith.constant 10 : index
    %get3A_145 = arith.constant 0 : index
    %get3A_146 = arith.constant 0 : index
    %get3A_147 = vector.load %arg1[%get3A_144, %get3A_145, %get3A_146] : memref<13x512x128xi32, #tpu.memory_space<vmem>>, vector<1x512x128xi32>
    %get3A_148 = vector.shape_cast %get3A_147 : vector<1x512x128xi32> to vector<512x128xi32>
    %slice3A_149 = vector.extract_strided_slice %get3A_148 {offsets = [0, 0], sizes = [512, 64], strides = [1, 1]} : vector<512x128xi32> to vector<512x64xi32>
    %bitcast3A_150 = tpu.bitcast %slice3A_149 : vector<512x64xi32> -> vector<1024x64xbf16>
    %get3A_151 = arith.constant 10 : index
    %get3A_152 = arith.constant 0 : index
    %get3A_153 = arith.constant 0 : index
    %get3A_154 = vector.load %arg2[%get3A_151, %get3A_152, %get3A_153] : memref<13x64x512xbf16, #tpu.memory_space<vmem>>, vector<1x64x512xbf16>
    %get3A_155 = vector.shape_cast %get3A_154 : vector<1x64x512xbf16> to vector<64x512xbf16>
    %dot_general3A_156 = arith.constant dense<0.000000e+00> : vector<1024x512xf32>
    %dot_general3A_157 = tpu.matmul %bitcast3A_150, %get3A_155, %dot_general3A_156 {dimension_numbers = #tpu.dot_dimension_numbers<[1], [0], [0], [1], [0, 0, 1, 1], [], []>, transpose_lhs_hint = false} : vector<1024x64xbf16>, vector<64x512xbf16>, vector<1024x512xf32> -> vector<1024x512xf32>
    %add3A_158 = arith.addf %add3A_143, %dot_general3A_157 : vector<1024x512xf32>
    %get3A_159 = arith.constant 11 : index
    %get3A_160 = arith.constant 0 : index
    %get3A_161 = arith.constant 0 : index
    %get3A_162 = vector.load %arg1[%get3A_159, %get3A_160, %get3A_161] : memref<13x512x128xi32, #tpu.memory_space<vmem>>, vector<1x512x128xi32>
    %get3A_163 = vector.shape_cast %get3A_162 : vector<1x512x128xi32> to vector<512x128xi32>
    %slice3A_164 = vector.extract_strided_slice %get3A_163 {offsets = [0, 0], sizes = [512, 64], strides = [1, 1]} : vector<512x128xi32> to vector<512x64xi32>
    %bitcast3A_165 = tpu.bitcast %slice3A_164 : vector<512x64xi32> -> vector<1024x64xbf16>
    %get3A_166 = arith.constant 11 : index
    %get3A_167 = arith.constant 0 : index
    %get3A_168 = arith.constant 0 : index
    %get3A_169 = vector.load %arg2[%get3A_166, %get3A_167, %get3A_168] : memref<13x64x512xbf16, #tpu.memory_space<vmem>>, vector<1x64x512xbf16>
    %get3A_170 = vector.shape_cast %get3A_169 : vector<1x64x512xbf16> to vector<64x512xbf16>
    %dot_general3A_171 = arith.constant dense<0.000000e+00> : vector<1024x512xf32>
    %dot_general3A_172 = tpu.matmul %bitcast3A_165, %get3A_170, %dot_general3A_171 {dimension_numbers = #tpu.dot_dimension_numbers<[1], [0], [0], [1], [0, 0, 1, 1], [], []>, transpose_lhs_hint = false} : vector<1024x64xbf16>, vector<64x512xbf16>, vector<1024x512xf32> -> vector<1024x512xf32>
    %add3A_173 = arith.addf %add3A_158, %dot_general3A_172 : vector<1024x512xf32>
    %get3A_174 = arith.constant 12 : index
    %get3A_175 = arith.constant 0 : index
    %get3A_176 = arith.constant 0 : index
    %get3A_177 = vector.load %arg1[%get3A_174, %get3A_175, %get3A_176] : memref<13x512x128xi32, #tpu.memory_space<vmem>>, vector<1x512x128xi32>
    %get3A_178 = vector.shape_cast %get3A_177 : vector<1x512x128xi32> to vector<512x128xi32>
    %slice3A_179 = vector.extract_strided_slice %get3A_178 {offsets = [0, 0], sizes = [512, 32], strides = [1, 1]} : vector<512x128xi32> to vector<512x32xi32>
    %bitcast3A_180 = tpu.bitcast %slice3A_179 : vector<512x32xi32> -> vector<1024x32xbf16>
    %get3A_181 = arith.constant 12 : index
    %get3A_182 = arith.constant 0 : index
    %get3A_183 = arith.constant 0 : index
    %get3A_184 = vector.load %arg2[%get3A_181, %get3A_182, %get3A_183] : memref<13x64x512xbf16, #tpu.memory_space<vmem>>, vector<1x64x512xbf16>
    %get3A_185 = vector.shape_cast %get3A_184 : vector<1x64x512xbf16> to vector<64x512xbf16>
    %slice3A_186 = vector.extract_strided_slice %get3A_185 {offsets = [0, 0], sizes = [32, 512], strides = [1, 1]} : vector<64x512xbf16> to vector<32x512xbf16>
    %dot_general3A_187 = arith.constant dense<0.000000e+00> : vector<1024x512xf32>
    %dot_general3A_188 = tpu.matmul %bitcast3A_180, %slice3A_186, %dot_general3A_187 {dimension_numbers = #tpu.dot_dimension_numbers<[1], [0], [0], [1], [0, 0, 1, 1], [], []>, transpose_lhs_hint = false} : vector<1024x32xbf16>, vector<32x512xbf16>, vector<1024x512xf32> -> vector<1024x512xf32>
    %add3A_189 = arith.addf %add3A_173, %dot_general3A_188 : vector<1024x512xf32>
    %slice3A_190 = vector.extract_strided_slice %add3A_189 {offsets = [0, 0], sizes = [1024, 256], strides = [1, 1]} : vector<1024x512xf32> to vector<1024x256xf32>
    %slice3A_191 = vector.extract_strided_slice %add3A_189 {offsets = [0, 256], sizes = [1024, 256], strides = [1, 1]} : vector<1024x512xf32> to vector<1024x256xf32>
    %slice3A_192 = vector.extract_strided_slice %slice3A_191 {offsets = [1, 0], sizes = [1023, 256], strides = [1, 1]} : vector<1024x256xf32> to vector<1023x256xf32>
    %broadcast_in_dim3A = arith.constant 0.000000e+00 : f32
    %broadcast_in_dim3A_193 = vector.broadcast %broadcast_in_dim3A : f32 to vector<1x256xf32>
    %concatenate3A = tpu.concatenate %slice3A_192, %broadcast_in_dim3A_193 in 0 : vector<1023x256xf32>, vector<1x256xf32> -> vector<1024x256xf32>
    %add3A_194 = arith.addf %slice3A_190, %concatenate3A : vector<1024x256xf32>
    %get3A_195 = arith.constant 0 : index
    %get3A_196 = arith.constant 0 : index
    %get3A_197 = vector.load %arg3[%get3A_195, %get3A_196] : memref<1x256xf32, #tpu.memory_space<vmem>>, vector<1x256xf32>
    %add3A_198 = vector.broadcast %get3A_197 : vector<1x256xf32> to vector<1024x256xf32>
    %add3A_199 = arith.addf %add3A_194, %add3A_198 : vector<1024x256xf32>
    %max3A = arith.constant 0.000000e+00 : f32
    %max3A_200 = vector.broadcast %max3A : f32 to vector<1024x256xf32>
    %max3A_201 = arith.maximumf %add3A_199, %max3A_200 : vector<1024x256xf32>
    %get3A_202 = arith.constant 0 : index
    %get3A_203 = arith.constant 0 : index
    %get3A_204 = vector.load %arg4[%get3A_202, %get3A_203] : memref<256x10xf32, #tpu.memory_space<vmem>>, vector<256x10xf32>
    %dot_general3A_205 = arith.constant dense<0.000000e+00> : vector<1024x10xf32>
    %dot_general3A_206 = tpu.matmul %max3A_201, %get3A_204, %dot_general3A_205 {dimension_numbers = #tpu.dot_dimension_numbers<[1], [0], [0], [1], [0, 0, 1, 1], [], []>, transpose_lhs_hint = false} : vector<1024x256xf32>, vector<256x10xf32>, vector<1024x10xf32> -> vector<1024x10xf32>
    %get3A_207 = arith.constant 0 : index
    %get3A_208 = arith.constant 0 : index
    %get3A_209 = vector.load %arg5[%get3A_207, %get3A_208] : memref<1x10xf32, #tpu.memory_space<vmem>>, vector<1x10xf32>
    %add3A_210 = vector.broadcast %get3A_209 : vector<1x10xf32> to vector<1024x10xf32>
    %add3A_211 = arith.addf %dot_general3A_206, %add3A_210 : vector<1024x10xf32>
    %reduce_max3A = arith.constant dense<0xFF800000> : vector<1024xf32>
    %reduce_max3A_212 = vector.multi_reduction <maximumf>, %add3A_211, %reduce_max3A [1] : vector<1024x10xf32> to vector<1024xf32>
    %broadcast_in_dim3A_213 = vector.shape_cast %reduce_max3A_212 : vector<1024xf32> to vector<1024x1xf32>
    %sub3A = vector.broadcast %broadcast_in_dim3A_213 : vector<1024x1xf32> to vector<1024x10xf32>
    %sub3A_214 = arith.subf %add3A_211, %sub3A : vector<1024x10xf32>
    %exp3A = math.exp %sub3A_214 : vector<1024x10xf32>
    %reduce_sum3A = arith.constant dense<0.000000e+00> : vector<1024xf32>
    %reduce_sum3A_215 = vector.multi_reduction <add>, %exp3A, %reduce_sum3A [1] : vector<1024x10xf32> to vector<1024xf32>
    %broadcast_in_dim3A_216 = vector.shape_cast %reduce_sum3A_215 : vector<1024xf32> to vector<1024x1xf32>
    %div3A = vector.broadcast %broadcast_in_dim3A_216 : vector<1024x1xf32> to vector<1024x10xf32>
    %div3A_217 = arith.divf %exp3A, %div3A : vector<1024x10xf32>
    %get3A_218 = arith.constant 0 : index
    %get3A_219 = arith.constant 0 : index
    %get3A_220 = arith.constant 0 : index
    %get3A_221 = vector.load %arg1[%get3A_218, %get3A_219, %get3A_220] : memref<13x512x128xi32, #tpu.memory_space<vmem>>, vector<1x512x128xi32>
    %get3A_222 = vector.shape_cast %get3A_221 : vector<1x512x128xi32> to vector<512x128xi32>
    %slice3A_223 = vector.extract_strided_slice %get3A_222 {offsets = [0, 64], sizes = [512, 64], strides = [1, 1]} : vector<512x128xi32> to vector<512x64xi32>
    %bitcast3A_224 = tpu.bitcast %slice3A_223 : vector<512x64xi32> -> vector<1024x64xbf16>
    %get3A_225 = arith.constant 0 : index
    %get3A_226 = arith.constant 0 : index
    %get3A_227 = arith.constant 0 : index
    %get3A_228 = vector.load %arg2[%get3A_225, %get3A_226, %get3A_227] : memref<13x64x512xbf16, #tpu.memory_space<vmem>>, vector<1x64x512xbf16>
    %get3A_229 = vector.shape_cast %get3A_228 : vector<1x64x512xbf16> to vector<64x512xbf16>
    %dot_general3A_230 = arith.constant dense<0.000000e+00> : vector<1024x512xf32>
    %dot_general3A_231 = tpu.matmul %bitcast3A_224, %get3A_229, %dot_general3A_230 {dimension_numbers = #tpu.dot_dimension_numbers<[1], [0], [0], [1], [0, 0, 1, 1], [], []>, transpose_lhs_hint = false} : vector<1024x64xbf16>, vector<64x512xbf16>, vector<1024x512xf32> -> vector<1024x512xf32>
    %get3A_232 = arith.constant 1 : index
    %get3A_233 = arith.constant 0 : index
    %get3A_234 = arith.constant 0 : index
    %get3A_235 = vector.load %arg1[%get3A_232, %get3A_233, %get3A_234] : memref<13x512x128xi32, #tpu.memory_space<vmem>>, vector<1x512x128xi32>
    %get3A_236 = vector.shape_cast %get3A_235 : vector<1x512x128xi32> to vector<512x128xi32>
    %slice3A_237 = vector.extract_strided_slice %get3A_236 {offsets = [0, 64], sizes = [512, 64], strides = [1, 1]} : vector<512x128xi32> to vector<512x64xi32>
    %bitcast3A_238 = tpu.bitcast %slice3A_237 : vector<512x64xi32> -> vector<1024x64xbf16>
    %get3A_239 = arith.constant 1 : index
    %get3A_240 = arith.constant 0 : index
    %get3A_241 = arith.constant 0 : index
    %get3A_242 = vector.load %arg2[%get3A_239, %get3A_240, %get3A_241] : memref<13x64x512xbf16, #tpu.memory_space<vmem>>, vector<1x64x512xbf16>
    %get3A_243 = vector.shape_cast %get3A_242 : vector<1x64x512xbf16> to vector<64x512xbf16>
    %dot_general3A_244 = arith.constant dense<0.000000e+00> : vector<1024x512xf32>
    %dot_general3A_245 = tpu.matmul %bitcast3A_238, %get3A_243, %dot_general3A_244 {dimension_numbers = #tpu.dot_dimension_numbers<[1], [0], [0], [1], [0, 0, 1, 1], [], []>, transpose_lhs_hint = false} : vector<1024x64xbf16>, vector<64x512xbf16>, vector<1024x512xf32> -> vector<1024x512xf32>
    %add3A_246 = arith.addf %dot_general3A_231, %dot_general3A_245 : vector<1024x512xf32>
    %get3A_247 = arith.constant 2 : index
    %get3A_248 = arith.constant 0 : index
    %get3A_249 = arith.constant 0 : index
    %get3A_250 = vector.load %arg1[%get3A_247, %get3A_248, %get3A_249] : memref<13x512x128xi32, #tpu.memory_space<vmem>>, vector<1x512x128xi32>
    %get3A_251 = vector.shape_cast %get3A_250 : vector<1x512x128xi32> to vector<512x128xi32>
    %slice3A_252 = vector.extract_strided_slice %get3A_251 {offsets = [0, 64], sizes = [512, 64], strides = [1, 1]} : vector<512x128xi32> to vector<512x64xi32>
    %bitcast3A_253 = tpu.bitcast %slice3A_252 : vector<512x64xi32> -> vector<1024x64xbf16>
    %get3A_254 = arith.constant 2 : index
    %get3A_255 = arith.constant 0 : index
    %get3A_256 = arith.constant 0 : index
    %get3A_257 = vector.load %arg2[%get3A_254, %get3A_255, %get3A_256] : memref<13x64x512xbf16, #tpu.memory_space<vmem>>, vector<1x64x512xbf16>
    %get3A_258 = vector.shape_cast %get3A_257 : vector<1x64x512xbf16> to vector<64x512xbf16>
    %dot_general3A_259 = arith.constant dense<0.000000e+00> : vector<1024x512xf32>
    %dot_general3A_260 = tpu.matmul %bitcast3A_253, %get3A_258, %dot_general3A_259 {dimension_numbers = #tpu.dot_dimension_numbers<[1], [0], [0], [1], [0, 0, 1, 1], [], []>, transpose_lhs_hint = false} : vector<1024x64xbf16>, vector<64x512xbf16>, vector<1024x512xf32> -> vector<1024x512xf32>
    %add3A_261 = arith.addf %add3A_246, %dot_general3A_260 : vector<1024x512xf32>
    %get3A_262 = arith.constant 3 : index
    %get3A_263 = arith.constant 0 : index
    %get3A_264 = arith.constant 0 : index
    %get3A_265 = vector.load %arg1[%get3A_262, %get3A_263, %get3A_264] : memref<13x512x128xi32, #tpu.memory_space<vmem>>, vector<1x512x128xi32>
    %get3A_266 = vector.shape_cast %get3A_265 : vector<1x512x128xi32> to vector<512x128xi32>
    %slice3A_267 = vector.extract_strided_slice %get3A_266 {offsets = [0, 64], sizes = [512, 64], strides = [1, 1]} : vector<512x128xi32> to vector<512x64xi32>
    %bitcast3A_268 = tpu.bitcast %slice3A_267 : vector<512x64xi32> -> vector<1024x64xbf16>
    %get3A_269 = arith.constant 3 : index
    %get3A_270 = arith.constant 0 : index
    %get3A_271 = arith.constant 0 : index
    %get3A_272 = vector.load %arg2[%get3A_269, %get3A_270, %get3A_271] : memref<13x64x512xbf16, #tpu.memory_space<vmem>>, vector<1x64x512xbf16>
    %get3A_273 = vector.shape_cast %get3A_272 : vector<1x64x512xbf16> to vector<64x512xbf16>
    %dot_general3A_274 = arith.constant dense<0.000000e+00> : vector<1024x512xf32>
    %dot_general3A_275 = tpu.matmul %bitcast3A_268, %get3A_273, %dot_general3A_274 {dimension_numbers = #tpu.dot_dimension_numbers<[1], [0], [0], [1], [0, 0, 1, 1], [], []>, transpose_lhs_hint = false} : vector<1024x64xbf16>, vector<64x512xbf16>, vector<1024x512xf32> -> vector<1024x512xf32>
    %add3A_276 = arith.addf %add3A_261, %dot_general3A_275 : vector<1024x512xf32>
    %get3A_277 = arith.constant 4 : index
    %get3A_278 = arith.constant 0 : index
    %get3A_279 = arith.constant 0 : index
    %get3A_280 = vector.load %arg1[%get3A_277, %get3A_278, %get3A_279] : memref<13x512x128xi32, #tpu.memory_space<vmem>>, vector<1x512x128xi32>
    %get3A_281 = vector.shape_cast %get3A_280 : vector<1x512x128xi32> to vector<512x128xi32>
    %slice3A_282 = vector.extract_strided_slice %get3A_281 {offsets = [0, 64], sizes = [512, 64], strides = [1, 1]} : vector<512x128xi32> to vector<512x64xi32>
    %bitcast3A_283 = tpu.bitcast %slice3A_282 : vector<512x64xi32> -> vector<1024x64xbf16>
    %get3A_284 = arith.constant 4 : index
    %get3A_285 = arith.constant 0 : index
    %get3A_286 = arith.constant 0 : index
    %get3A_287 = vector.load %arg2[%get3A_284, %get3A_285, %get3A_286] : memref<13x64x512xbf16, #tpu.memory_space<vmem>>, vector<1x64x512xbf16>
    %get3A_288 = vector.shape_cast %get3A_287 : vector<1x64x512xbf16> to vector<64x512xbf16>
    %dot_general3A_289 = arith.constant dense<0.000000e+00> : vector<1024x512xf32>
    %dot_general3A_290 = tpu.matmul %bitcast3A_283, %get3A_288, %dot_general3A_289 {dimension_numbers = #tpu.dot_dimension_numbers<[1], [0], [0], [1], [0, 0, 1, 1], [], []>, transpose_lhs_hint = false} : vector<1024x64xbf16>, vector<64x512xbf16>, vector<1024x512xf32> -> vector<1024x512xf32>
    %add3A_291 = arith.addf %add3A_276, %dot_general3A_290 : vector<1024x512xf32>
    %get3A_292 = arith.constant 5 : index
    %get3A_293 = arith.constant 0 : index
    %get3A_294 = arith.constant 0 : index
    %get3A_295 = vector.load %arg1[%get3A_292, %get3A_293, %get3A_294] : memref<13x512x128xi32, #tpu.memory_space<vmem>>, vector<1x512x128xi32>
    %get3A_296 = vector.shape_cast %get3A_295 : vector<1x512x128xi32> to vector<512x128xi32>
    %slice3A_297 = vector.extract_strided_slice %get3A_296 {offsets = [0, 64], sizes = [512, 64], strides = [1, 1]} : vector<512x128xi32> to vector<512x64xi32>
    %bitcast3A_298 = tpu.bitcast %slice3A_297 : vector<512x64xi32> -> vector<1024x64xbf16>
    %get3A_299 = arith.constant 5 : index
    %get3A_300 = arith.constant 0 : index
    %get3A_301 = arith.constant 0 : index
    %get3A_302 = vector.load %arg2[%get3A_299, %get3A_300, %get3A_301] : memref<13x64x512xbf16, #tpu.memory_space<vmem>>, vector<1x64x512xbf16>
    %get3A_303 = vector.shape_cast %get3A_302 : vector<1x64x512xbf16> to vector<64x512xbf16>
    %dot_general3A_304 = arith.constant dense<0.000000e+00> : vector<1024x512xf32>
    %dot_general3A_305 = tpu.matmul %bitcast3A_298, %get3A_303, %dot_general3A_304 {dimension_numbers = #tpu.dot_dimension_numbers<[1], [0], [0], [1], [0, 0, 1, 1], [], []>, transpose_lhs_hint = false} : vector<1024x64xbf16>, vector<64x512xbf16>, vector<1024x512xf32> -> vector<1024x512xf32>
    %add3A_306 = arith.addf %add3A_291, %dot_general3A_305 : vector<1024x512xf32>
    %get3A_307 = arith.constant 6 : index
    %get3A_308 = arith.constant 0 : index
    %get3A_309 = arith.constant 0 : index
    %get3A_310 = vector.load %arg1[%get3A_307, %get3A_308, %get3A_309] : memref<13x512x128xi32, #tpu.memory_space<vmem>>, vector<1x512x128xi32>
    %get3A_311 = vector.shape_cast %get3A_310 : vector<1x512x128xi32> to vector<512x128xi32>
    %slice3A_312 = vector.extract_strided_slice %get3A_311 {offsets = [0, 64], sizes = [512, 64], strides = [1, 1]} : vector<512x128xi32> to vector<512x64xi32>
    %bitcast3A_313 = tpu.bitcast %slice3A_312 : vector<512x64xi32> -> vector<1024x64xbf16>
    %get3A_314 = arith.constant 6 : index
    %get3A_315 = arith.constant 0 : index
    %get3A_316 = arith.constant 0 : index
    %get3A_317 = vector.load %arg2[%get3A_314, %get3A_315, %get3A_316] : memref<13x64x512xbf16, #tpu.memory_space<vmem>>, vector<1x64x512xbf16>
    %get3A_318 = vector.shape_cast %get3A_317 : vector<1x64x512xbf16> to vector<64x512xbf16>
    %dot_general3A_319 = arith.constant dense<0.000000e+00> : vector<1024x512xf32>
    %dot_general3A_320 = tpu.matmul %bitcast3A_313, %get3A_318, %dot_general3A_319 {dimension_numbers = #tpu.dot_dimension_numbers<[1], [0], [0], [1], [0, 0, 1, 1], [], []>, transpose_lhs_hint = false} : vector<1024x64xbf16>, vector<64x512xbf16>, vector<1024x512xf32> -> vector<1024x512xf32>
    %add3A_321 = arith.addf %add3A_306, %dot_general3A_320 : vector<1024x512xf32>
    %get3A_322 = arith.constant 7 : index
    %get3A_323 = arith.constant 0 : index
    %get3A_324 = arith.constant 0 : index
    %get3A_325 = vector.load %arg1[%get3A_322, %get3A_323, %get3A_324] : memref<13x512x128xi32, #tpu.memory_space<vmem>>, vector<1x512x128xi32>
    %get3A_326 = vector.shape_cast %get3A_325 : vector<1x512x128xi32> to vector<512x128xi32>
    %slice3A_327 = vector.extract_strided_slice %get3A_326 {offsets = [0, 64], sizes = [512, 64], strides = [1, 1]} : vector<512x128xi32> to vector<512x64xi32>
    %bitcast3A_328 = tpu.bitcast %slice3A_327 : vector<512x64xi32> -> vector<1024x64xbf16>
    %get3A_329 = arith.constant 7 : index
    %get3A_330 = arith.constant 0 : index
    %get3A_331 = arith.constant 0 : index
    %get3A_332 = vector.load %arg2[%get3A_329, %get3A_330, %get3A_331] : memref<13x64x512xbf16, #tpu.memory_space<vmem>>, vector<1x64x512xbf16>
    %get3A_333 = vector.shape_cast %get3A_332 : vector<1x64x512xbf16> to vector<64x512xbf16>
    %dot_general3A_334 = arith.constant dense<0.000000e+00> : vector<1024x512xf32>
    %dot_general3A_335 = tpu.matmul %bitcast3A_328, %get3A_333, %dot_general3A_334 {dimension_numbers = #tpu.dot_dimension_numbers<[1], [0], [0], [1], [0, 0, 1, 1], [], []>, transpose_lhs_hint = false} : vector<1024x64xbf16>, vector<64x512xbf16>, vector<1024x512xf32> -> vector<1024x512xf32>
    %add3A_336 = arith.addf %add3A_321, %dot_general3A_335 : vector<1024x512xf32>
    %get3A_337 = arith.constant 8 : index
    %get3A_338 = arith.constant 0 : index
    %get3A_339 = arith.constant 0 : index
    %get3A_340 = vector.load %arg1[%get3A_337, %get3A_338, %get3A_339] : memref<13x512x128xi32, #tpu.memory_space<vmem>>, vector<1x512x128xi32>
    %get3A_341 = vector.shape_cast %get3A_340 : vector<1x512x128xi32> to vector<512x128xi32>
    %slice3A_342 = vector.extract_strided_slice %get3A_341 {offsets = [0, 64], sizes = [512, 64], strides = [1, 1]} : vector<512x128xi32> to vector<512x64xi32>
    %bitcast3A_343 = tpu.bitcast %slice3A_342 : vector<512x64xi32> -> vector<1024x64xbf16>
    %get3A_344 = arith.constant 8 : index
    %get3A_345 = arith.constant 0 : index
    %get3A_346 = arith.constant 0 : index
    %get3A_347 = vector.load %arg2[%get3A_344, %get3A_345, %get3A_346] : memref<13x64x512xbf16, #tpu.memory_space<vmem>>, vector<1x64x512xbf16>
    %get3A_348 = vector.shape_cast %get3A_347 : vector<1x64x512xbf16> to vector<64x512xbf16>
    %dot_general3A_349 = arith.constant dense<0.000000e+00> : vector<1024x512xf32>
    %dot_general3A_350 = tpu.matmul %bitcast3A_343, %get3A_348, %dot_general3A_349 {dimension_numbers = #tpu.dot_dimension_numbers<[1], [0], [0], [1], [0, 0, 1, 1], [], []>, transpose_lhs_hint = false} : vector<1024x64xbf16>, vector<64x512xbf16>, vector<1024x512xf32> -> vector<1024x512xf32>
    %add3A_351 = arith.addf %add3A_336, %dot_general3A_350 : vector<1024x512xf32>
    %get3A_352 = arith.constant 9 : index
    %get3A_353 = arith.constant 0 : index
    %get3A_354 = arith.constant 0 : index
    %get3A_355 = vector.load %arg1[%get3A_352, %get3A_353, %get3A_354] : memref<13x512x128xi32, #tpu.memory_space<vmem>>, vector<1x512x128xi32>
    %get3A_356 = vector.shape_cast %get3A_355 : vector<1x512x128xi32> to vector<512x128xi32>
    %slice3A_357 = vector.extract_strided_slice %get3A_356 {offsets = [0, 64], sizes = [512, 64], strides = [1, 1]} : vector<512x128xi32> to vector<512x64xi32>
    %bitcast3A_358 = tpu.bitcast %slice3A_357 : vector<512x64xi32> -> vector<1024x64xbf16>
    %get3A_359 = arith.constant 9 : index
    %get3A_360 = arith.constant 0 : index
    %get3A_361 = arith.constant 0 : index
    %get3A_362 = vector.load %arg2[%get3A_359, %get3A_360, %get3A_361] : memref<13x64x512xbf16, #tpu.memory_space<vmem>>, vector<1x64x512xbf16>
    %get3A_363 = vector.shape_cast %get3A_362 : vector<1x64x512xbf16> to vector<64x512xbf16>
    %dot_general3A_364 = arith.constant dense<0.000000e+00> : vector<1024x512xf32>
    %dot_general3A_365 = tpu.matmul %bitcast3A_358, %get3A_363, %dot_general3A_364 {dimension_numbers = #tpu.dot_dimension_numbers<[1], [0], [0], [1], [0, 0, 1, 1], [], []>, transpose_lhs_hint = false} : vector<1024x64xbf16>, vector<64x512xbf16>, vector<1024x512xf32> -> vector<1024x512xf32>
    %add3A_366 = arith.addf %add3A_351, %dot_general3A_365 : vector<1024x512xf32>
    %get3A_367 = arith.constant 10 : index
    %get3A_368 = arith.constant 0 : index
    %get3A_369 = arith.constant 0 : index
    %get3A_370 = vector.load %arg1[%get3A_367, %get3A_368, %get3A_369] : memref<13x512x128xi32, #tpu.memory_space<vmem>>, vector<1x512x128xi32>
    %get3A_371 = vector.shape_cast %get3A_370 : vector<1x512x128xi32> to vector<512x128xi32>
    %slice3A_372 = vector.extract_strided_slice %get3A_371 {offsets = [0, 64], sizes = [512, 64], strides = [1, 1]} : vector<512x128xi32> to vector<512x64xi32>
    %bitcast3A_373 = tpu.bitcast %slice3A_372 : vector<512x64xi32> -> vector<1024x64xbf16>
    %get3A_374 = arith.constant 10 : index
    %get3A_375 = arith.constant 0 : index
    %get3A_376 = arith.constant 0 : index
    %get3A_377 = vector.load %arg2[%get3A_374, %get3A_375, %get3A_376] : memref<13x64x512xbf16, #tpu.memory_space<vmem>>, vector<1x64x512xbf16>
    %get3A_378 = vector.shape_cast %get3A_377 : vector<1x64x512xbf16> to vector<64x512xbf16>
    %dot_general3A_379 = arith.constant dense<0.000000e+00> : vector<1024x512xf32>
    %dot_general3A_380 = tpu.matmul %bitcast3A_373, %get3A_378, %dot_general3A_379 {dimension_numbers = #tpu.dot_dimension_numbers<[1], [0], [0], [1], [0, 0, 1, 1], [], []>, transpose_lhs_hint = false} : vector<1024x64xbf16>, vector<64x512xbf16>, vector<1024x512xf32> -> vector<1024x512xf32>
    %add3A_381 = arith.addf %add3A_366, %dot_general3A_380 : vector<1024x512xf32>
    %get3A_382 = arith.constant 11 : index
    %get3A_383 = arith.constant 0 : index
    %get3A_384 = arith.constant 0 : index
    %get3A_385 = vector.load %arg1[%get3A_382, %get3A_383, %get3A_384] : memref<13x512x128xi32, #tpu.memory_space<vmem>>, vector<1x512x128xi32>
    %get3A_386 = vector.shape_cast %get3A_385 : vector<1x512x128xi32> to vector<512x128xi32>
    %slice3A_387 = vector.extract_strided_slice %get3A_386 {offsets = [0, 64], sizes = [512, 64], strides = [1, 1]} : vector<512x128xi32> to vector<512x64xi32>
    %bitcast3A_388 = tpu.bitcast %slice3A_387 : vector<512x64xi32> -> vector<1024x64xbf16>
    %get3A_389 = arith.constant 11 : index
    %get3A_390 = arith.constant 0 : index
    %get3A_391 = arith.constant 0 : index
    %get3A_392 = vector.load %arg2[%get3A_389, %get3A_390, %get3A_391] : memref<13x64x512xbf16, #tpu.memory_space<vmem>>, vector<1x64x512xbf16>
    %get3A_393 = vector.shape_cast %get3A_392 : vector<1x64x512xbf16> to vector<64x512xbf16>
    %dot_general3A_394 = arith.constant dense<0.000000e+00> : vector<1024x512xf32>
    %dot_general3A_395 = tpu.matmul %bitcast3A_388, %get3A_393, %dot_general3A_394 {dimension_numbers = #tpu.dot_dimension_numbers<[1], [0], [0], [1], [0, 0, 1, 1], [], []>, transpose_lhs_hint = false} : vector<1024x64xbf16>, vector<64x512xbf16>, vector<1024x512xf32> -> vector<1024x512xf32>
    %add3A_396 = arith.addf %add3A_381, %dot_general3A_395 : vector<1024x512xf32>
    %get3A_397 = arith.constant 12 : index
    %get3A_398 = arith.constant 0 : index
    %get3A_399 = arith.constant 0 : index
    %get3A_400 = vector.load %arg1[%get3A_397, %get3A_398, %get3A_399] : memref<13x512x128xi32, #tpu.memory_space<vmem>>, vector<1x512x128xi32>
    %get3A_401 = vector.shape_cast %get3A_400 : vector<1x512x128xi32> to vector<512x128xi32>
    %slice3A_402 = vector.extract_strided_slice %get3A_401 {offsets = [0, 64], sizes = [512, 32], strides = [1, 1]} : vector<512x128xi32> to vector<512x32xi32>
    %bitcast3A_403 = tpu.bitcast %slice3A_402 : vector<512x32xi32> -> vector<1024x32xbf16>
    %get3A_404 = arith.constant 12 : index
    %get3A_405 = arith.constant 0 : index
    %get3A_406 = arith.constant 0 : index
    %get3A_407 = vector.load %arg2[%get3A_404, %get3A_405, %get3A_406] : memref<13x64x512xbf16, #tpu.memory_space<vmem>>, vector<1x64x512xbf16>
    %get3A_408 = vector.shape_cast %get3A_407 : vector<1x64x512xbf16> to vector<64x512xbf16>
    %slice3A_409 = vector.extract_strided_slice %get3A_408 {offsets = [0, 0], sizes = [32, 512], strides = [1, 1]} : vector<64x512xbf16> to vector<32x512xbf16>
    %dot_general3A_410 = arith.constant dense<0.000000e+00> : vector<1024x512xf32>
    %dot_general3A_411 = tpu.matmul %bitcast3A_403, %slice3A_409, %dot_general3A_410 {dimension_numbers = #tpu.dot_dimension_numbers<[1], [0], [0], [1], [0, 0, 1, 1], [], []>, transpose_lhs_hint = false} : vector<1024x32xbf16>, vector<32x512xbf16>, vector<1024x512xf32> -> vector<1024x512xf32>
    %add3A_412 = arith.addf %add3A_396, %dot_general3A_411 : vector<1024x512xf32>
    %slice3A_413 = vector.extract_strided_slice %add3A_412 {offsets = [0, 0], sizes = [1024, 256], strides = [1, 1]} : vector<1024x512xf32> to vector<1024x256xf32>
    %slice3A_414 = vector.extract_strided_slice %add3A_412 {offsets = [0, 256], sizes = [1024, 256], strides = [1, 1]} : vector<1024x512xf32> to vector<1024x256xf32>
    %slice3A_415 = vector.extract_strided_slice %slice3A_414 {offsets = [1, 0], sizes = [1023, 256], strides = [1, 1]} : vector<1024x256xf32> to vector<1023x256xf32>
    %broadcast_in_dim3A_416 = arith.constant 0.000000e+00 : f32
    %broadcast_in_dim3A_417 = vector.broadcast %broadcast_in_dim3A_416 : f32 to vector<1x256xf32>
    %concatenate3A_418 = tpu.concatenate %slice3A_415, %broadcast_in_dim3A_417 in 0 : vector<1023x256xf32>, vector<1x256xf32> -> vector<1024x256xf32>
    %add3A_419 = arith.addf %slice3A_413, %concatenate3A_418 : vector<1024x256xf32>
    %get3A_420 = arith.constant 0 : index
    %get3A_421 = arith.constant 0 : index
    %get3A_422 = vector.load %arg3[%get3A_420, %get3A_421] : memref<1x256xf32, #tpu.memory_space<vmem>>, vector<1x256xf32>
    %add3A_423 = vector.broadcast %get3A_422 : vector<1x256xf32> to vector<1024x256xf32>
    %add3A_424 = arith.addf %add3A_419, %add3A_423 : vector<1024x256xf32>
    %max3A_425 = arith.constant 0.000000e+00 : f32
    %max3A_426 = vector.broadcast %max3A_425 : f32 to vector<1024x256xf32>
    %max3A_427 = arith.maximumf %add3A_424, %max3A_426 : vector<1024x256xf32>
    %get3A_428 = arith.constant 0 : index
    %get3A_429 = arith.constant 0 : index
    %get3A_430 = vector.load %arg4[%get3A_428, %get3A_429] : memref<256x10xf32, #tpu.memory_space<vmem>>, vector<256x10xf32>
    %dot_general3A_431 = arith.constant dense<0.000000e+00> : vector<1024x10xf32>
    %dot_general3A_432 = tpu.matmul %max3A_427, %get3A_430, %dot_general3A_431 {dimension_numbers = #tpu.dot_dimension_numbers<[1], [0], [0], [1], [0, 0, 1, 1], [], []>, transpose_lhs_hint = false} : vector<1024x256xf32>, vector<256x10xf32>, vector<1024x10xf32> -> vector<1024x10xf32>
    %get3A_433 = arith.constant 0 : index
    %get3A_434 = arith.constant 0 : index
    %get3A_435 = vector.load %arg5[%get3A_433, %get3A_434] : memref<1x10xf32, #tpu.memory_space<vmem>>, vector<1x10xf32>
    %add3A_436 = vector.broadcast %get3A_435 : vector<1x10xf32> to vector<1024x10xf32>
    %add3A_437 = arith.addf %dot_general3A_432, %add3A_436 : vector<1024x10xf32>
    %reduce_max3A_438 = arith.constant dense<0xFF800000> : vector<1024xf32>
    %reduce_max3A_439 = vector.multi_reduction <maximumf>, %add3A_437, %reduce_max3A_438 [1] : vector<1024x10xf32> to vector<1024xf32>
    %broadcast_in_dim3A_440 = vector.shape_cast %reduce_max3A_439 : vector<1024xf32> to vector<1024x1xf32>
    %sub3A_441 = vector.broadcast %broadcast_in_dim3A_440 : vector<1024x1xf32> to vector<1024x10xf32>
    %sub3A_442 = arith.subf %add3A_437, %sub3A_441 : vector<1024x10xf32>
    %exp3A_443 = math.exp %sub3A_442 : vector<1024x10xf32>
    %reduce_sum3A_444 = arith.constant dense<0.000000e+00> : vector<1024xf32>
    %reduce_sum3A_445 = vector.multi_reduction <add>, %exp3A_443, %reduce_sum3A_444 [1] : vector<1024x10xf32> to vector<1024xf32>
    %broadcast_in_dim3A_446 = vector.shape_cast %reduce_sum3A_445 : vector<1024xf32> to vector<1024x1xf32>
    %div3A_447 = vector.broadcast %broadcast_in_dim3A_446 : vector<1024x1xf32> to vector<1024x10xf32>
    %div3A_448 = arith.divf %exp3A_443, %div3A_447 : vector<1024x10xf32>
    %concatenate3A_449 = tpu.concatenate %div3A_217, %div3A_448 in 1 : vector<1024x10xf32>, vector<1024x10xf32> -> vector<1024x20xf32>
    %swap3A = arith.constant 0 : index
    %swap3A_450 = arith.constant 0 : index
    %swap3A_451 = vector.load %arg6[%swap3A, %swap3A_450] : memref<1024x20xf32, #tpu.memory_space<vmem>>, vector<1024x20xf32>
    tpu.vector_store %arg6[%swap3A, %swap3A_450], %concatenate3A_449 {strides = array<i32>} : memref<1024x20xf32, #tpu.memory_space<vmem>>, vector<1024x20xf32>,
    return
  }
  func.func @transform_0(%arg0: i32) -> (i32, i32, i32) {
    %c0_i32 = arith.constant 0 : i32
    %c0_i32_0 = arith.constant 0 : i32
    %c0_i32_1 = arith.constant 0 : i32
    return %c0_i32, %arg0, %c0_i32_0 : i32, i32, i32
  }
  func.func @transform_1(%arg0: i32) -> (i32, i32, i32) {
    %c0_i32 = arith.constant 0 : i32
    %c0_i32_0 = arith.constant 0 : i32
    %c0_i32_1 = arith.constant 0 : i32
    %c0_i32_2 = arith.constant 0 : i32
    return %c0_i32, %c0_i32_0, %c0_i32_1 : i32, i32, i32
  }
  func.func @transform_2(%arg0: i32) -> (i32, i32) {
    %c0_i32 = arith.constant 0 : i32
    %c0_i32_0 = arith.constant 0 : i32
    %c0_i32_1 = arith.constant 0 : i32
    return %c0_i32, %c0_i32_0 : i32, i32
  }
  func.func @transform_3(%arg0: i32) -> (i32, i32) {
    %c0_i32 = arith.constant 0 : i32
    %c0_i32_0 = arith.constant 0 : i32
    %c0_i32_1 = arith.constant 0 : i32
    return %c0_i32, %c0_i32_0 : i32, i32
  }
  func.func @transform_4(%arg0: i32) -> (i32, i32) {
    %c0_i32 = arith.constant 0 : i32
    %c0_i32_0 = arith.constant 0 : i32
    %c0_i32_1 = arith.constant 0 : i32
    return %c0_i32, %c0_i32_0 : i32, i32
  }
  func.func @transform_5(%arg0: i32) -> (i32, i32) {
    %c0_i32 = arith.constant 0 : i32
    %c0_i32_0 = arith.constant 0 : i32
    return %arg0, %c0_i32 : i32, i32
  }
}

</mosaic_0001>

<sc_bundles>
// kernel: kernel.6.cloned.1.call-start
scs
__scs_entry_jumppad:
0x0: {  	(pc) =	sbr.rel $0x88, $3  }
0x1: {  	(tag) =	ssettag $0x0;
	lr =	simm.s32 $0x1  }
0x2: {  	[smem:$0x3F9B] =	sst lr;
	_ =	strace $0xD0000000  }
0x3: {  	_ = 	snop  }
0x4: {  	_ = 	snop  }
0x5: {  	_ = 	snop  }
0x6: {  	_ = 	snop  }
0x7: {  	_ = 	snop  }
__scs_overlays_trampoline_lowered:
0x8: {  	[smem:$0x3FAA] =	sst s0  }
0x9: {  	[smem:$0x3FAB] =	sst s1  }
0xa: {  	[smem:$0x3FAC] =	sst s2  }
0xb: {  	[smem:$0x3FAD] =	sst s3  }
0xc: {  	[smem:$0x3FAE] =	sst s4  }
0xd: {  	[smem:$0x3FAF] =	sst s5  }
0xe: {  	[smem:$0x3FB0] =	sst s6  }
0xf: {  	[smem:$0x3FB1] =	sst s7  }
0x10: {  	[smem:$0x3FB2] =	sst s8  }
0x11: {  	[smem:$0x3FB3] =	sst s9;
	s0 =	simm.s32 @!p0 $0x0  }
0x12: {  	s1 =	sld [smem:$0x3F99];
	s0 =	simm.s32 @p0 $0x1  }
0x13: {  	[smem:$0x3FB4] =	sst s0;
	s0 =	simm.s32 @!p1 $0x0  }
0x14: {  	s2 =	sld [smem:$0x3F98];
	s0 =	simm.s32 @p1 $0x1  }
0x15: {  	[smem:$0x3FB5] =	sst s0;
	s0 =	simm.s32 @!p2 $0x0  }
0x16: {  	s3 =	sld [smem:$0x3FDB];
	s0 =	simm.s32 @p2 $0x1  }
0x17: {  	s4 =	simm.s32 $0x1BF5;
	[smem:$0x3FB7] =	sst s0  }
0x18: {  	s0 =	sld [smem:$0x3F9A];
	_ =	swait.ge [sflag:s4], $0x0  }
0x19: {  	s7 =	sld [smem:$0x3F9B]  }
0x1a: {  	s8 =	sadd.s32 $0xFFFFE003, lr  }
0x1b: {  	s9 =	sadd.s32 $0xFFFFFEF7, lr;
	s5 =	simm.s32 $0xFFFFFFFF;
	p2 =	slt.u32 s8, $0xFFFFF086  }
0x1c: {  	p1 =	slt.u32 s9, $0xF7A;
	s5 =	simm.s32 @!p2 $0x0  }
0x1d: {  	s5 =	simm.s32 @p1 $0x1;
	p0 =	seq.s32 s7, s2  }
0x1e: {  	s7 =	smul.u32 @!p0 $0xF7A, s2;
	p2 =	seq.s32 @!p0 s5, $0x0  }
0x1f: {  	s9 =	smul.u32 $0xF7A, s1;
	s8 =	simm.s32 @!p0 $0x1BF5;
	p2 =	por !p2, p0  }
0x20: {  	[sflag:s8] =	ssyncset.s32 @!p0 $0xFFFFF086;
	s6 =	sadd.s32 @!p0 s3, s7;
	s7 =	simm.s32 @!p0 $0x108  }
0x21: {  	s3 =	sadd.s32 s3, s9;
	s6 =	sadd.s32 @!p0 $0x88, s6;
	s7 =	simm.s32 @p2 $0x1082  }
0x22: {  	[simem:s7], [sflag:s8] =	dma.local @!p0 [hbm:s6], $0xF7A  }
0x23: {  	s9 =	sor.u32 $0xD0000000, s2;
	s6 =	simm.s32 $0x108;
	_ =	swait.ge @!p0 [sflag:s8], $0x0  }
0x24: {  	s3 =	sadd.s32 $0x88, s3;
	s6 =	simm.s32 @!p1 $0x1082;
	[sflag:s4] =	ssyncset.s32 $0xFFFFF086  }
0x25: {  	[simem:s6], [sflag:s4] =	dma.local [hbm:s3], $0xF7A  }
0x26: {  	[smem:$0x3F9B] =	sst s1;
	(tag) =	ssettag s2;
	_ =	strace s9  }
0x27: {  	s1 =	sld [smem:$0x3FAB]  }
0x28: {  	s2 =	sld [smem:$0x3FAC]  }
0x29: {  	s4 =	sld [smem:$0x3FAE]  }
0x2a: {  	p0 =	seq.s32 s5, $0x0;
	s5 =	sld [smem:$0x3FAF]  }
0x2b: {  	s6 =	sld [smem:$0x3FB0]  }
0x2c: {  	s7 =	sld [smem:$0x3FB1]  }
0x2d: {  	s3 =	simm.s32 $0x108;
	s8 =	sld [smem:$0x3FB2]  }
0x2e: {  	s3 =	simm.s32 @!p0 $0x1082;
	s9 =	sld [smem:$0x3FB3]  }
0x2f: {  	lr =	sadd.s32 s0, s3;
	s0 =	sld [smem:$0x3FAA]  }
0x30: {  	s3 =	sld [smem:$0x3FAD]  }
0x31: {  	[smem:$0x3FB6] =	sst s10  }
0x32: {  	s10 =	sld [smem:$0x3FB4];
	_ =	sdelay $0x3  }
0x33: {  	p0 =	seq.s32 s10, $0x1;
	s10 =	sld [smem:$0x3FB6];
	_ =	sdelay $0x3  }
0x34: {  	[smem:$0x3FB6] =	sst s10  }
0x35: {  	s10 =	sld [smem:$0x3FB5];
	_ =	sdelay $0x3  }
0x36: {  	p1 =	seq.s32 s10, $0x1;
	s10 =	sld [smem:$0x3FB6];
	_ =	sdelay $0x3  }
0x37: {  	[smem:$0x3FB6] =	sst s10  }
0x38: {  	s10 =	sld [smem:$0x3FB7]  }
0x39: {  	_ = 	snop;
	(pc) =	sbr.ind lr, $3  }
0x3a: {  	_ = 	snop  }
0x3b: {  	_ = 	snop  }
0x3c: {  	p2 =	seq.s32 s10, $0x1;
	s10 =	sld [smem:$0x3FB6]  }
0x3d: {  	_ =	shalt  }
0x3e: {  	_ =	shalt  }
0x3f: {  	_ =	shalt  }
0x40: {  	_ =	shalt  }
0x41: {  	_ =	shalt  }
0x42: {  	_ =	shalt  }
0x43: {  	_ =	shalt  }
0x44: {  	_ =	shalt  }
0x45: {  	_ =	shalt  }
0x46: {  	_ =	shalt  }
0x47: {  	_ =	shalt  }
0x48: {  	_ =	shalt  }
0x49: {  	_ =	shalt  }
0x4a: {  	_ =	shalt  }
0x4b: {  	_ =	shalt  }
0x4c: {  	_ =	shalt  }
0x4d: {  	_ =	shalt  }
0x4e: {  	_ =	shalt  }
0x4f: {  	_ =	shalt  }
0x50: {  	_ =	shalt  }
0x51: {  	_ =	shalt  }
0x52: {  	_ =	shalt  }
0x53: {  	_ =	shalt  }
0x54: {  	_ =	shalt  }
0x55: {  	_ =	shalt  }
0x56: {  	_ =	shalt  }
0x57: {  	_ =	shalt  }
0x58: {  	_ =	shalt  }
0x59: {  	_ =	shalt  }
0x5a: {  	_ =	shalt  }
0x5b: {  	_ =	shalt  }
0x5c: {  	_ =	shalt  }
0x5d: {  	_ =	shalt  }
0x5e: {  	_ =	shalt  }
0x5f: {  	_ =	shalt  }
0x60: {  	_ =	shalt  }
0x61: {  	_ =	shalt  }
0x62: {  	_ =	shalt  }
0x63: {  	_ =	shalt  }
0x64: {  	_ =	shalt  }
0x65: {  	_ =	shalt  }
0x66: {  	_ =	shalt  }
0x67: {  	_ =	shalt  }
0x68: {  	_ =	shalt  }
0x69: {  	_ =	shalt  }
0x6a: {  	_ =	shalt  }
0x6b: {  	_ =	shalt  }
0x6c: {  	_ =	shalt  }
0x6d: {  	_ =	shalt  }
0x6e: {  	_ =	shalt  }
0x6f: {  	_ =	shalt  }
0x70: {  	_ =	shalt  }
0x71: {  	_ =	shalt  }
0x72: {  	_ =	shalt  }
0x73: {  	_ =	shalt  }
0x74: {  	_ =	shalt  }
0x75: {  	_ =	shalt  }
0x76: {  	_ =	shalt  }
0x77: {  	_ =	shalt  }
0x78: {  	_ =	shalt  }
0x79: {  	_ =	shalt  }
0x7a: {  	_ =	shalt  }
0x7b: {  	_ =	shalt  }
0x7c: {  	_ =	shalt  }
0x7d: {  	_ =	shalt  }
0x7e: {  	_ =	shalt  }
0x7f: {  	_ =	shalt  }
0x80: {  	_ =	shalt  }
0x81: {  	_ =	shalt  }
0x82: {  	_ =	shalt  }
0x83: {  	_ =	shalt  }
0x84: {  	_ =	shalt  }
0x85: {  	_ =	shalt  }
0x86: {  	_ =	shalt  }
0x87: {  	_ =	shalt  }
.Lfunc_end0:
.L_simem_size_0:
called_computation_lowered:
.L_overlay_start_0:
0x88: {  	s2 =	sld [smem:$0x3FD9]  }
0x89: {  	s3 =	sld [smem:$0x3FFE];
	_ =	sdelay $0x1  }
0x8a: {  	s1 =	srdreg.scid  }
0x8b: {  	s0 =	sand.u32 $0x1, s1  }
0x8c: {  	s17 =	sshll.u32 s0, $0xA;
	s2 =	sadd.s32 s3, s2  }
0x8d: {  	s2 =	sadd.s32 s2, s17  }
0x8e: {  	[smem:$0x3FC2] =	sst s2  }
0x8f: {  	_ = 	snop  }
0x90: {  	s18 =	sld [smem:$0x3FD0];
	(tm) =	ssettm $0x1  }
0x91: {  	s19 =	sld [smem:$0x3FFB];
	_ =	sdelay $0x3  }
0x92: {  	_ =	strace s19  }
0x93: {  	s2 =	sld [smem:$0x3FFC];
	_ =	sdelay $0x3  }
0x94: {  	_ =	strace s2  }
0x95: {  	s2 =	sld [smem:$0x3FFD];
	_ =	sdelay $0x3  }
0x96: {  	_ =	strace s2  }
0x97: {  	_ =	strace $0x8FFFFFFF  }
0x98: {  	s20 =	sld [smem:$0x3FDB];
	_ =	sdelay $0x1  }
0x99: {  	s4 =	simm.s32 $_scs_section_size  }
0x9a: {  	s5 =	simm.s32 $_size__tile_overlayer_lowered;
	s6 =	simm.s32 $_tile_overlayer_lowered  }
0x9b: {  	s7 =	simm.s32 $0x1BFF;
	s21 =	sshll.u32 s6, $0x1;
	s4 =	sadd.s32 s4, s20  }
0x9c: {  	s22 =	simm.s32 $0x0;
	s5 =	sshll.u32 s5, $0x1;
	s6 =	sadd.s32 s21, s4  }
0x9d: {  	[timem:s22], [sflag:s7] =	dma.local [hbm:s6], s5  }
0x9e: {  	_ =	swait.ge [sflag:s7], s5  }
0x9f: {  	s5 =	ssub.s32 $0x0, s5;
	[sflag:s7] =	ssyncset.done $0x0  }
0xa0: {  	[sflag:s7] =	ssyncadd.s32 s5;
	_ =	sdelay $0x1  }
0xa1: {  	s23 =	simm.s32 $0x1B8B  }
0xa2: {  	_ =	swait.ge [sflag:s23], $0x1  }
0xa3: {  	[sflag:s23] =	ssyncset.done $0x0  }
0xa4: {  	[sflag:s23] =	ssyncadd.s32 $0xFFFFFFFF  }
0xa5: {  	s5 =	sld [smem:$0x0]  }
0xa6: {  	s6 =	sand.u32 $0xFFFFFFFE, s1  }
0xa7: {  	p0 =	sne.s32 s1, s6  }
0xa8: {  	s6 =	sshll.u32 @p0 s6, $0xE  }
0xa9: {  	s6 =	sadd.s32 @p0 $0x11B8D, s6;
	s7 =	sshll.u32 @p0 s5, $0x11  }
0xaa: {  	s6 =	sor.u32 @p0 s7, s6  }
0xab: {  	[sflag:s6] =	ssyncadd.remote.s32 @p0 $0x1;
	_ =	sdelay $0x1  }
0xac: {  	s6 =	simm.s32 @p0 $0x1B8D  }
0xad: {  	_ =	swait.eq @p0 [sflag:s6], $0x1  }
0xae: {  	[sflag:s6] =	ssyncadd.s32 @p0 $0xFFFFFFFF  }
0xaf: {  	s7 =	sshll.u32 @!p0 s1, $0xE  }
0xb0: {  	s7 =	sor.u32 @!p0 $0x4000, s7;
	s6 =	simm.s32 @!p0 $0x1B8D  }
0xb1: {  	s5 =	sshll.u32 @!p0 s5, $0x11;
	s7 =	sadd.s32 @!p0 $0x11B8D, s7;
	_ =	swait.eq @!p0 [sflag:s6], $0x1  }
0xb2: {  	s5 =	sor.u32 @!p0 s5, s7;
	[sflag:s6] =	ssyncadd.s32 @!p0 $0xFFFFFFFF  }
0xb3: {  	s25 =	simm.s32 $0x1B8E;
	s24 =	sld [smem:$0x3FFE];
	[sflag:s5] =	ssyncadd.remote.s32 @!p0 $0x1  }
0xb4: {  	s26 =	simm.s32 $execute0_lowered;
	[smem:$0x3FD2] =	sst s25  }
0xb5: {  	s6 =	sshll.u32 s26, $0x1;
	_ =	strace $0x80000049;
	[dreg:$0x1] =	wrdreg $0xFFFFFFFF  }
0xb6: {  	s28 =	simm.s32 $_size_execute0_lowered;
	s4 =	sadd.s32 s4, s6;
	[dreg:$0x0] =	wrdreg $0x0  }
0xb7: {  	s6 =	sshll.u32 s28, $0x1;
	[dreg:$0x2] =	wrdreg s4  }
0xb8: {  	[dreg:$0x3] =	wrdreg s6  }
0xb9: {  	[dreg:$0x4] =	wrdreg $0xC0  }
0xba: {  	_ =	task [dreg:s22], $0x5FFFF  }
0xbb: {  	[dreg:$0x1] =	wrdreg $0xFFFFFFFF  }
0xbc: {  	[dreg:$0x0] =	wrdreg $0x60  }
0xbd: {  	[dreg:$0x2] =	wrdreg s18  }
0xbe: {  	[dreg:$0x3] =	wrdreg s24  }
0xbf: {  	[dreg:$0x4] =	wrdreg $0x9  }
0xc0: {  	_ =	task.clear_ibuf [dreg:s22], $0x5FFFF;
	_ =	strace $0x90000049  }
0xc1: {  	s29 =	simm.s32 $0x9;
	_ =	strace $0x8000004B  }
0xc2: {  	_ =	swait.ge [sflag:s29], $0x1  }
0xc3: {  	[sflag:s29] =	ssyncadd.s32 $0xFFFFFFFF  }
0xc4: {  	_ =	strace $0x9000004B  }
0xc5: {  	_ =	sfence  }
0xc6: {  	s30 =	sld [smem:$0x0];
	_ =	sdelay $0x2  }
0xc7: {  	s31 =	sshll.u32 s1, $0xD;
	s1 =	sshrl.u32 s1, $0x2  }
0xc8: {  	s4 =	sand.u32 $0x4000, s31;
	s1 =	sadd.s32 s1, s30  }
0xc9: {  	s0 =	sor.u32 s4, s0;
	s1 =	sshll.u32 s1, $0x11  }
0xca: {  	s0 =	sor.u32 s1, s0  }
0xcb: {  	s0 =	sadd.s32 $0x8F2B, s0  }
0xcc: {  	[sflag:s0] =	ssyncadd.remote.s32 $0x1  }
0xcd: {  	_ =	sfence.sel $0xFFFF  }
0xce: {  	[dreg:$0x0] =	wrdreg $0xFFFFFFFF;
	(pc) =	sbr.abs _section_cstart, $3  }
0xcf: {  	[dreg:$0x1] =	wrdreg $0xFFFFFFFF  }
0xd0: {  	_ =	task.clear_ibuf [dreg:s22], $0x2FFFF;
	_ =	strace $0x9FFFFFFF  }
0xd1: {  	(tm) =	ssettm $0x7FFFFFFF  }
tec
execute0_lowered:
.L_overlay_start_1:
0x0: {  	(tag) =	ssettag $0x1  }
0x1: {  	s2 =	rddreg [dreg:$0x0]  }
0x2: {  	s4 =	rddreg [dreg:$0x1]  }
0x3: {  	s0 =	stileid.u32;
	s3 =	srdreg.scid  }
0x4: {  	s26 =	simm.s32 $0x0;
	s13 =	simm.s32 $0x6200;
	s14 =	simm.s32 $0x1  }
0x5: {  	s16 =	simm.s32 $0x3200;
	s15 =	simm.s32 $0x10;
	s17 =	simm.s32 $0x4200  }
0x6: {  	s19 =	simm.s32 $0x5200;
	s18 =	simm.s32 $0x3;
	s20 =	simm.s32 $0x5  }
0x7: {  	s21 =	simm.s32 $0x6;
	s22 =	simm.s32 $0x7;
	s23 =	simm.s32 $0x8  }
0x8: {  	s24 =	simm.s32 $0x0;
	s5 =	sshll.u32 s0, $0x1;
	s6 =	sand.u32 $0x1, s3  }
0x9: {  	s9 =	sshrl.u32 s0, $0x3;
	[smem:$0x7FF] =	sst s26;
	s5 =	sand.u32 $0xE, s5  }
0xa: {  	s28 =	smul.u32 $0x32000, s9;
	_ =	strace $0x8000004A;
	[dreg:$0x3] =	wrdreg s16  }
0xb: {  	s10 =	smul.u32 $0x19, s9;
	s16 =	simm.s32 $0x80;
	[dreg:$0x4] =	wrdreg s17  }
0xc: {  	s17 =	simm.s32 $0x2;
	[dreg:$0x6] =	wrdreg s19;
	s7 =	sor.u32 s6, s5  }
0xd: {  	s19 =	simm.s32 $0x4;
	s6 =	ssub.s32 $0x2, s6;
	s8 =	sshll.u32 s7, $0x8  }
0xe: {  	s29 =	sshrl.u32 s6, $0x1;
	[dreg:$0x5] =	wrdreg s10;
	s5 =	sor.u32 s28, s8  }
0xf: {  	s7 =	sshll.u32 s7, $0xF;
	s8 =	ssub.s32 s6, s29;
	s5 =	sshrl.u32 s5, $0x3  }
0x10: {  	s10 =	simm.s32 $0x100;
	s31 =	smax.u32 s8, $0x1;
	s5 =	sadd.s32 s5, s4  }
0x11: {  	s6 =	smul.u32 $0x320000, s9;
	[dreg:$0x8] =	wrdreg s31;
	s30 =	sadd.s32 $0xDD600, s5  }
0x12: {  	s9 =	smul.u32 $0x190, s9;
	s4 =	sadd.s32 $0xE9E00, s4;
	[dreg:$0x7] =	wrdreg s30  }
.LBB2_1:
0x13: {  	s0 =	simm.s32 $0x0  }
0x14: {  	s1 =	rddreg [dreg:$0x7];
	s3 =	simm.s32 $0x1000;
	s26 =	simm.s32 $0x9  }
0x15: {  	[tilespmem:s0], [sflag:$0x9] =	stream.strided.gather [hbm4b:s1+s10], $0x3200, s3, s10, $0x38;
	[tilespmem:$0x7200] =	vst v63  }
0x16: {  	_ =	swait.ge [sflag:s26], $0x3200  }
0x17: {  	p0 =	por $0x0, $0x0;
	[sflag:s26] =	ssyncset.done $0x0  }
0x18: {  	s25 =	simm.s32 @p0 $0x5;
	[sflag:s26] =	ssyncadd.s32 $0xFFFFCE00  }
0x19: {  	_ =	swait.ge @p0 [sflag:s25], $0x1000  }
0x1a: {  	s28 =	simm.s32 @p0 $0x100;
	s29 =	simm.s32 @p0 $0x6;
	[sflag:s25] =	ssyncset.done @p0 $0x0  }
0x1b: {  	s26 =	simm.s32 @p0 $0x0;
	[sflag:s25] =	ssyncadd.s32 @p0 $0xFFFFF000;
	s25 =	simm.s32 @p0 $0x3200  }
0x1c: {  	[tilespmem:s25], [sflag:$0x1] =	stream.indirect.gather @p0 [hbm4b:s2+s28], $0x10, s26, s28, $0xb8;
	[tilespmem:$0x7200] =	vst v63  }
0x1d: {  	_ =	swait.ge @p0 [sflag:s29], $0x1000  }
0x1e: {  	s30 =	simm.s32 @p0 $0x7;
	[sflag:s29] =	ssyncset.done @p0 $0x0  }
0x1f: {  	s25 =	simm.s32 @p0 $0x100;
	s26 =	simm.s32 @p0 $0x4200;
	[sflag:s29] =	ssyncadd.s32 @p0 $0xFFFFF000  }
0x20: {  	[tilespmem:s26], [sflag:$0x2] =	stream.indirect.gather @p0 [hbm4b:s2+s28], $0x10, s25, s28, $0xb8;
	[tilespmem:$0x7200] =	vst v63  }
0x21: {  	_ =	swait.ge @p0 [sflag:s30], $0x1000  }
0x22: {  	s29 =	simm.s32 @p0 $0x8;
	[sflag:s30] =	ssyncset.done @p0 $0x0  }
0x23: {  	s25 =	simm.s32 @p0 $0x200;
	s26 =	simm.s32 @p0 $0x5200;
	[sflag:s30] =	ssyncadd.s32 @p0 $0xFFFFF000  }
0x24: {  	[tilespmem:s26], [sflag:$0x3] =	stream.indirect.gather @p0 [hbm4b:s2+s28], $0x10, s25, s28, $0xb8;
	[tilespmem:$0x7200] =	vst v63  }
0x25: {  	_ =	swait.ge @p0 [sflag:s29], $0x1000  }
0x26: {  	s26 =	simm.s32 @!p0 $0x100;
	[sflag:s29] =	ssyncset.done @p0 $0x0  }
0x27: {  	s28 =	simm.s32 @!p0 $0x0;
	[sflag:s29] =	ssyncadd.s32 @p0 $0xFFFFF000;
	s29 =	simm.s32 @!p0 $0x3200  }
0x28: {  	[tilespmem:s29], [sflag:$0x1] =	stream.indirect.gather @!p0 [hbm4b:s2+s26], $0x10, s28, s26, $0xb8;
	[tilespmem:$0x7200] =	vst v63  }
0x29: {  	s25 =	simm.s32 @p0 $0x800;
	s28 =	simm.s32 @!p0 $0x4200  }
0x2a: {  	[tilespmem:s28], [sflag:$0x2] =	stream.indirect.gather @!p0 [hbm4b:s2+s26], $0x10, s26, s26, $0xb8;
	[tilespmem:$0x7200] =	vst v63  }
0x2b: {  	s25 =	simm.s32 @!p0 $0x800;
	s29 =	simm.s32 @!p0 $0x200;
	s28 =	simm.s32 @!p0 $0x5200  }
0x2c: {  	[tilespmem:s28], [sflag:$0x3] =	stream.indirect.gather @!p0 [hbm4b:s2+s26], $0x10, s29, s26, $0xb8;
	[tilespmem:$0x7200] =	vst v63  }
0x2d: {  	s1 =	sand.u32 $0x780000, s6;
	s25 =	sshra.s32 s25, $0x2;
	s28 =	sand.u32 $0x30, s9  }
0x2e: {  	s25 =	sadd.s32 $0x100, s25;
	s3 =	sor.u32 s28, s1  }
0x2f: {  	[tilespmem:s13], [sflag:$0x4] =	stream.indirect.gather [hbm4b:s2+s10], $0x10, s25, s10, $0xb8;
	[tilespmem:$0x7200] =	vst v63  }
0x30: {  	s25 =	sor.u32 s7, s3;
	_ =	swait.ge [sflag:s14], $0x1000  }
0x31: {  	s25 =	sshrl.u32 s25, $0x3;
	[sflag:s14] =	ssyncset.done $0x0  }
0x32: {  	s5 =	rddreg [dreg:$0x3];
	s25 =	sadd.s32 s4, s25;
	[sflag:s14] =	ssyncadd.s32 $0xFFFFF000  }
0x33: {  	[hbm4b:s25+s15] =	stream.strided.scatter [tilespmem:s5], [sflag:$0x5], $0x1000, s16, s15, $0x38;
	[tilespmem:$0x7200] =	vst v63  }
0x34: {  	_ =	swait.ge [sflag:s17], $0x1000  }
0x35: {  	[sflag:s17] =	ssyncset.done $0x0  }
0x36: {  	s25 =	sadd.s32 $0x8, s25;
	s8 =	rddreg [dreg:$0x4];
	[sflag:s17] =	ssyncadd.s32 $0xFFFFF000  }
0x37: {  	[hbm4b:s25+s15] =	stream.strided.scatter [tilespmem:s8], [sflag:$0x6], $0x1000, s16, s15, $0x38;
	[tilespmem:$0x7200] =	vst v63  }
0x38: {  	s26 =	simm.s32 $0x1;
	_ =	swait.ge [sflag:s18], $0x1000  }
0x39: {  	s26 =	simm.s32 @!p0 $0x1;
	s11 =	rddreg [dreg:$0x5]  }
0x3a: {  	s25 =	sadd.s32 s11, s26  }
0x3b: {  	s26 =	sshll.u32 s25, $0x11;
	s25 =	sshll.u32 s25, $0x4  }
0x3c: {  	s30 =	simm.s32 $0x2000;
	s26 =	sand.u32 $0x780000, s26;
	s25 =	sand.u32 $0x30, s25  }
0x3d: {  	s29 =	simm.s32 $0x1000;
	s28 =	sadd.s32 $0x40000, s6;
	s25 =	sor.u32 s25, s26  }
0x3e: {  	p0 =	por $0x1, $0x1;
	[sflag:s18] =	ssyncset.done $0x0;
	s25 =	sor.u32 s7, s25  }
0x3f: {  	s12 =	rddreg [dreg:$0x6];
	[sflag:s18] =	ssyncadd.s32 $0xFFFFF000;
	s25 =	sshrl.u32 s25, $0x3  }
0x40: {  	s26 =	sadd.s32 $0x20, s9;
	s31 =	sadd.s32 s4, s25;
	s25 =	simm.s32 $0x3  }
0x41: {  	[hbm4b:s31+s15] =	stream.strided.scatter [tilespmem:s12], [sflag:$0x7], $0x1000, s16, s15, $0x38;
	[tilespmem:$0x7200] =	vst v63  }
.LBB2_2:
0x42: {  	_ =	swait.ge [sflag:s19], $0x1000  }
0x43: {  	[sflag:s19] =	ssyncset.done $0x0  }
0x44: {  	s0 =	simm.s32 @p0 $0x5;
	s31 =	sadd.s32 $0x8, s31;
	[sflag:s19] =	ssyncadd.s32 $0xFFFFF000  }
0x45: {  	[hbm4b:s31+s15] =	stream.strided.scatter [tilespmem:s13], [sflag:$0x8], $0x1000, s16, s15, $0x38;
	[tilespmem:$0x7200] =	vst v63  }
0x46: {  	s1 =	sadd.s32 @p0 $0x800, s29;
	_ =	swait.ge @p0 [sflag:s0], $0x1000  }
0x47: {  	s29 =	sshra.s32 @p0 s29, $0x2;
	s8 =	simm.s32 @p0 $0x6;
	[sflag:s0] =	ssyncset.done @p0 $0x0  }
0x48: {  	s31 =	simm.s32 @p0 $0x100;
	[sflag:s0] =	ssyncadd.s32 @p0 $0xFFFFF000;
	s0 =	simm.s32 @p0 $0x3200  }
0x49: {  	[tilespmem:s0], [sflag:$0x1] =	stream.indirect.gather @p0 [hbm4b:s2+s31], $0x10, s29, s31, $0xb8;
	[tilespmem:$0x7200] =	vst v63  }
0x4a: {  	_ =	swait.ge @p0 [sflag:s8], $0x1000  }
0x4b: {  	s12 =	simm.s32 @p0 $0x7;
	[sflag:s8] =	ssyncset.done @p0 $0x0  }
0x4c: {  	s11 =	sadd.s32 @p0 $0x100, s29;
	s0 =	simm.s32 @p0 $0x4200;
	[sflag:s8] =	ssyncadd.s32 @p0 $0xFFFFF000  }
0x4d: {  	[tilespmem:s0], [sflag:$0x2] =	stream.indirect.gather @p0 [hbm4b:s2+s31], $0x10, s11, s31, $0xb8;
	[tilespmem:$0x7200] =	vst v63  }
0x4e: {  	s3 =	smov.u32 s30;
	_ =	swait.ge @p0 [sflag:s12], $0x1000  }
0x4f: {  	s5 =	sadd.s32 @p0 $0x200, s29;
	s29 =	smov.u32 s3;
	[sflag:s12] =	ssyncset.done @p0 $0x0  }
0x50: {  	s3 =	simm.s32 @p0 $0x8;
	s0 =	simm.s32 @p0 $0x5200;
	[sflag:s12] =	ssyncadd.s32 @p0 $0xFFFFF000  }
0x51: {  	[tilespmem:s0], [sflag:$0x3] =	stream.indirect.gather @p0 [hbm4b:s2+s31], $0x10, s5, s31, $0xb8;
	[tilespmem:$0x7200] =	vst v63  }
0x52: {  	_ =	swait.ge @p0 [sflag:s3], $0x1000  }
0x53: {  	s1 =	simm.s32 @!p0 $0x800;
	s0 =	simm.s32 @!p0 $0x100;
	[sflag:s3] =	ssyncset.done @p0 $0x0  }
0x54: {  	s5 =	simm.s32 @!p0 $0x0;
	[sflag:s3] =	ssyncadd.s32 @p0 $0xFFFFF000;
	s3 =	simm.s32 @!p0 $0x3200  }
0x55: {  	[tilespmem:s3], [sflag:$0x1] =	stream.indirect.gather @!p0 [hbm4b:s2+s0], $0x10, s5, s0, $0xb8;
	[tilespmem:$0x7200] =	vst v63  }
0x56: {  	s1 =	sshra.s32 s1, $0x2;
	s8 =	simm.s32 @!p0 $0x5200;
	s3 =	simm.s32 @!p0 $0x4200  }
0x57: {  	[tilespmem:s3], [sflag:$0x2] =	stream.indirect.gather @!p0 [hbm4b:s2+s0], $0x10, s0, s0, $0xb8;
	[tilespmem:$0x7200] =	vst v63  }
0x58: {  	s11 =	sand.u32 $0x780000, s28;
	s12 =	sand.u32 $0x30, s26;
	s3 =	simm.s32 @!p0 $0x200  }
0x59: {  	[tilespmem:s8], [sflag:$0x3] =	stream.indirect.gather @!p0 [hbm4b:s2+s0], $0x10, s3, s0, $0xb8;
	[tilespmem:$0x7200] =	vst v63  }
0x5a: {  	s8 =	sadd.s32 $0x100, s1;
	s3 =	sor.u32 s12, s11  }
0x5b: {  	[tilespmem:s13], [sflag:$0x4] =	stream.indirect.gather [hbm4b:s2+s10], $0x10, s8, s10, $0xb8;
	[tilespmem:$0x7200] =	vst v63  }
0x5c: {  	s0 =	sor.u32 s7, s3;
	_ =	swait.ge [sflag:s14], $0x1000  }
0x5d: {  	s0 =	sshrl.u32 s0, $0x3;
	[sflag:s14] =	ssyncset.done $0x0  }
0x5e: {  	s0 =	sadd.s32 s4, s0;
	s5 =	rddreg [dreg:$0x3];
	[sflag:s14] =	ssyncadd.s32 $0xFFFFF000  }
0x5f: {  	[hbm4b:s0+s15] =	stream.strided.scatter [tilespmem:s5], [sflag:$0x5], $0x1000, s16, s15, $0x38;
	[tilespmem:$0x7200] =	vst v63  }
0x60: {  	_ =	swait.ge [sflag:s17], $0x1000  }
0x61: {  	[sflag:s17] =	ssyncset.done $0x0  }
0x62: {  	s0 =	sadd.s32 $0x8, s0;
	s8 =	rddreg [dreg:$0x4];
	[sflag:s17] =	ssyncadd.s32 $0xFFFFF000  }
0x63: {  	[hbm4b:s0+s15] =	stream.strided.scatter [tilespmem:s8], [sflag:$0x6], $0x1000, s16, s15, $0x38;
	[tilespmem:$0x7200] =	vst v63  }
0x64: {  	s1 =	smov.u32 s25;
	_ =	swait.ge [sflag:s18], $0x1000  }
0x65: {  	s1 =	simm.s32 @!p0 $0x1;
	s11 =	rddreg [dreg:$0x5]  }
0x66: {  	s0 =	sadd.s32 s11, s1  }
0x67: {  	s30 =	sadd.s32 $0x1000, s30;
	s1 =	sshll.u32 s0, $0x11;
	s0 =	sshll.u32 s0, $0x4  }
0x68: {  	p1 =	sne.s32 s30, $0xC000;
	s1 =	sand.u32 $0x780000, s1;
	s0 =	sand.u32 $0x30, s0  }
.Ltmp0:
0x69: {  	s28 =	sadd.s32 $0x40000, s28;
	s0 =	sor.u32 s0, s1;
	(pc) =	sbr.rel @p1 .LBB2_2-.Ltmp0, $4  }
0x6a: {  	s26 =	sadd.s32 $0x20, s26;
	s25 =	sadd.s32 $0x2, s25;
	s0 =	sor.u32 s7, s0  }
0x6b: {  	p0 =	sne.s32 s29, $0x0;
	[sflag:s18] =	ssyncset.done $0x0;
	s0 =	sshrl.u32 s0, $0x3  }
0x6c: {  	s12 =	rddreg [dreg:$0x6];
	[sflag:s18] =	ssyncadd.s32 $0xFFFFF000;
	s31 =	sadd.s32 s4, s0  }
0x6d: {  	[hbm4b:s31+s15] =	stream.strided.scatter [tilespmem:s12], [sflag:$0x7], $0x1000, s16, s15, $0x38;
	[tilespmem:$0x7200] =	vst v63  }
0x6e: {  	_ =	swait.ge [sflag:s19], $0x1000  }
0x6f: {  	[sflag:s19] =	ssyncset.done $0x0  }
0x70: {  	s0 =	simm.s32 @p0 $0x5;
	s1 =	sadd.s32 $0x8, s31;
	[sflag:s19] =	ssyncadd.s32 $0xFFFFF000  }
0x71: {  	[hbm4b:s1+s15] =	stream.strided.scatter [tilespmem:s13], [sflag:$0x8], $0x1000, s16, s15, $0x38;
	[tilespmem:$0x7200] =	vst v63  }
0x72: {  	_ =	swait.ge @p0 [sflag:s0], $0x1000  }
0x73: {  	s3 =	simm.s32 @p0 $0x100;
	s5 =	simm.s32 @p0 $0x6;
	[sflag:s0] =	ssyncset.done @p0 $0x0  }
0x74: {  	s1 =	sshra.s32 @p0 s29, $0x2;
	[sflag:s0] =	ssyncadd.s32 @p0 $0xFFFFF000;
	s0 =	simm.s32 @p0 $0x3200  }
0x75: {  	[tilespmem:s0], [sflag:$0x1] =	stream.indirect.gather @p0 [hbm4b:s2+s3], $0x10, s1, s3, $0xb8;
	[tilespmem:$0x7200] =	vst v63  }
0x76: {  	_ =	swait.ge @p0 [sflag:s5], $0x1000  }
0x77: {  	[sflag:s5] =	ssyncset.done @p0 $0x0  }
0x78: {  	s0 =	sadd.s32 @p0 $0x100, s1;
	[sflag:s5] =	ssyncadd.s32 @p0 $0xFFFFF000;
	s5 =	simm.s32 @p0 $0x4200  }
0x79: {  	[tilespmem:s5], [sflag:$0x2] =	stream.indirect.gather @p0 [hbm4b:s2+s3], $0x10, s0, s3, $0xb8;
	[tilespmem:$0x7200] =	vst v63  }
0x7a: {  	s0 =	simm.s32 @p0 $0x7  }
0x7b: {  	_ =	swait.ge @p0 [sflag:s0], $0x1000  }
0x7c: {  	[sflag:s0] =	ssyncset.done @p0 $0x0  }
0x7d: {  	s1 =	sadd.s32 @p0 $0x200, s1;
	[sflag:s0] =	ssyncadd.s32 @p0 $0xFFFFF000;
	s0 =	simm.s32 @p0 $0x5200  }
0x7e: {  	[tilespmem:s0], [sflag:$0x3] =	stream.indirect.gather @p0 [hbm4b:s2+s3], $0x10, s1, s3, $0xb8;
	[tilespmem:$0x7200] =	vst v63  }
0x7f: {  	s0 =	simm.s32 @p0 $0x8  }
0x80: {  	_ =	swait.ge @p0 [sflag:s0], $0x1000  }
0x81: {  	s1 =	simm.s32 @!p0 $0x100;
	[sflag:s0] =	ssyncset.done @p0 $0x0  }
0x82: {  	s3 =	simm.s32 @!p0 $0x0;
	[sflag:s0] =	ssyncadd.s32 @p0 $0xFFFFF000;
	s0 =	simm.s32 @!p0 $0x3200  }
0x83: {  	[tilespmem:s0], [sflag:$0x1] =	stream.indirect.gather @!p0 [hbm4b:s2+s1], $0x10, s3, s1, $0xb8;
	[tilespmem:$0x7200] =	vst v63  }
0x84: {  	s0 =	simm.s32 @!p0 $0x4200  }
0x85: {  	[tilespmem:s0], [sflag:$0x2] =	stream.indirect.gather @!p0 [hbm4b:s2+s1], $0x10, s1, s1, $0xb8;
	[tilespmem:$0x7200] =	vst v63  }
0x86: {  	s3 =	simm.s32 @!p0 $0x200;
	s0 =	simm.s32 @!p0 $0x5200  }
0x87: {  	[tilespmem:s0], [sflag:$0x3] =	stream.indirect.gather @!p0 [hbm4b:s2+s1], $0x10, s3, s1, $0xb8;
	[tilespmem:$0x7200] =	vst v63  }
0x88: {  	s0 =	sadd.s32 @p0 $0x800, s29  }
0x89: {  	s0 =	simm.s32 @!p0 $0x800  }
0x8a: {  	s0 =	sshra.s32 s0, $0x2  }
0x8b: {  	s8 =	sand.u32 $0x780000, s28;
	s11 =	sand.u32 $0x30, s26;
	s0 =	sadd.s32 $0x100, s0  }
0x8c: {  	[tilespmem:s13], [sflag:$0x4] =	stream.indirect.gather [hbm4b:s2+s10], $0x10, s0, s10, $0xb8;
	[tilespmem:$0x7200] =	vst v63  }
0x8d: {  	s0 =	sor.u32 s11, s8  }
0x8e: {  	_ =	swait.ge [sflag:s14], $0x1000;
	s0 =	sor.u32 s7, s0  }
0x8f: {  	[sflag:s14] =	ssyncset.done $0x0;
	s0 =	sshrl.u32 s0, $0x3  }
0x90: {  	s12 =	rddreg [dreg:$0x3];
	[sflag:s14] =	ssyncadd.s32 $0xFFFFF000;
	s0 =	sadd.s32 s4, s0  }
0x91: {  	[hbm4b:s0+s15] =	stream.strided.scatter [tilespmem:s12], [sflag:$0x5], $0x1000, s16, s15, $0x38;
	[tilespmem:$0x7200] =	vst v63  }
0x92: {  	_ =	swait.ge [sflag:s17], $0x1000  }
0x93: {  	[sflag:s17] =	ssyncset.done $0x0  }
0x94: {  	s0 =	sadd.s32 $0x8, s0;
	s26 =	rddreg [dreg:$0x4];
	[sflag:s17] =	ssyncadd.s32 $0xFFFFF000  }
0x95: {  	[hbm4b:s0+s15] =	stream.strided.scatter [tilespmem:s26], [sflag:$0x6], $0x1000, s16, s15, $0x38;
	[tilespmem:$0x7200] =	vst v63  }
0x96: {  	_ =	swait.ge [sflag:s18], $0x1000  }
0x97: {  	s25 =	simm.s32 @!p0 $0x1;
	s28 =	rddreg [dreg:$0x5]  }
0x98: {  	s0 =	sadd.s32 s28, s25  }
0x99: {  	s29 =	sshll.u32 s0, $0x11;
	s0 =	sshll.u32 s0, $0x4  }
0x9a: {  	s1 =	sand.u32 $0x780000, s29;
	s0 =	sand.u32 $0x30, s0  }
0x9b: {  	s0 =	sor.u32 s0, s1  }
0x9c: {  	s0 =	sor.u32 s7, s0  }
0x9d: {  	[sflag:s18] =	ssyncset.done $0x0;
	s0 =	sshrl.u32 s0, $0x3  }
0x9e: {  	s30 =	rddreg [dreg:$0x6];
	[sflag:s18] =	ssyncadd.s32 $0xFFFFF000;
	s0 =	sadd.s32 s4, s0  }
0x9f: {  	[hbm4b:s0+s15] =	stream.strided.scatter [tilespmem:s30], [sflag:$0x7], $0x1000, s16, s15, $0x38;
	[tilespmem:$0x7200] =	vst v63  }
0xa0: {  	_ =	swait.ge [sflag:s19], $0x1000  }
0xa1: {  	[sflag:s19] =	ssyncset.done $0x0  }
0xa2: {  	s0 =	sadd.s32 $0x8, s0;
	[sflag:s19] =	ssyncadd.s32 $0xFFFFF000  }
0xa3: {  	[hbm4b:s0+s15] =	stream.strided.scatter [tilespmem:s13], [sflag:$0x8], $0x1000, s16, s15, $0x38;
	[tilespmem:$0x7200] =	vst v63  }
0xa4: {  	_ =	swait.ge [sflag:s20], $0x1000  }
0xa5: {  	[sflag:s20] =	ssyncset.done $0x0  }
0xa6: {  	[sflag:s20] =	ssyncadd.s32 $0xFFFFF000  }
0xa7: {  	_ =	swait.ge [sflag:s21], $0x1000  }
0xa8: {  	[sflag:s21] =	ssyncset.done $0x0  }
0xa9: {  	[sflag:s21] =	ssyncadd.s32 $0xFFFFF000  }
0xaa: {  	_ =	swait.ge [sflag:s22], $0x1000  }
0xab: {  	[sflag:s22] =	ssyncset.done $0x0  }
0xac: {  	[sflag:s22] =	ssyncadd.s32 $0xFFFFF000  }
0xad: {  	_ =	swait.ge [sflag:s23], $0x1000  }
0xae: {  	s24 =	sadd.s32 $0x1, s24;
	s31 =	rddreg [dreg:$0x8]  }
0xaf: {  	p0 =	sne.s32 s24, s31  }
.Ltmp1:
0xb0: {  	_ = 	snop;
	(pc) =	sbr.rel @p0 .LBB2_1-.Ltmp1, $3  }
0xb1: {  	_ =	sdelay $0x1  }
0xb2: {  	[sflag:s23] =	ssyncset.done $0x0  }
0xb3: {  	[sflag:s23] =	ssyncadd.s32 $0xFFFFF000  }
0xb4: {  	_ =	sfence.sel $0x180000  }
0xb5: {  	[bflag:$0x0] =	sbarrier.arrive $0xFFFF  }
0xb6: {  	_ =	strace $0x9000004A  }
0xb7: {  	s0 =	stileid.u32;
	[bflag:$0x2] =	sbarrier.arrive $0xFFFF  }
0xb8: {  	p0 =	sne.s32 s0, $0x0;
	s0 =	rddreg [dreg:$0x2]  }
0xb9: {  	s0 =	sadd.s32 @!p0 $0x100000, s0  }
0xba: {  	[sflag:s0] =	ssyncadd.tile.s32 @!p0 $0x1;
	_ =	shalt  }
.Lfunc_end2:
_tile_overlayer_lowered:
.L_overlay_start_2:
0xbb: {  	(tag) =	ssettag $0x2  }
0xbc: {  	s0 =	rddreg [dreg:$0x0];
	s2 =	stileid.u32  }
0xbd: {  	s1 =	rddreg [dreg:$0x1];
	p0 =	sne.s32 s2, $0x0  }
0xbe: {  	s3 =	rddreg [dreg:$0x2];
	[bflag:$0x3] =	sbarrier.arrive $0xFFFF;
	s2 =	simm.s32 @!p0 $0x1C09  }
0xbf: {  	[timem:s3], [sflag:s2] =	dma.local @!p0 [hbm:s0], s1  }
0xc0: {  	s0 =	simm.s32 @!p0 $0x9  }
0xc1: {  	_ =	swait.ge @!p0 [sflag:s0], s1  }
0xc2: {  	s1 =	ssub.s32 @!p0 $0x0, s1;
	[sflag:s0] =	ssyncset.done @!p0 $0x0  }
0xc3: {  	[sflag:s0] =	ssyncadd.s32 @!p0 s1  }
0xc4: {  	[bflag:$0x3] =	sbarrier.arrive $0xFFFF  }
0xc5: {  	_ =	shalt  }

// kernel: kernel.9.cloned.1.call-start
scs
__scs_entry_jumppad:
0x0: {  	(pc) =	sbr.rel $0x88, $3  }
0x1: {  	(tag) =	ssettag $0x0;
	lr =	simm.s32 $0x1  }
0x2: {  	[smem:$0x3F9B] =	sst lr;
	_ =	strace $0xD0000000  }
0x3: {  	_ = 	snop  }
0x4: {  	_ = 	snop  }
0x5: {  	_ = 	snop  }
0x6: {  	_ = 	snop  }
0x7: {  	_ = 	snop  }
__scs_overlays_trampoline_lowered:
0x8: {  	[smem:$0x3FAA] =	sst s0  }
0x9: {  	[smem:$0x3FAB] =	sst s1  }
0xa: {  	[smem:$0x3FAC] =	sst s2  }
0xb: {  	[smem:$0x3FAD] =	sst s3  }
0xc: {  	[smem:$0x3FAE] =	sst s4  }
0xd: {  	[smem:$0x3FAF] =	sst s5  }
0xe: {  	[smem:$0x3FB0] =	sst s6  }
0xf: {  	[smem:$0x3FB1] =	sst s7  }
0x10: {  	[smem:$0x3FB2] =	sst s8  }
0x11: {  	[smem:$0x3FB3] =	sst s9;
	s0 =	simm.s32 @!p0 $0x0  }
0x12: {  	s1 =	sld [smem:$0x3F99];
	s0 =	simm.s32 @p0 $0x1  }
0x13: {  	[smem:$0x3FB4] =	sst s0;
	s0 =	simm.s32 @!p1 $0x0  }
0x14: {  	s2 =	sld [smem:$0x3F98];
	s0 =	simm.s32 @p1 $0x1  }
0x15: {  	[smem:$0x3FB5] =	sst s0;
	s0 =	simm.s32 @!p2 $0x0  }
0x16: {  	s3 =	sld [smem:$0x3FDB];
	s0 =	simm.s32 @p2 $0x1  }
0x17: {  	s4 =	simm.s32 $0x1BF5;
	[smem:$0x3FB7] =	sst s0  }
0x18: {  	s0 =	sld [smem:$0x3F9A];
	_ =	swait.ge [sflag:s4], $0x0  }
0x19: {  	s7 =	sld [smem:$0x3F9B]  }
0x1a: {  	s8 =	sadd.s32 $0xFFFFE003, lr  }
0x1b: {  	s9 =	sadd.s32 $0xFFFFFEF7, lr;
	s5 =	simm.s32 $0xFFFFFFFF;
	p2 =	slt.u32 s8, $0xFFFFF086  }
0x1c: {  	p1 =	slt.u32 s9, $0xF7A;
	s5 =	simm.s32 @!p2 $0x0  }
0x1d: {  	s5 =	simm.s32 @p1 $0x1;
	p0 =	seq.s32 s7, s2  }
0x1e: {  	s7 =	smul.u32 @!p0 $0xF7A, s2;
	p2 =	seq.s32 @!p0 s5, $0x0  }
0x1f: {  	s9 =	smul.u32 $0xF7A, s1;
	s8 =	simm.s32 @!p0 $0x1BF5;
	p2 =	por !p2, p0  }
0x20: {  	[sflag:s8] =	ssyncset.s32 @!p0 $0xFFFFF086;
	s6 =	sadd.s32 @!p0 s3, s7;
	s7 =	simm.s32 @!p0 $0x108  }
0x21: {  	s3 =	sadd.s32 s3, s9;
	s6 =	sadd.s32 @!p0 $0x88, s6;
	s7 =	simm.s32 @p2 $0x1082  }
0x22: {  	[simem:s7], [sflag:s8] =	dma.local @!p0 [hbm:s6], $0xF7A  }
0x23: {  	s9 =	sor.u32 $0xD0000000, s2;
	s6 =	simm.s32 $0x108;
	_ =	swait.ge @!p0 [sflag:s8], $0x0  }
0x24: {  	s3 =	sadd.s32 $0x88, s3;
	s6 =	simm.s32 @!p1 $0x1082;
	[sflag:s4] =	ssyncset.s32 $0xFFFFF086  }
0x25: {  	[simem:s6], [sflag:s4] =	dma.local [hbm:s3], $0xF7A  }
0x26: {  	[smem:$0x3F9B] =	sst s1;
	(tag) =	ssettag s2;
	_ =	strace s9  }
0x27: {  	s1 =	sld [smem:$0x3FAB]  }
0x28: {  	s2 =	sld [smem:$0x3FAC]  }
0x29: {  	s4 =	sld [smem:$0x3FAE]  }
0x2a: {  	p0 =	seq.s32 s5, $0x0;
	s5 =	sld [smem:$0x3FAF]  }
0x2b: {  	s6 =	sld [smem:$0x3FB0]  }
0x2c: {  	s7 =	sld [smem:$0x3FB1]  }
0x2d: {  	s3 =	simm.s32 $0x108;
	s8 =	sld [smem:$0x3FB2]  }
0x2e: {  	s3 =	simm.s32 @!p0 $0x1082;
	s9 =	sld [smem:$0x3FB3]  }
0x2f: {  	lr =	sadd.s32 s0, s3;
	s0 =	sld [smem:$0x3FAA]  }
0x30: {  	s3 =	sld [smem:$0x3FAD]  }
0x31: {  	[smem:$0x3FB6] =	sst s10  }
0x32: {  	s10 =	sld [smem:$0x3FB4];
	_ =	sdelay $0x3  }
0x33: {  	p0 =	seq.s32 s10, $0x1;
	s10 =	sld [smem:$0x3FB6];
	_ =	sdelay $0x3  }
0x34: {  	[smem:$0x3FB6] =	sst s10  }
0x35: {  	s10 =	sld [smem:$0x3FB5];
	_ =	sdelay $0x3  }
0x36: {  	p1 =	seq.s32 s10, $0x1;
	s10 =	sld [smem:$0x3FB6];
	_ =	sdelay $0x3  }
0x37: {  	[smem:$0x3FB6] =	sst s10  }
0x38: {  	s10 =	sld [smem:$0x3FB7]  }
0x39: {  	_ = 	snop;
	(pc) =	sbr.ind lr, $3  }
0x3a: {  	_ = 	snop  }
0x3b: {  	_ = 	snop  }
0x3c: {  	p2 =	seq.s32 s10, $0x1;
	s10 =	sld [smem:$0x3FB6]  }
0x3d: {  	_ =	shalt  }
0x3e: {  	_ =	shalt  }
0x3f: {  	_ =	shalt  }
0x40: {  	_ =	shalt  }
0x41: {  	_ =	shalt  }
0x42: {  	_ =	shalt  }
0x43: {  	_ =	shalt  }
0x44: {  	_ =	shalt  }
0x45: {  	_ =	shalt  }
0x46: {  	_ =	shalt  }
0x47: {  	_ =	shalt  }
0x48: {  	_ =	shalt  }
0x49: {  	_ =	shalt  }
0x4a: {  	_ =	shalt  }
0x4b: {  	_ =	shalt  }
0x4c: {  	_ =	shalt  }
0x4d: {  	_ =	shalt  }
0x4e: {  	_ =	shalt  }
0x4f: {  	_ =	shalt  }
0x50: {  	_ =	shalt  }
0x51: {  	_ =	shalt  }
0x52: {  	_ =	shalt  }
0x53: {  	_ =	shalt  }
0x54: {  	_ =	shalt  }
0x55: {  	_ =	shalt  }
0x56: {  	_ =	shalt  }
0x57: {  	_ =	shalt  }
0x58: {  	_ =	shalt  }
0x59: {  	_ =	shalt  }
0x5a: {  	_ =	shalt  }
0x5b: {  	_ =	shalt  }
0x5c: {  	_ =	shalt  }
0x5d: {  	_ =	shalt  }
0x5e: {  	_ =	shalt  }
0x5f: {  	_ =	shalt  }
0x60: {  	_ =	shalt  }
0x61: {  	_ =	shalt  }
0x62: {  	_ =	shalt  }
0x63: {  	_ =	shalt  }
0x64: {  	_ =	shalt  }
0x65: {  	_ =	shalt  }
0x66: {  	_ =	shalt  }
0x67: {  	_ =	shalt  }
0x68: {  	_ =	shalt  }
0x69: {  	_ =	shalt  }
0x6a: {  	_ =	shalt  }
0x6b: {  	_ =	shalt  }
0x6c: {  	_ =	shalt  }
0x6d: {  	_ =	shalt  }
0x6e: {  	_ =	shalt  }
0x6f: {  	_ =	shalt  }
0x70: {  	_ =	shalt  }
0x71: {  	_ =	shalt  }
0x72: {  	_ =	shalt  }
0x73: {  	_ =	shalt  }
0x74: {  	_ =	shalt  }
0x75: {  	_ =	shalt  }
0x76: {  	_ =	shalt  }
0x77: {  	_ =	shalt  }
0x78: {  	_ =	shalt  }
0x79: {  	_ =	shalt  }
0x7a: {  	_ =	shalt  }
0x7b: {  	_ =	shalt  }
0x7c: {  	_ =	shalt  }
0x7d: {  	_ =	shalt  }
0x7e: {  	_ =	shalt  }
0x7f: {  	_ =	shalt  }
0x80: {  	_ =	shalt  }
0x81: {  	_ =	shalt  }
0x82: {  	_ =	shalt  }
0x83: {  	_ =	shalt  }
0x84: {  	_ =	shalt  }
0x85: {  	_ =	shalt  }
0x86: {  	_ =	shalt  }
0x87: {  	_ =	shalt  }
.Lfunc_end0:
.L_simem_size_0:
called_computation.1_lowered:
.L_overlay_start_0:
0x88: {  	s2 =	sld [smem:$0x3FD9]  }
0x89: {  	s3 =	sld [smem:$0x3FFE];
	_ =	sdelay $0x1  }
0x8a: {  	s1 =	srdreg.scid  }
0x8b: {  	s0 =	sand.u32 $0x1, s1  }
0x8c: {  	s17 =	sshll.u32 s0, $0xA;
	s2 =	sadd.s32 s3, s2  }
0x8d: {  	s2 =	sadd.s32 s2, s17  }
0x8e: {  	[smem:$0x3FC2] =	sst s2  }
0x8f: {  	_ = 	snop  }
0x90: {  	s2 =	sld [smem:$0x3FD0];
	(tm) =	ssettm $0x1  }
0x91: {  	s18 =	sld [smem:$0x3FFB];
	_ =	sdelay $0x3  }
0x92: {  	_ =	strace s18  }
0x93: {  	s3 =	sld [smem:$0x3FFC];
	_ =	sdelay $0x3  }
0x94: {  	_ =	strace s3  }
0x95: {  	s3 =	sld [smem:$0x3FFD];
	_ =	sdelay $0x3  }
0x96: {  	_ =	strace s3  }
0x97: {  	_ =	strace $0x8FFFFFFF  }
0x98: {  	s19 =	sld [smem:$0x3FDB];
	_ =	sdelay $0x1  }
0x99: {  	s4 =	simm.s32 $_scs_section_size  }
0x9a: {  	s5 =	simm.s32 $_size__tile_overlayer_lowered;
	s6 =	simm.s32 $_tile_overlayer_lowered  }
0x9b: {  	s22 =	simm.s32 $0x1BFF;
	s21 =	sshll.u32 s6, $0x1;
	s3 =	sadd.s32 s4, s19  }
0x9c: {  	s7 =	simm.s32 $0x0;
	s20 =	sshll.u32 s5, $0x1;
	s5 =	sadd.s32 s21, s3  }
0x9d: {  	[timem:s7], [sflag:s22] =	dma.local [hbm:s5], s20  }
0x9e: {  	_ =	swait.ge [sflag:s22], s20  }
0x9f: {  	s4 =	ssub.s32 $0x0, s20;
	[sflag:s22] =	ssyncset.done $0x0  }
0xa0: {  	[sflag:s22] =	ssyncadd.s32 s4;
	_ =	sdelay $0x1  }
0xa1: {  	s23 =	simm.s32 $0x1B8B  }
0xa2: {  	_ =	swait.ge [sflag:s23], $0x1  }
0xa3: {  	[sflag:s23] =	ssyncset.done $0x0  }
0xa4: {  	s25 =	simm.s32 $0x1B8E;
	s24 =	sld [smem:$0x3FFE];
	[sflag:s23] =	ssyncadd.s32 $0xFFFFFFFF  }
0xa5: {  	s26 =	simm.s32 $execute0_lowered;
	[smem:$0x3FD2] =	sst s25  }
0xa6: {  	s5 =	sshll.u32 s26, $0x1;
	_ =	strace $0x80000046;
	[dreg:$0x1] =	wrdreg $0xFFFFFFFF  }
0xa7: {  	s28 =	simm.s32 $_size_execute0_lowered;
	s3 =	sadd.s32 s3, s5;
	[dreg:$0x0] =	wrdreg $0x0  }
0xa8: {  	s5 =	sshll.u32 s28, $0x1;
	[dreg:$0x2] =	wrdreg s3  }
0xa9: {  	[dreg:$0x3] =	wrdreg s5  }
0xaa: {  	[dreg:$0x4] =	wrdreg $0xC0  }
0xab: {  	_ =	task [dreg:s7], $0x5FFFF  }
0xac: {  	[dreg:$0x1] =	wrdreg $0xFFFFFFFF  }
0xad: {  	[dreg:$0x0] =	wrdreg $0x60  }
0xae: {  	[dreg:$0x2] =	wrdreg s2  }
0xaf: {  	[dreg:$0x3] =	wrdreg s24  }
0xb0: {  	[dreg:$0x4] =	wrdreg $0xA  }
0xb1: {  	_ =	task.clear_ibuf [dreg:s7], $0x5FFFF;
	_ =	strace $0x90000046  }
0xb2: {  	s29 =	simm.s32 $0xA;
	_ =	strace $0x80000048  }
0xb3: {  	_ =	swait.ge [sflag:s29], $0x1  }
0xb4: {  	[sflag:s29] =	ssyncadd.s32 $0xFFFFFFFF  }
0xb5: {  	_ =	strace $0x90000048  }
0xb6: {  	_ =	sfence  }
0xb7: {  	s30 =	sld [smem:$0x0];
	_ =	sdelay $0x2  }
0xb8: {  	s31 =	sshll.u32 s1, $0xD;
	s1 =	sshrl.u32 s1, $0x2  }
0xb9: {  	s3 =	sand.u32 $0x4000, s31;
	s1 =	sadd.s32 s1, s30  }
0xba: {  	s0 =	sor.u32 s3, s0;
	s1 =	sshll.u32 s1, $0x11  }
0xbb: {  	s0 =	sor.u32 s1, s0  }
0xbc: {  	s0 =	sadd.s32 $0x8F2B, s0  }
0xbd: {  	[sflag:s0] =	ssyncadd.remote.s32 $0x1  }
0xbe: {  	_ =	sfence.sel $0xFFFF  }
0xbf: {  	[dreg:$0x0] =	wrdreg $0xFFFFFFFF;
	(pc) =	sbr.abs _section_cstart, $3  }
0xc0: {  	[dreg:$0x1] =	wrdreg $0xFFFFFFFF  }
0xc1: {  	_ =	task.clear_ibuf [dreg:s7], $0x2FFFF;
	_ =	strace $0x9FFFFFFF  }
0xc2: {  	(tm) =	ssettm $0x7FFFFFFF  }
0xc3: {  	_ =	shalt  }
tec
execute0_lowered:
.L_overlay_start_1:
0x0: {  	(tag) =	ssettag $0x1  }
0x1: {  	s2 =	rddreg [dreg:$0x0]  }
0x2: {  	s4 =	rddreg [dreg:$0x1]  }
0x3: {  	s0 =	stileid.u32;
	s3 =	srdreg.scid  }
0x4: {  	s26 =	simm.s32 $0x0;
	s13 =	simm.s32 $0x6200;
	s14 =	simm.s32 $0x1  }
0x5: {  	s16 =	simm.s32 $0x3200;
	s15 =	simm.s32 $0x10;
	s17 =	simm.s32 $0x4200  }
0x6: {  	s19 =	simm.s32 $0x5200;
	s18 =	simm.s32 $0x3;
	s20 =	simm.s32 $0x5  }
0x7: {  	s21 =	simm.s32 $0x6;
	s22 =	simm.s32 $0x7;
	s23 =	simm.s32 $0x8  }
0x8: {  	s24 =	simm.s32 $0x0;
	s5 =	sshll.u32 s0, $0x1;
	s6 =	sand.u32 $0x1, s3  }
0x9: {  	s9 =	sshrl.u32 s0, $0x3;
	[smem:$0x7FF] =	sst s26;
	s5 =	sand.u32 $0xE, s5  }
0xa: {  	s28 =	smul.u32 $0x32000, s9;
	_ =	strace $0x80000047;
	[dreg:$0x3] =	wrdreg s16  }
0xb: {  	s10 =	smul.u32 $0x19, s9;
	s16 =	simm.s32 $0x80;
	[dreg:$0x4] =	wrdreg s17  }
0xc: {  	s17 =	simm.s32 $0x2;
	[dreg:$0x6] =	wrdreg s19;
	s7 =	sor.u32 s6, s5  }
0xd: {  	s19 =	simm.s32 $0x4;
	s6 =	ssub.s32 $0x2, s6;
	s8 =	sshll.u32 s7, $0x8  }
0xe: {  	s29 =	sshrl.u32 s6, $0x1;
	[dreg:$0x5] =	wrdreg s10;
	s5 =	sor.u32 s28, s8  }
0xf: {  	s7 =	sshll.u32 s7, $0xF;
	s8 =	ssub.s32 s6, s29;
	s5 =	sshrl.u32 s5, $0x3  }
0x10: {  	s10 =	simm.s32 $0x100;
	s31 =	smax.u32 s8, $0x1;
	s5 =	sadd.s32 s5, s4  }
0x11: {  	s6 =	smul.u32 $0x320000, s9;
	[dreg:$0x8] =	wrdreg s31;
	s30 =	sadd.s32 $0xE00, s5  }
0x12: {  	s9 =	smul.u32 $0x190, s9;
	s4 =	sadd.s32 $0xD600, s4;
	[dreg:$0x7] =	wrdreg s30  }
.LBB2_1:
0x13: {  	s0 =	simm.s32 $0x0  }
0x14: {  	s1 =	rddreg [dreg:$0x7];
	s3 =	simm.s32 $0x1000;
	s26 =	simm.s32 $0x9  }
0x15: {  	[tilespmem:s0], [sflag:$0x9] =	stream.strided.gather [hbm4b:s1+s10], $0x3200, s3, s10, $0x38;
	[tilespmem:$0x7200] =	vst v63  }
0x16: {  	_ =	swait.ge [sflag:s26], $0x3200  }
0x17: {  	p0 =	por $0x0, $0x0;
	[sflag:s26] =	ssyncset.done $0x0  }
0x18: {  	s25 =	simm.s32 @p0 $0x5;
	[sflag:s26] =	ssyncadd.s32 $0xFFFFCE00  }
0x19: {  	_ =	swait.ge @p0 [sflag:s25], $0x1000  }
0x1a: {  	s28 =	simm.s32 @p0 $0x100;
	s29 =	simm.s32 @p0 $0x6;
	[sflag:s25] =	ssyncset.done @p0 $0x0  }
0x1b: {  	s26 =	simm.s32 @p0 $0x0;
	[sflag:s25] =	ssyncadd.s32 @p0 $0xFFFFF000;
	s25 =	simm.s32 @p0 $0x3200  }
0x1c: {  	[tilespmem:s25], [sflag:$0x1] =	stream.indirect.gather @p0 [hbm4b:s2+s28], $0x10, s26, s28, $0xb8;
	[tilespmem:$0x7200] =	vst v63  }
0x1d: {  	_ =	swait.ge @p0 [sflag:s29], $0x1000  }
0x1e: {  	s30 =	simm.s32 @p0 $0x7;
	[sflag:s29] =	ssyncset.done @p0 $0x0  }
0x1f: {  	s25 =	simm.s32 @p0 $0x100;
	s26 =	simm.s32 @p0 $0x4200;
	[sflag:s29] =	ssyncadd.s32 @p0 $0xFFFFF000  }
0x20: {  	[tilespmem:s26], [sflag:$0x2] =	stream.indirect.gather @p0 [hbm4b:s2+s28], $0x10, s25, s28, $0xb8;
	[tilespmem:$0x7200] =	vst v63  }
0x21: {  	_ =	swait.ge @p0 [sflag:s30], $0x1000  }
0x22: {  	s29 =	simm.s32 @p0 $0x8;
	[sflag:s30] =	ssyncset.done @p0 $0x0  }
0x23: {  	s25 =	simm.s32 @p0 $0x200;
	s26 =	simm.s32 @p0 $0x5200;
	[sflag:s30] =	ssyncadd.s32 @p0 $0xFFFFF000  }
0x24: {  	[tilespmem:s26], [sflag:$0x3] =	stream.indirect.gather @p0 [hbm4b:s2+s28], $0x10, s25, s28, $0xb8;
	[tilespmem:$0x7200] =	vst v63  }
0x25: {  	_ =	swait.ge @p0 [sflag:s29], $0x1000  }
0x26: {  	s26 =	simm.s32 @!p0 $0x100;
	[sflag:s29] =	ssyncset.done @p0 $0x0  }
0x27: {  	s28 =	simm.s32 @!p0 $0x0;
	[sflag:s29] =	ssyncadd.s32 @p0 $0xFFFFF000;
	s29 =	simm.s32 @!p0 $0x3200  }
0x28: {  	[tilespmem:s29], [sflag:$0x1] =	stream.indirect.gather @!p0 [hbm4b:s2+s26], $0x10, s28, s26, $0xb8;
	[tilespmem:$0x7200] =	vst v63  }
0x29: {  	s25 =	simm.s32 @p0 $0x800;
	s28 =	simm.s32 @!p0 $0x4200  }
0x2a: {  	[tilespmem:s28], [sflag:$0x2] =	stream.indirect.gather @!p0 [hbm4b:s2+s26], $0x10, s26, s26, $0xb8;
	[tilespmem:$0x7200] =	vst v63  }
0x2b: {  	s25 =	simm.s32 @!p0 $0x800;
	s29 =	simm.s32 @!p0 $0x200;
	s28 =	simm.s32 @!p0 $0x5200  }
0x2c: {  	[tilespmem:s28], [sflag:$0x3] =	stream.indirect.gather @!p0 [hbm4b:s2+s26], $0x10, s29, s26, $0xb8;
	[tilespmem:$0x7200] =	vst v63  }
0x2d: {  	s1 =	sand.u32 $0x780000, s6;
	s25 =	sshra.s32 s25, $0x2;
	s28 =	sand.u32 $0x30, s9  }
0x2e: {  	s25 =	sadd.s32 $0x100, s25;
	s3 =	sor.u32 s28, s1  }
0x2f: {  	[tilespmem:s13], [sflag:$0x4] =	stream.indirect.gather [hbm4b:s2+s10], $0x10, s25, s10, $0xb8;
	[tilespmem:$0x7200] =	vst v63  }
0x30: {  	s25 =	sor.u32 s7, s3;
	_ =	swait.ge [sflag:s14], $0x1000  }
0x31: {  	s25 =	sshrl.u32 s25, $0x3;
	[sflag:s14] =	ssyncset.done $0x0  }
0x32: {  	s5 =	rddreg [dreg:$0x3];
	s25 =	sadd.s32 s4, s25;
	[sflag:s14] =	ssyncadd.s32 $0xFFFFF000  }
0x33: {  	[hbm4b:s25+s15] =	stream.strided.scatter [tilespmem:s5], [sflag:$0x5], $0x1000, s16, s15, $0x38;
	[tilespmem:$0x7200] =	vst v63  }
0x34: {  	_ =	swait.ge [sflag:s17], $0x1000  }
0x35: {  	[sflag:s17] =	ssyncset.done $0x0  }
0x36: {  	s25 =	sadd.s32 $0x8, s25;
	s8 =	rddreg [dreg:$0x4];
	[sflag:s17] =	ssyncadd.s32 $0xFFFFF000  }
0x37: {  	[hbm4b:s25+s15] =	stream.strided.scatter [tilespmem:s8], [sflag:$0x6], $0x1000, s16, s15, $0x38;
	[tilespmem:$0x7200] =	vst v63  }
0x38: {  	s26 =	simm.s32 $0x1;
	_ =	swait.ge [sflag:s18], $0x1000  }
0x39: {  	s26 =	simm.s32 @!p0 $0x1;
	s11 =	rddreg [dreg:$0x5]  }
0x3a: {  	s25 =	sadd.s32 s11, s26  }
0x3b: {  	s26 =	sshll.u32 s25, $0x11;
	s25 =	sshll.u32 s25, $0x4  }
0x3c: {  	s30 =	simm.s32 $0x2000;
	s26 =	sand.u32 $0x780000, s26;
	s25 =	sand.u32 $0x30, s25  }
0x3d: {  	s29 =	simm.s32 $0x1000;
	s28 =	sadd.s32 $0x40000, s6;
	s25 =	sor.u32 s25, s26  }
0x3e: {  	p0 =	por $0x1, $0x1;
	[sflag:s18] =	ssyncset.done $0x0;
	s25 =	sor.u32 s7, s25  }
0x3f: {  	s12 =	rddreg [dreg:$0x6];
	[sflag:s18] =	ssyncadd.s32 $0xFFFFF000;
	s25 =	sshrl.u32 s25, $0x3  }
0x40: {  	s26 =	sadd.s32 $0x20, s9;
	s31 =	sadd.s32 s4, s25;
	s25 =	simm.s32 $0x3  }
0x41: {  	[hbm4b:s31+s15] =	stream.strided.scatter [tilespmem:s12], [sflag:$0x7], $0x1000, s16, s15, $0x38;
	[tilespmem:$0x7200] =	vst v63  }
.LBB2_2:
0x42: {  	_ =	swait.ge [sflag:s19], $0x1000  }
0x43: {  	[sflag:s19] =	ssyncset.done $0x0  }
0x44: {  	s0 =	simm.s32 @p0 $0x5;
	s31 =	sadd.s32 $0x8, s31;
	[sflag:s19] =	ssyncadd.s32 $0xFFFFF000  }
0x45: {  	[hbm4b:s31+s15] =	stream.strided.scatter [tilespmem:s13], [sflag:$0x8], $0x1000, s16, s15, $0x38;
	[tilespmem:$0x7200] =	vst v63  }
0x46: {  	s1 =	sadd.s32 @p0 $0x800, s29;
	_ =	swait.ge @p0 [sflag:s0], $0x1000  }
0x47: {  	s29 =	sshra.s32 @p0 s29, $0x2;
	s8 =	simm.s32 @p0 $0x6;
	[sflag:s0] =	ssyncset.done @p0 $0x0  }
0x48: {  	s31 =	simm.s32 @p0 $0x100;
	[sflag:s0] =	ssyncadd.s32 @p0 $0xFFFFF000;
	s0 =	simm.s32 @p0 $0x3200  }
0x49: {  	[tilespmem:s0], [sflag:$0x1] =	stream.indirect.gather @p0 [hbm4b:s2+s31], $0x10, s29, s31, $0xb8;
	[tilespmem:$0x7200] =	vst v63  }
0x4a: {  	_ =	swait.ge @p0 [sflag:s8], $0x1000  }
0x4b: {  	s12 =	simm.s32 @p0 $0x7;
	[sflag:s8] =	ssyncset.done @p0 $0x0  }
0x4c: {  	s11 =	sadd.s32 @p0 $0x100, s29;
	s0 =	simm.s32 @p0 $0x4200;
	[sflag:s8] =	ssyncadd.s32 @p0 $0xFFFFF000  }
0x4d: {  	[tilespmem:s0], [sflag:$0x2] =	stream.indirect.gather @p0 [hbm4b:s2+s31], $0x10, s11, s31, $0xb8;
	[tilespmem:$0x7200] =	vst v63  }
0x4e: {  	s3 =	smov.u32 s30;
	_ =	swait.ge @p0 [sflag:s12], $0x1000  }
0x4f: {  	s5 =	sadd.s32 @p0 $0x200, s29;
	s29 =	smov.u32 s3;
	[sflag:s12] =	ssyncset.done @p0 $0x0  }
0x50: {  	s3 =	simm.s32 @p0 $0x8;
	s0 =	simm.s32 @p0 $0x5200;
	[sflag:s12] =	ssyncadd.s32 @p0 $0xFFFFF000  }
0x51: {  	[tilespmem:s0], [sflag:$0x3] =	stream.indirect.gather @p0 [hbm4b:s2+s31], $0x10, s5, s31, $0xb8;
	[tilespmem:$0x7200] =	vst v63  }
0x52: {  	_ =	swait.ge @p0 [sflag:s3], $0x1000  }
0x53: {  	s1 =	simm.s32 @!p0 $0x800;
	s0 =	simm.s32 @!p0 $0x100;
	[sflag:s3] =	ssyncset.done @p0 $0x0  }
0x54: {  	s5 =	simm.s32 @!p0 $0x0;
	[sflag:s3] =	ssyncadd.s32 @p0 $0xFFFFF000;
	s3 =	simm.s32 @!p0 $0x3200  }
0x55: {  	[tilespmem:s3], [sflag:$0x1] =	stream.indirect.gather @!p0 [hbm4b:s2+s0], $0x10, s5, s0, $0xb8;
	[tilespmem:$0x7200] =	vst v63  }
0x56: {  	s1 =	sshra.s32 s1, $0x2;
	s8 =	simm.s32 @!p0 $0x5200;
	s3 =	simm.s32 @!p0 $0x4200  }
0x57: {  	[tilespmem:s3], [sflag:$0x2] =	stream.indirect.gather @!p0 [hbm4b:s2+s0], $0x10, s0, s0, $0xb8;
	[tilespmem:$0x7200] =	vst v63  }
0x58: {  	s11 =	sand.u32 $0x780000, s28;
	s12 =	sand.u32 $0x30, s26;
	s3 =	simm.s32 @!p0 $0x200  }
0x59: {  	[tilespmem:s8], [sflag:$0x3] =	stream.indirect.gather @!p0 [hbm4b:s2+s0], $0x10, s3, s0, $0xb8;
	[tilespmem:$0x7200] =	vst v63  }
0x5a: {  	s8 =	sadd.s32 $0x100, s1;
	s3 =	sor.u32 s12, s11  }
0x5b: {  	[tilespmem:s13], [sflag:$0x4] =	stream.indirect.gather [hbm4b:s2+s10], $0x10, s8, s10, $0xb8;
	[tilespmem:$0x7200] =	vst v63  }
0x5c: {  	s0 =	sor.u32 s7, s3;
	_ =	swait.ge [sflag:s14], $0x1000  }
0x5d: {  	s0 =	sshrl.u32 s0, $0x3;
	[sflag:s14] =	ssyncset.done $0x0  }
0x5e: {  	s0 =	sadd.s32 s4, s0;
	s5 =	rddreg [dreg:$0x3];
	[sflag:s14] =	ssyncadd.s32 $0xFFFFF000  }
0x5f: {  	[hbm4b:s0+s15] =	stream.strided.scatter [tilespmem:s5], [sflag:$0x5], $0x1000, s16, s15, $0x38;
	[tilespmem:$0x7200] =	vst v63  }
0x60: {  	_ =	swait.ge [sflag:s17], $0x1000  }
0x61: {  	[sflag:s17] =	ssyncset.done $0x0  }
0x62: {  	s0 =	sadd.s32 $0x8, s0;
	s8 =	rddreg [dreg:$0x4];
	[sflag:s17] =	ssyncadd.s32 $0xFFFFF000  }
0x63: {  	[hbm4b:s0+s15] =	stream.strided.scatter [tilespmem:s8], [sflag:$0x6], $0x1000, s16, s15, $0x38;
	[tilespmem:$0x7200] =	vst v63  }
0x64: {  	s1 =	smov.u32 s25;
	_ =	swait.ge [sflag:s18], $0x1000  }
0x65: {  	s1 =	simm.s32 @!p0 $0x1;
	s11 =	rddreg [dreg:$0x5]  }
0x66: {  	s0 =	sadd.s32 s11, s1  }
0x67: {  	s30 =	sadd.s32 $0x1000, s30;
	s1 =	sshll.u32 s0, $0x11;
	s0 =	sshll.u32 s0, $0x4  }
0x68: {  	p1 =	sne.s32 s30, $0xC000;
	s1 =	sand.u32 $0x780000, s1;
	s0 =	sand.u32 $0x30, s0  }
.Ltmp0:
0x69: {  	s28 =	sadd.s32 $0x40000, s28;
	s0 =	sor.u32 s0, s1;
	(pc) =	sbr.rel @p1 .LBB2_2-.Ltmp0, $4  }
0x6a: {  	s26 =	sadd.s32 $0x20, s26;
	s25 =	sadd.s32 $0x2, s25;
	s0 =	sor.u32 s7, s0  }
0x6b: {  	p0 =	sne.s32 s29, $0x0;
	[sflag:s18] =	ssyncset.done $0x0;
	s0 =	sshrl.u32 s0, $0x3  }
0x6c: {  	s12 =	rddreg [dreg:$0x6];
	[sflag:s18] =	ssyncadd.s32 $0xFFFFF000;
	s31 =	sadd.s32 s4, s0  }
0x6d: {  	[hbm4b:s31+s15] =	stream.strided.scatter [tilespmem:s12], [sflag:$0x7], $0x1000, s16, s15, $0x38;
	[tilespmem:$0x7200] =	vst v63  }
0x6e: {  	_ =	swait.ge [sflag:s19], $0x1000  }
0x6f: {  	[sflag:s19] =	ssyncset.done $0x0  }
0x70: {  	s0 =	simm.s32 @p0 $0x5;
	s1 =	sadd.s32 $0x8, s31;
	[sflag:s19] =	ssyncadd.s32 $0xFFFFF000  }
0x71: {  	[hbm4b:s1+s15] =	stream.strided.scatter [tilespmem:s13], [sflag:$0x8], $0x1000, s16, s15, $0x38;
	[tilespmem:$0x7200] =	vst v63  }
0x72: {  	_ =	swait.ge @p0 [sflag:s0], $0x1000  }
0x73: {  	s3 =	simm.s32 @p0 $0x100;
	s5 =	simm.s32 @p0 $0x6;
	[sflag:s0] =	ssyncset.done @p0 $0x0  }
0x74: {  	s1 =	sshra.s32 @p0 s29, $0x2;
	[sflag:s0] =	ssyncadd.s32 @p0 $0xFFFFF000;
	s0 =	simm.s32 @p0 $0x3200  }
0x75: {  	[tilespmem:s0], [sflag:$0x1] =	stream.indirect.gather @p0 [hbm4b:s2+s3], $0x10, s1, s3, $0xb8;
	[tilespmem:$0x7200] =	vst v63  }
0x76: {  	_ =	swait.ge @p0 [sflag:s5], $0x1000  }
0x77: {  	[sflag:s5] =	ssyncset.done @p0 $0x0  }
0x78: {  	s0 =	sadd.s32 @p0 $0x100, s1;
	[sflag:s5] =	ssyncadd.s32 @p0 $0xFFFFF000;
	s5 =	simm.s32 @p0 $0x4200  }
0x79: {  	[tilespmem:s5], [sflag:$0x2] =	stream.indirect.gather @p0 [hbm4b:s2+s3], $0x10, s0, s3, $0xb8;
	[tilespmem:$0x7200] =	vst v63  }
0x7a: {  	s0 =	simm.s32 @p0 $0x7  }
0x7b: {  	_ =	swait.ge @p0 [sflag:s0], $0x1000  }
0x7c: {  	[sflag:s0] =	ssyncset.done @p0 $0x0  }
0x7d: {  	s1 =	sadd.s32 @p0 $0x200, s1;
	[sflag:s0] =	ssyncadd.s32 @p0 $0xFFFFF000;
	s0 =	simm.s32 @p0 $0x5200  }
0x7e: {  	[tilespmem:s0], [sflag:$0x3] =	stream.indirect.gather @p0 [hbm4b:s2+s3], $0x10, s1, s3, $0xb8;
	[tilespmem:$0x7200] =	vst v63  }
0x7f: {  	s0 =	simm.s32 @p0 $0x8  }
0x80: {  	_ =	swait.ge @p0 [sflag:s0], $0x1000  }
0x81: {  	s1 =	simm.s32 @!p0 $0x100;
	[sflag:s0] =	ssyncset.done @p0 $0x0  }
0x82: {  	s3 =	simm.s32 @!p0 $0x0;
	[sflag:s0] =	ssyncadd.s32 @p0 $0xFFFFF000;
	s0 =	simm.s32 @!p0 $0x3200  }
0x83: {  	[tilespmem:s0], [sflag:$0x1] =	stream.indirect.gather @!p0 [hbm4b:s2+s1], $0x10, s3, s1, $0xb8;
	[tilespmem:$0x7200] =	vst v63  }
0x84: {  	s0 =	simm.s32 @!p0 $0x4200  }
0x85: {  	[tilespmem:s0], [sflag:$0x2] =	stream.indirect.gather @!p0 [hbm4b:s2+s1], $0x10, s1, s1, $0xb8;
	[tilespmem:$0x7200] =	vst v63  }
0x86: {  	s3 =	simm.s32 @!p0 $0x200;
	s0 =	simm.s32 @!p0 $0x5200  }
0x87: {  	[tilespmem:s0], [sflag:$0x3] =	stream.indirect.gather @!p0 [hbm4b:s2+s1], $0x10, s3, s1, $0xb8;
	[tilespmem:$0x7200] =	vst v63  }
0x88: {  	s0 =	sadd.s32 @p0 $0x800, s29  }
0x89: {  	s0 =	simm.s32 @!p0 $0x800  }
0x8a: {  	s0 =	sshra.s32 s0, $0x2  }
0x8b: {  	s8 =	sand.u32 $0x780000, s28;
	s11 =	sand.u32 $0x30, s26;
	s0 =	sadd.s32 $0x100, s0  }
0x8c: {  	[tilespmem:s13], [sflag:$0x4] =	stream.indirect.gather [hbm4b:s2+s10], $0x10, s0, s10, $0xb8;
	[tilespmem:$0x7200] =	vst v63  }
0x8d: {  	s0 =	sor.u32 s11, s8  }
0x8e: {  	_ =	swait.ge [sflag:s14], $0x1000;
	s0 =	sor.u32 s7, s0  }
0x8f: {  	[sflag:s14] =	ssyncset.done $0x0;
	s0 =	sshrl.u32 s0, $0x3  }
0x90: {  	s12 =	rddreg [dreg:$0x3];
	[sflag:s14] =	ssyncadd.s32 $0xFFFFF000;
	s0 =	sadd.s32 s4, s0  }
0x91: {  	[hbm4b:s0+s15] =	stream.strided.scatter [tilespmem:s12], [sflag:$0x5], $0x1000, s16, s15, $0x38;
	[tilespmem:$0x7200] =	vst v63  }
0x92: {  	_ =	swait.ge [sflag:s17], $0x1000  }
0x93: {  	[sflag:s17] =	ssyncset.done $0x0  }
0x94: {  	s0 =	sadd.s32 $0x8, s0;
	s26 =	rddreg [dreg:$0x4];
	[sflag:s17] =	ssyncadd.s32 $0xFFFFF000  }
0x95: {  	[hbm4b:s0+s15] =	stream.strided.scatter [tilespmem:s26], [sflag:$0x6], $0x1000, s16, s15, $0x38;
	[tilespmem:$0x7200] =	vst v63  }
0x96: {  	_ =	swait.ge [sflag:s18], $0x1000  }
0x97: {  	s25 =	simm.s32 @!p0 $0x1;
	s28 =	rddreg [dreg:$0x5]  }
0x98: {  	s0 =	sadd.s32 s28, s25  }
0x99: {  	s29 =	sshll.u32 s0, $0x11;
	s0 =	sshll.u32 s0, $0x4  }
0x9a: {  	s1 =	sand.u32 $0x780000, s29;
	s0 =	sand.u32 $0x30, s0  }
0x9b: {  	s0 =	sor.u32 s0, s1  }
0x9c: {  	s0 =	sor.u32 s7, s0  }
0x9d: {  	[sflag:s18] =	ssyncset.done $0x0;
	s0 =	sshrl.u32 s0, $0x3  }
0x9e: {  	s30 =	rddreg [dreg:$0x6];
	[sflag:s18] =	ssyncadd.s32 $0xFFFFF000;
	s0 =	sadd.s32 s4, s0  }
0x9f: {  	[hbm4b:s0+s15] =	stream.strided.scatter [tilespmem:s30], [sflag:$0x7], $0x1000, s16, s15, $0x38;
	[tilespmem:$0x7200] =	vst v63  }
0xa0: {  	_ =	swait.ge [sflag:s19], $0x1000  }
0xa1: {  	[sflag:s19] =	ssyncset.done $0x0  }
0xa2: {  	s0 =	sadd.s32 $0x8, s0;
	[sflag:s19] =	ssyncadd.s32 $0xFFFFF000  }
0xa3: {  	[hbm4b:s0+s15] =	stream.strided.scatter [tilespmem:s13], [sflag:$0x8], $0x1000, s16, s15, $0x38;
	[tilespmem:$0x7200] =	vst v63  }
0xa4: {  	_ =	swait.ge [sflag:s20], $0x1000  }
0xa5: {  	[sflag:s20] =	ssyncset.done $0x0  }
0xa6: {  	[sflag:s20] =	ssyncadd.s32 $0xFFFFF000  }
0xa7: {  	_ =	swait.ge [sflag:s21], $0x1000  }
0xa8: {  	[sflag:s21] =	ssyncset.done $0x0  }
0xa9: {  	[sflag:s21] =	ssyncadd.s32 $0xFFFFF000  }
0xaa: {  	_ =	swait.ge [sflag:s22], $0x1000  }
0xab: {  	[sflag:s22] =	ssyncset.done $0x0  }
0xac: {  	[sflag:s22] =	ssyncadd.s32 $0xFFFFF000  }
0xad: {  	_ =	swait.ge [sflag:s23], $0x1000  }
0xae: {  	s24 =	sadd.s32 $0x1, s24;
	s31 =	rddreg [dreg:$0x8]  }
0xaf: {  	p0 =	sne.s32 s24, s31  }
.Ltmp1:
0xb0: {  	_ = 	snop;
	(pc) =	sbr.rel @p0 .LBB2_1-.Ltmp1, $3  }
0xb1: {  	_ =	sdelay $0x1  }
0xb2: {  	[sflag:s23] =	ssyncset.done $0x0  }
0xb3: {  	[sflag:s23] =	ssyncadd.s32 $0xFFFFF000  }
0xb4: {  	_ =	sfence.sel $0x180000  }
0xb5: {  	[bflag:$0x0] =	sbarrier.arrive $0xFFFF  }
0xb6: {  	_ =	strace $0x90000047  }
0xb7: {  	s0 =	stileid.u32;
	[bflag:$0x2] =	sbarrier.arrive $0xFFFF  }
0xb8: {  	p0 =	sne.s32 s0, $0x0;
	s0 =	rddreg [dreg:$0x2]  }
0xb9: {  	s0 =	sadd.s32 @!p0 $0x100000, s0  }
0xba: {  	[sflag:s0] =	ssyncadd.tile.s32 @!p0 $0x1;
	_ =	shalt  }
.Lfunc_end2:
_tile_overlayer_lowered:
.L_overlay_start_2:
0xbb: {  	(tag) =	ssettag $0x2  }
0xbc: {  	s0 =	rddreg [dreg:$0x0];
	s2 =	stileid.u32  }
0xbd: {  	s1 =	rddreg [dreg:$0x1];
	p0 =	sne.s32 s2, $0x0  }
0xbe: {  	s3 =	rddreg [dreg:$0x2];
	[bflag:$0x3] =	sbarrier.arrive $0xFFFF;
	s2 =	simm.s32 @!p0 $0x1C09  }
0xbf: {  	[timem:s3], [sflag:s2] =	dma.local @!p0 [hbm:s0], s1  }
0xc0: {  	s0 =	simm.s32 @!p0 $0x9  }
0xc1: {  	_ =	swait.ge @!p0 [sflag:s0], s1  }
0xc2: {  	s1 =	ssub.s32 @!p0 $0x0, s1;
	[sflag:s0] =	ssyncset.done @!p0 $0x0  }
0xc3: {  	[sflag:s0] =	ssyncadd.s32 @!p0 s1  }
0xc4: {  	[bflag:$0x3] =	sbarrier.arrive $0xFFFF  }
0xc5: {  	_ =	shalt  }

</sc_bundles>
